<compile_context>
chip_gen: v7x
topology: tpu7x:2x2x1
jax: 0.10.2.dev20260603
libtpu: 0.0.44.dev20260713+nightly
codegen_flags: <defaults>
</compile_context>

<pallas_src>
import functools

import jax
import jax.numpy as jnp
from jax import lax
from jax.experimental import pallas as pl
from jax.experimental.pallas import tpu as pltpu
from jax.experimental.pallas import tpu_sc as plsc

B, T = 1024, 50
NUM_FIELDS = 26
CONT_SIZE = 13
INPUT_SIZE = NUM_FIELDS + CONT_SIZE
VOCAB = 100000
D_MODEL = 32

N = B * T
NC, NS, LANES = 2, 16, 16
NW = NC * NS
TPW = N // NW

VCHUNK = 4096
NVC = 25
VP = NVC * VCHUNK
NGRP = 6
PD = 128

CT = 16
NCHUNK = TPW // CT
RPC = CT * NUM_FIELDS
GSUB = 32
NSUB = RPC // GSUB


def _tree_sum(vals):
    while len(vals) > 1:
        nxt = [vals[k] + vals[k + 1] for k in range(0, len(vals) - 1, 2)]
        if len(vals) % 2:
            nxt.append(vals[-1])
        vals = nxt
    return vals[0]




def _proj_body(tabT_ref, w_ref, out_ref):
    lhs = tabT_ref[...].reshape(tabT_ref.shape[0] * D_MODEL, VCHUNK)
    out_ref[0] = lax.dot_general(
        lhs, w_ref[...], (((0,), (1,)), ((), ())),
        preferred_element_type=jnp.float32,
    )


def _tc_project_main(tabT, w4):
    return pl.pallas_call(
        _proj_body,
        grid=(NGRP, NVC),
        in_specs=[
            pl.BlockSpec((4, D_MODEL, VCHUNK), lambda a, c: (a, 0, c)),
            pl.BlockSpec((PD, 4 * D_MODEL), lambda a, c: (0, 0)),
        ],
        out_specs=pl.BlockSpec((1, VCHUNK, PD), lambda a, c: (a, c, 0)),
        out_shape=jax.ShapeDtypeStruct((NGRP, VP, PD), jnp.float32),
    )(tabT, w4)


def _tc_project_tail(tabT, w2):
    return pl.pallas_call(
        _proj_body,
        grid=(1, NVC),
        in_specs=[
            pl.BlockSpec((2, D_MODEL, VCHUNK), lambda a, c: (12, 0, c)),
            pl.BlockSpec((PD, 2 * D_MODEL), lambda a, c: (0, 0)),
        ],
        out_specs=pl.BlockSpec((1, VCHUNK, PD), lambda a, c: (a, c, 0)),
        out_shape=jax.ShapeDtypeStruct((1, VP, PD), jnp.float32),
    )(tabT, w2)




def _sc_embed_body(
    x_hbm, tab_hbm, tail_hbm, emb_hbm,
    xv, rid_a, rid_b, rows_a, rows_b, emb_v, sem_a, sem_b,
):
    wid = lax.axis_index("s") * NC + lax.axis_index("c")
    base0 = wid * TPW
    iota = lax.iota(jnp.int32, LANES)
    rids = (rid_a, rid_b)
    rowss = (rows_a, rows_b)
    sems = (sem_a, sem_b)

    def fetch_and_fire(g, rid, rows, sem):
        base = base0 + g * CT
        pltpu.sync_copy(x_hbm.at[pl.ds(base, CT)], xv)
        for i in range(NUM_FIELDS):
            r = plsc.load_gather(xv, [iota, jnp.full((LANES,), i, jnp.int32)])
            grp = (i // 4) if i < 24 else 0
            f = i * CT
            rid[f // GSUB, pl.ds(f % GSUB, LANES)] = r + grp * VP
        for j in range(NSUB):
            pltpu.async_copy(
                (tab_hbm if j < NSUB - 1 else tail_hbm).at[rid.at[j]],
                rows.at[pl.ds(j * GSUB, GSUB)],
                sem,
            )

    def drain(rid, rows, sem):
        for j in range(NSUB):
            pltpu.make_async_copy(
                (tab_hbm if j < NSUB - 1 else tail_hbm).at[rid.at[j]],
                rows.at[pl.ds(j * GSUB, GSUB)],
                sem,
            ).wait()

    def accumulate(g, rows):
        @pl.loop(0, CT)
        def _acc(c):
            for half in range(2):
                vals = []
                for i in range(NUM_FIELDS):
                    slot = (i % 4) if i < 24 else (i - 24)
                    vals.append(
                        rows[i * CT + c,
                             pl.ds(slot * D_MODEL + half * LANES, LANES)]
                    )
                emb_v[c, pl.ds(half * LANES, LANES)] = _tree_sum(vals)

        pltpu.sync_copy(emb_v, emb_hbm.at[pl.ds(base0 + g * CT, CT)])

    fetch_and_fire(0, rid_a, rows_a, sem_a)

    @pl.loop(0, NCHUNK // 2)
    def _pair(h):
        for p in range(2):
            g = 2 * h + p
            nxt = jnp.minimum(g + 1, NCHUNK - 1)
            fetch_and_fire(nxt, rids[1 - p], rowss[1 - p], sems[1 - p])
            drain(rids[p], rowss[p], sems[p])
            accumulate(g, rowss[p])

    drain(rid_a, rows_a, sem_a)


_sc_embed = functools.partial(
    pl.kernel,
    out_type=jax.ShapeDtypeStruct((N, D_MODEL), jnp.float32),
    mesh=plsc.VectorSubcoreMesh(
        core_axis_name="c", subcore_axis_name="s", num_cores=NC, num_subcores=NS
    ),
    compiler_params=pltpu.CompilerParams(
        needs_layout_passes=False, use_tc_tiling_on_sc=True
    ),
    scratch_types=[
        pltpu.VMEM((CT, INPUT_SIZE), jnp.int32),
        pltpu.VMEM((NSUB, GSUB), jnp.int32),
        pltpu.VMEM((NSUB, GSUB), jnp.int32),
        pltpu.VMEM((RPC, PD), jnp.float32),
        pltpu.VMEM((RPC, PD), jnp.float32),
        pltpu.VMEM((CT, D_MODEL), jnp.float32),
        pltpu.SemaphoreType.DMA,
        pltpu.SemaphoreType.DMA,
    ],
)(_sc_embed_body)



ROWS_BLK = 2048


def _tc_cont_body(s_ref, x_ref, w_ref, b_ref, out_ref):
    cont = x_ref[:, NUM_FIELDS:].astype(jnp.float32)
    out = lax.dot_general(
        cont, w_ref[:, D_MODEL:], (((1,), (1,)), ((), ())),
        preferred_element_type=jnp.float32,
    )
    out_ref[...] = out + s_ref[...] + b_ref[...]


def _tc_cont(s, x2d, W, b2d):
    return pl.pallas_call(
        _tc_cont_body,
        grid=(N // ROWS_BLK,),
        in_specs=[
            pl.BlockSpec((ROWS_BLK, D_MODEL), lambda i: (i, 0)),
            pl.BlockSpec((ROWS_BLK, INPUT_SIZE), lambda i: (i, 0)),
            pl.BlockSpec((D_MODEL, D_MODEL + CONT_SIZE), lambda i: (0, 0)),
            pl.BlockSpec((1, D_MODEL), lambda i: (0, 0)),
        ],
        out_specs=pl.BlockSpec((ROWS_BLK, D_MODEL), lambda i: (i, 0)),
        out_shape=jax.ShapeDtypeStruct((N, D_MODEL), jnp.float32),
    )(s, x2d, W, b2d)


def kernel(x, tables, W, b):
    x2d = x.reshape(N, INPUT_SIZE).astype(jnp.int32)
    tabT = tables.transpose(0, 2, 1)
    We = W[:, :D_MODEL]
    w4 = jnp.kron(jnp.eye(4, dtype=jnp.float32), We)
    w2 = jnp.pad(jnp.kron(jnp.eye(2, dtype=jnp.float32), We), ((0, 64), (0, 0)))
    proj = _tc_project_main(tabT, w4).reshape(NGRP * VP, PD)
    tail = _tc_project_tail(tabT, w2).reshape(VP, PD)
    s = _sc_embed(x2d, proj, tail)
    out2d = _tc_cont(s, x2d, W, b.reshape(1, D_MODEL))
    return out2d.reshape(B, T, D_MODEL)

# --- scband reference (transcript-rebuilt; emitter-appended) ---
"""Pipeline reference for scband-embedder-89524298317896 (READ-ONLY COPY).

The authoritative reference and input builder live on the scoring server;
editing this copy changes nothing except your own understanding.
"""

import jax, jax.numpy as jnp
import numpy as np

B, T = 1024, 50
NUM_FIELDS = 26
CONT_SIZE = 13
INPUT_SIZE = NUM_FIELDS + CONT_SIZE
VOCAB = 100000
D_MODEL = 32


def setup_inputs(seed: int = 0) -> dict:
    key = jax.random.key(seed)
    k1, k2, k3 = jax.random.split(key, 3)
    # x holds categorical indices in the first 26 columns and (integer-valued)
    # continuous features in the last 13 columns, per the torch module's slicing.
    x = jax.random.randint(k1, (B, T, INPUT_SIZE), 0, VOCAB)
    # 26 embedding tables of shape [VOCAB+1, D_MODEL]; padding row (index VOCAB) is zeros
    tables = jax.random.normal(k2, (NUM_FIELDS, VOCAB + 1, D_MODEL), dtype=jnp.float32) * 0.02
    tables = tables.at[:, VOCAB, :].set(0.0)
    # nn.Linear(d_model + continuous_size, d_model)
    W = jax.random.normal(k3, (D_MODEL, D_MODEL + CONT_SIZE), dtype=jnp.float32) * 0.02
    b = jnp.zeros((D_MODEL,), dtype=jnp.float32)
    return {"x": x, "tables": tables, "W": W, "b": b}


def reference(x, tables, W, b):
    categorical = x[:, :, :NUM_FIELDS]
    continuous = x[:, :, NUM_FIELDS:].astype(jnp.float32)
    idx = categorical % (VOCAB + 1)
    # per-field embedding lookup, stacked on a new trailing axis then summed
    embedded = jnp.stack(
        [jnp.take(tables[i], idx[:, :, i], axis=0) for i in range(NUM_FIELDS)], axis=-1
    ).sum(axis=-1)
    cat = jnp.concatenate([embedded, continuous], axis=2)
    out = cat @ W.T + b
    return out

if __name__ == "__main__":
    import jax
    _d = setup_inputs()
    print(jax.jit(kernel)(*tuple(_d.values())))

</pallas_src>

<mosaic_0001>
#map = affine_map<(d0, d1) -> (0, 0)>
module attributes {stable_mosaic.version = 14 : i64} {
  func.func @_sc_embed_body(%arg0: i32, %arg1: i32, %arg2: memref<51200x39xi32, #tpu.memory_space<hbm>>, %arg3: memref<614400x128xf32, #tpu.memory_space<hbm>>, %arg4: memref<102400x128xf32, #tpu.memory_space<hbm>>, %arg5: memref<51200x32xf32, #tpu.memory_space<hbm>>, %arg6: memref<16x39xi32, #tpu.memory_space<vmem>>, %arg7: memref<13x32xi32, #tpu.memory_space<vmem>>, %arg8: memref<13x32xi32, #tpu.memory_space<vmem>>, %arg9: memref<416x128xf32, #tpu.memory_space<vmem>>, %arg10: memref<416x128xf32, #tpu.memory_space<vmem>>, %arg11: memref<16x32xf32, #tpu.memory_space<vmem>>, %arg12: memref<!tpu.dma_semaphore, #tpu.memory_space<semaphore_mem>>, %arg13: memref<!tpu.dma_semaphore, #tpu.memory_space<semaphore_mem>>) attributes {dimension_semantics = [#tpu.dimension_semantics<core_parallel>, #tpu.dimension_semantics<subcore_parallel>], iteration_bounds = array<i64: 2, 16>, scalar_prefetch = 0 : i64, scratch_operands = 8 : i64, tpu.core_type = #tpu.core_type<sc_vector_subcore>, window_params = [{transform_indices = #map}, {transform_indices = #map}, {transform_indices = #map}, {transform_indices = #map}]} {
    %mul3A = arith.constant 2 : i32
    %mul3A_0 = arith.muli %arg1, %mul3A : i32
    %add3A = arith.addi %mul3A_0, %arg0 : i32
    %mul3A_1 = arith.constant 1600 : i32
    %mul3A_2 = arith.muli %add3A, %mul3A_1 : i32
    %iota3A = tpu.iota {dimensions = array<i32: 0>} : vector<16xi32>
    %add3A_3 = arith.constant 0 : i32
    %add3A_4 = arith.addi %mul3A_2, %add3A_3 : i32
    "tpu.region"() ({
      %run_scoped3A = tpu.sem_alloc : memref<!tpu.dma_semaphore, #tpu.memory_space<semaphore_mem>>
      %dma_start3A_524 = arith.constant 0 : i32
      %dma_start3A_525 = tpu.memref_slice %arg2[%add3A_4, %dma_start3A_524] : memref<51200x39xi32, #tpu.memory_space<hbm>> -> memref<16x39xi32, #tpu.memory_space<hbm>>
      %dma_start3A_526 = arith.constant 0 : i32
      %dma_start3A_527 = tpu.memref_slice %arg2[%add3A_4, %dma_start3A_526] : memref<51200x39xi32, #tpu.memory_space<hbm>> -> memref<16x39xi32, #tpu.memory_space<hbm>>
      tpu.enqueue_dma source(%dma_start3A_527 : memref<16x39xi32, #tpu.memory_space<hbm>>) target(%arg6 : memref<16x39xi32, #tpu.memory_space<vmem>>) target_semaphore(%run_scoped3A : memref<!tpu.dma_semaphore, #tpu.memory_space<semaphore_mem>>)
      %dma_wait3A_528 = arith.constant 0 : i32
      %dma_wait3A_529 = tpu.memref_slice %arg2[%add3A_4, %dma_wait3A_528] : memref<51200x39xi32, #tpu.memory_space<hbm>> -> memref<16x39xi32, #tpu.memory_space<hbm>>
      %dma_wait3A_530 = arith.constant 0 : i32
      %dma_wait3A_531 = tpu.memref_slice %arg2[%add3A_4, %dma_wait3A_530] : memref<51200x39xi32, #tpu.memory_space<hbm>> -> memref<16x39xi32, #tpu.memory_space<hbm>>
      tpu.wait_dma2 semaphore(%run_scoped3A : memref<!tpu.dma_semaphore, #tpu.memory_space<semaphore_mem>>) src(%dma_wait3A_531 : memref<16x39xi32, #tpu.memory_space<hbm>>) dst(%arg6 : memref<16x39xi32, #tpu.memory_space<vmem>>)
      tpu.yield
    }) : () -> ()
    %broadcast_in_dim3A = arith.constant 0 : i32
    %broadcast_in_dim3A_5 = vector.broadcast %broadcast_in_dim3A : i32 to vector<16xi32>
    %gather3A = tpu.vector_load_idx %arg6[%iota3A, %broadcast_in_dim3A_5] : memref<16x39xi32, #tpu.memory_space<vmem>>[vector<16xi32>, vector<16xi32>], vector<16xi32>,
    %add3A_6 = arith.constant 0 : i32
    %add3A_7 = vector.broadcast %add3A_6 : i32 to vector<16xi32>
    %add3A_8 = arith.addi %gather3A, %add3A_7 : vector<16xi32>
    %swap3A = arith.constant 0 : i32
    %swap3A_9 = arith.index_cast %swap3A : i32 to index
    %swap3A_10 = arith.constant 0 : index
    %swap3A_11 = tpu.vector_load %arg7[%swap3A_9, %swap3A_10] {strides = array<i32>} : memref<13x32xi32, #tpu.memory_space<vmem>>, vector<16xi32>,
    tpu.vector_store %arg7[%swap3A_9, %swap3A_10], %add3A_8 {strides = array<i32>} : memref<13x32xi32, #tpu.memory_space<vmem>>, vector<16xi32>,
    %broadcast_in_dim3A_12 = arith.constant 1 : i32
    %broadcast_in_dim3A_13 = vector.broadcast %broadcast_in_dim3A_12 : i32 to vector<16xi32>
    %gather3A_14 = tpu.vector_load_idx %arg6[%iota3A, %broadcast_in_dim3A_13] : memref<16x39xi32, #tpu.memory_space<vmem>>[vector<16xi32>, vector<16xi32>], vector<16xi32>,
    %add3A_15 = arith.constant 0 : i32
    %add3A_16 = vector.broadcast %add3A_15 : i32 to vector<16xi32>
    %add3A_17 = arith.addi %gather3A_14, %add3A_16 : vector<16xi32>
    %swap3A_18 = arith.constant 0 : i32
    %swap3A_19 = arith.index_cast %swap3A_18 : i32 to index
    %swap3A_20 = arith.constant 16 : index
    %swap3A_21 = tpu.vector_load %arg7[%swap3A_19, %swap3A_20] {strides = array<i32>} : memref<13x32xi32, #tpu.memory_space<vmem>>, vector<16xi32>,
    tpu.vector_store %arg7[%swap3A_19, %swap3A_20], %add3A_17 {strides = array<i32>} : memref<13x32xi32, #tpu.memory_space<vmem>>, vector<16xi32>,
    %broadcast_in_dim3A_22 = arith.constant 2 : i32
    %broadcast_in_dim3A_23 = vector.broadcast %broadcast_in_dim3A_22 : i32 to vector<16xi32>
    %gather3A_24 = tpu.vector_load_idx %arg6[%iota3A, %broadcast_in_dim3A_23] : memref<16x39xi32, #tpu.memory_space<vmem>>[vector<16xi32>, vector<16xi32>], vector<16xi32>,
    %add3A_25 = arith.constant 0 : i32
    %add3A_26 = vector.broadcast %add3A_25 : i32 to vector<16xi32>
    %add3A_27 = arith.addi %gather3A_24, %add3A_26 : vector<16xi32>
    %swap3A_28 = arith.constant 1 : i32
    %swap3A_29 = arith.index_cast %swap3A_28 : i32 to index
    %swap3A_30 = arith.constant 0 : index
    %swap3A_31 = tpu.vector_load %arg7[%swap3A_29, %swap3A_30] {strides = array<i32>} : memref<13x32xi32, #tpu.memory_space<vmem>>, vector<16xi32>,
    tpu.vector_store %arg7[%swap3A_29, %swap3A_30], %add3A_27 {strides = array<i32>} : memref<13x32xi32, #tpu.memory_space<vmem>>, vector<16xi32>,
    %broadcast_in_dim3A_32 = arith.constant 3 : i32
    %broadcast_in_dim3A_33 = vector.broadcast %broadcast_in_dim3A_32 : i32 to vector<16xi32>
    %gather3A_34 = tpu.vector_load_idx %arg6[%iota3A, %broadcast_in_dim3A_33] : memref<16x39xi32, #tpu.memory_space<vmem>>[vector<16xi32>, vector<16xi32>], vector<16xi32>,
    %add3A_35 = arith.constant 0 : i32
    %add3A_36 = vector.broadcast %add3A_35 : i32 to vector<16xi32>
    %add3A_37 = arith.addi %gather3A_34, %add3A_36 : vector<16xi32>
    %swap3A_38 = arith.constant 1 : i32
    %swap3A_39 = arith.index_cast %swap3A_38 : i32 to index
    %swap3A_40 = arith.constant 16 : index
    %swap3A_41 = tpu.vector_load %arg7[%swap3A_39, %swap3A_40] {strides = array<i32>} : memref<13x32xi32, #tpu.memory_space<vmem>>, vector<16xi32>,
    tpu.vector_store %arg7[%swap3A_39, %swap3A_40], %add3A_37 {strides = array<i32>} : memref<13x32xi32, #tpu.memory_space<vmem>>, vector<16xi32>,
    %broadcast_in_dim3A_42 = arith.constant 4 : i32
    %broadcast_in_dim3A_43 = vector.broadcast %broadcast_in_dim3A_42 : i32 to vector<16xi32>
    %gather3A_44 = tpu.vector_load_idx %arg6[%iota3A, %broadcast_in_dim3A_43] : memref<16x39xi32, #tpu.memory_space<vmem>>[vector<16xi32>, vector<16xi32>], vector<16xi32>,
    %add3A_45 = arith.constant 102400 : i32
    %add3A_46 = vector.broadcast %add3A_45 : i32 to vector<16xi32>
    %add3A_47 = arith.addi %gather3A_44, %add3A_46 : vector<16xi32>
    %swap3A_48 = arith.constant 2 : i32
    %swap3A_49 = arith.index_cast %swap3A_48 : i32 to index
    %swap3A_50 = arith.constant 0 : index
    %swap3A_51 = tpu.vector_load %arg7[%swap3A_49, %swap3A_50] {strides = array<i32>} : memref<13x32xi32, #tpu.memory_space<vmem>>, vector<16xi32>,
    tpu.vector_store %arg7[%swap3A_49, %swap3A_50], %add3A_47 {strides = array<i32>} : memref<13x32xi32, #tpu.memory_space<vmem>>, vector<16xi32>,
    %broadcast_in_dim3A_52 = arith.constant 5 : i32
    %broadcast_in_dim3A_53 = vector.broadcast %broadcast_in_dim3A_52 : i32 to vector<16xi32>
    %gather3A_54 = tpu.vector_load_idx %arg6[%iota3A, %broadcast_in_dim3A_53] : memref<16x39xi32, #tpu.memory_space<vmem>>[vector<16xi32>, vector<16xi32>], vector<16xi32>,
    %add3A_55 = arith.constant 102400 : i32
    %add3A_56 = vector.broadcast %add3A_55 : i32 to vector<16xi32>
    %add3A_57 = arith.addi %gather3A_54, %add3A_56 : vector<16xi32>
    %swap3A_58 = arith.constant 2 : i32
    %swap3A_59 = arith.index_cast %swap3A_58 : i32 to index
    %swap3A_60 = arith.constant 16 : index
    %swap3A_61 = tpu.vector_load %arg7[%swap3A_59, %swap3A_60] {strides = array<i32>} : memref<13x32xi32, #tpu.memory_space<vmem>>, vector<16xi32>,
    tpu.vector_store %arg7[%swap3A_59, %swap3A_60], %add3A_57 {strides = array<i32>} : memref<13x32xi32, #tpu.memory_space<vmem>>, vector<16xi32>,
    %broadcast_in_dim3A_62 = arith.constant 6 : i32
    %broadcast_in_dim3A_63 = vector.broadcast %broadcast_in_dim3A_62 : i32 to vector<16xi32>
    %gather3A_64 = tpu.vector_load_idx %arg6[%iota3A, %broadcast_in_dim3A_63] : memref<16x39xi32, #tpu.memory_space<vmem>>[vector<16xi32>, vector<16xi32>], vector<16xi32>,
    %add3A_65 = arith.constant 102400 : i32
    %add3A_66 = vector.broadcast %add3A_65 : i32 to vector<16xi32>
    %add3A_67 = arith.addi %gather3A_64, %add3A_66 : vector<16xi32>
    %swap3A_68 = arith.constant 3 : i32
    %swap3A_69 = arith.index_cast %swap3A_68 : i32 to index
    %swap3A_70 = arith.constant 0 : index
    %swap3A_71 = tpu.vector_load %arg7[%swap3A_69, %swap3A_70] {strides = array<i32>} : memref<13x32xi32, #tpu.memory_space<vmem>>, vector<16xi32>,
    tpu.vector_store %arg7[%swap3A_69, %swap3A_70], %add3A_67 {strides = array<i32>} : memref<13x32xi32, #tpu.memory_space<vmem>>, vector<16xi32>,
    %broadcast_in_dim3A_72 = arith.constant 7 : i32
    %broadcast_in_dim3A_73 = vector.broadcast %broadcast_in_dim3A_72 : i32 to vector<16xi32>
    %gather3A_74 = tpu.vector_load_idx %arg6[%iota3A, %broadcast_in_dim3A_73] : memref<16x39xi32, #tpu.memory_space<vmem>>[vector<16xi32>, vector<16xi32>], vector<16xi32>,
    %add3A_75 = arith.constant 102400 : i32
    %add3A_76 = vector.broadcast %add3A_75 : i32 to vector<16xi32>
    %add3A_77 = arith.addi %gather3A_74, %add3A_76 : vector<16xi32>
    %swap3A_78 = arith.constant 3 : i32
    %swap3A_79 = arith.index_cast %swap3A_78 : i32 to index
    %swap3A_80 = arith.constant 16 : index
    %swap3A_81 = tpu.vector_load %arg7[%swap3A_79, %swap3A_80] {strides = array<i32>} : memref<13x32xi32, #tpu.memory_space<vmem>>, vector<16xi32>,
    tpu.vector_store %arg7[%swap3A_79, %swap3A_80], %add3A_77 {strides = array<i32>} : memref<13x32xi32, #tpu.memory_space<vmem>>, vector<16xi32>,
    %broadcast_in_dim3A_82 = arith.constant 8 : i32
    %broadcast_in_dim3A_83 = vector.broadcast %broadcast_in_dim3A_82 : i32 to vector<16xi32>
    %gather3A_84 = tpu.vector_load_idx %arg6[%iota3A, %broadcast_in_dim3A_83] : memref<16x39xi32, #tpu.memory_space<vmem>>[vector<16xi32>, vector<16xi32>], vector<16xi32>,
    %add3A_85 = arith.constant 204800 : i32
    %add3A_86 = vector.broadcast %add3A_85 : i32 to vector<16xi32>
    %add3A_87 = arith.addi %gather3A_84, %add3A_86 : vector<16xi32>
    %swap3A_88 = arith.constant 4 : i32
    %swap3A_89 = arith.index_cast %swap3A_88 : i32 to index
    %swap3A_90 = arith.constant 0 : index
    %swap3A_91 = tpu.vector_load %arg7[%swap3A_89, %swap3A_90] {strides = array<i32>} : memref<13x32xi32, #tpu.memory_space<vmem>>, vector<16xi32>,
    tpu.vector_store %arg7[%swap3A_89, %swap3A_90], %add3A_87 {strides = array<i32>} : memref<13x32xi32, #tpu.memory_space<vmem>>, vector<16xi32>,
    %broadcast_in_dim3A_92 = arith.constant 9 : i32
    %broadcast_in_dim3A_93 = vector.broadcast %broadcast_in_dim3A_92 : i32 to vector<16xi32>
    %gather3A_94 = tpu.vector_load_idx %arg6[%iota3A, %broadcast_in_dim3A_93] : memref<16x39xi32, #tpu.memory_space<vmem>>[vector<16xi32>, vector<16xi32>], vector<16xi32>,
    %add3A_95 = arith.constant 204800 : i32
    %add3A_96 = vector.broadcast %add3A_95 : i32 to vector<16xi32>
    %add3A_97 = arith.addi %gather3A_94, %add3A_96 : vector<16xi32>
    %swap3A_98 = arith.constant 4 : i32
    %swap3A_99 = arith.index_cast %swap3A_98 : i32 to index
    %swap3A_100 = arith.constant 16 : index
    %swap3A_101 = tpu.vector_load %arg7[%swap3A_99, %swap3A_100] {strides = array<i32>} : memref<13x32xi32, #tpu.memory_space<vmem>>, vector<16xi32>,
    tpu.vector_store %arg7[%swap3A_99, %swap3A_100], %add3A_97 {strides = array<i32>} : memref<13x32xi32, #tpu.memory_space<vmem>>, vector<16xi32>,
    %broadcast_in_dim3A_102 = arith.constant 10 : i32
    %broadcast_in_dim3A_103 = vector.broadcast %broadcast_in_dim3A_102 : i32 to vector<16xi32>
    %gather3A_104 = tpu.vector_load_idx %arg6[%iota3A, %broadcast_in_dim3A_103] : memref<16x39xi32, #tpu.memory_space<vmem>>[vector<16xi32>, vector<16xi32>], vector<16xi32>,
    %add3A_105 = arith.constant 204800 : i32
    %add3A_106 = vector.broadcast %add3A_105 : i32 to vector<16xi32>
    %add3A_107 = arith.addi %gather3A_104, %add3A_106 : vector<16xi32>
    %swap3A_108 = arith.constant 5 : i32
    %swap3A_109 = arith.index_cast %swap3A_108 : i32 to index
    %swap3A_110 = arith.constant 0 : index
    %swap3A_111 = tpu.vector_load %arg7[%swap3A_109, %swap3A_110] {strides = array<i32>} : memref<13x32xi32, #tpu.memory_space<vmem>>, vector<16xi32>,
    tpu.vector_store %arg7[%swap3A_109, %swap3A_110], %add3A_107 {strides = array<i32>} : memref<13x32xi32, #tpu.memory_space<vmem>>, vector<16xi32>,
    %broadcast_in_dim3A_112 = arith.constant 11 : i32
    %broadcast_in_dim3A_113 = vector.broadcast %broadcast_in_dim3A_112 : i32 to vector<16xi32>
    %gather3A_114 = tpu.vector_load_idx %arg6[%iota3A, %broadcast_in_dim3A_113] : memref<16x39xi32, #tpu.memory_space<vmem>>[vector<16xi32>, vector<16xi32>], vector<16xi32>,
    %add3A_115 = arith.constant 204800 : i32
    %add3A_116 = vector.broadcast %add3A_115 : i32 to vector<16xi32>
    %add3A_117 = arith.addi %gather3A_114, %add3A_116 : vector<16xi32>
    %swap3A_118 = arith.constant 5 : i32
    %swap3A_119 = arith.index_cast %swap3A_118 : i32 to index
    %swap3A_120 = arith.constant 16 : index
    %swap3A_121 = tpu.vector_load %arg7[%swap3A_119, %swap3A_120] {strides = array<i32>} : memref<13x32xi32, #tpu.memory_space<vmem>>, vector<16xi32>,
    tpu.vector_store %arg7[%swap3A_119, %swap3A_120], %add3A_117 {strides = array<i32>} : memref<13x32xi32, #tpu.memory_space<vmem>>, vector<16xi32>,
    %broadcast_in_dim3A_122 = arith.constant 12 : i32
    %broadcast_in_dim3A_123 = vector.broadcast %broadcast_in_dim3A_122 : i32 to vector<16xi32>
    %gather3A_124 = tpu.vector_load_idx %arg6[%iota3A, %broadcast_in_dim3A_123] : memref<16x39xi32, #tpu.memory_space<vmem>>[vector<16xi32>, vector<16xi32>], vector<16xi32>,
    %add3A_125 = arith.constant 307200 : i32
    %add3A_126 = vector.broadcast %add3A_125 : i32 to vector<16xi32>
    %add3A_127 = arith.addi %gather3A_124, %add3A_126 : vector<16xi32>
    %swap3A_128 = arith.constant 6 : i32
    %swap3A_129 = arith.index_cast %swap3A_128 : i32 to index
    %swap3A_130 = arith.constant 0 : index
    %swap3A_131 = tpu.vector_load %arg7[%swap3A_129, %swap3A_130] {strides = array<i32>} : memref<13x32xi32, #tpu.memory_space<vmem>>, vector<16xi32>,
    tpu.vector_store %arg7[%swap3A_129, %swap3A_130], %add3A_127 {strides = array<i32>} : memref<13x32xi32, #tpu.memory_space<vmem>>, vector<16xi32>,
    %broadcast_in_dim3A_132 = arith.constant 13 : i32
    %broadcast_in_dim3A_133 = vector.broadcast %broadcast_in_dim3A_132 : i32 to vector<16xi32>
    %gather3A_134 = tpu.vector_load_idx %arg6[%iota3A, %broadcast_in_dim3A_133] : memref<16x39xi32, #tpu.memory_space<vmem>>[vector<16xi32>, vector<16xi32>], vector<16xi32>,
    %add3A_135 = arith.constant 307200 : i32
    %add3A_136 = vector.broadcast %add3A_135 : i32 to vector<16xi32>
    %add3A_137 = arith.addi %gather3A_134, %add3A_136 : vector<16xi32>
    %swap3A_138 = arith.constant 6 : i32
    %swap3A_139 = arith.index_cast %swap3A_138 : i32 to index
    %swap3A_140 = arith.constant 16 : index
    %swap3A_141 = tpu.vector_load %arg7[%swap3A_139, %swap3A_140] {strides = array<i32>} : memref<13x32xi32, #tpu.memory_space<vmem>>, vector<16xi32>,
    tpu.vector_store %arg7[%swap3A_139, %swap3A_140], %add3A_137 {strides = array<i32>} : memref<13x32xi32, #tpu.memory_space<vmem>>, vector<16xi32>,
    %broadcast_in_dim3A_142 = arith.constant 14 : i32
    %broadcast_in_dim3A_143 = vector.broadcast %broadcast_in_dim3A_142 : i32 to vector<16xi32>
    %gather3A_144 = tpu.vector_load_idx %arg6[%iota3A, %broadcast_in_dim3A_143] : memref<16x39xi32, #tpu.memory_space<vmem>>[vector<16xi32>, vector<16xi32>], vector<16xi32>,
    %add3A_145 = arith.constant 307200 : i32
    %add3A_146 = vector.broadcast %add3A_145 : i32 to vector<16xi32>
    %add3A_147 = arith.addi %gather3A_144, %add3A_146 : vector<16xi32>
    %swap3A_148 = arith.constant 7 : i32
    %swap3A_149 = arith.index_cast %swap3A_148 : i32 to index
    %swap3A_150 = arith.constant 0 : index
    %swap3A_151 = tpu.vector_load %arg7[%swap3A_149, %swap3A_150] {strides = array<i32>} : memref<13x32xi32, #tpu.memory_space<vmem>>, vector<16xi32>,
    tpu.vector_store %arg7[%swap3A_149, %swap3A_150], %add3A_147 {strides = array<i32>} : memref<13x32xi32, #tpu.memory_space<vmem>>, vector<16xi32>,
    %broadcast_in_dim3A_152 = arith.constant 15 : i32
    %broadcast_in_dim3A_153 = vector.broadcast %broadcast_in_dim3A_152 : i32 to vector<16xi32>
    %gather3A_154 = tpu.vector_load_idx %arg6[%iota3A, %broadcast_in_dim3A_153] : memref<16x39xi32, #tpu.memory_space<vmem>>[vector<16xi32>, vector<16xi32>], vector<16xi32>,
    %add3A_155 = arith.constant 307200 : i32
    %add3A_156 = vector.broadcast %add3A_155 : i32 to vector<16xi32>
    %add3A_157 = arith.addi %gather3A_154, %add3A_156 : vector<16xi32>
    %swap3A_158 = arith.constant 7 : i32
    %swap3A_159 = arith.index_cast %swap3A_158 : i32 to index
    %swap3A_160 = arith.constant 16 : index
    %swap3A_161 = tpu.vector_load %arg7[%swap3A_159, %swap3A_160] {strides = array<i32>} : memref<13x32xi32, #tpu.memory_space<vmem>>, vector<16xi32>,
    tpu.vector_store %arg7[%swap3A_159, %swap3A_160], %add3A_157 {strides = array<i32>} : memref<13x32xi32, #tpu.memory_space<vmem>>, vector<16xi32>,
    %broadcast_in_dim3A_162 = arith.constant 16 : i32
    %broadcast_in_dim3A_163 = vector.broadcast %broadcast_in_dim3A_162 : i32 to vector<16xi32>
    %gather3A_164 = tpu.vector_load_idx %arg6[%iota3A, %broadcast_in_dim3A_163] : memref<16x39xi32, #tpu.memory_space<vmem>>[vector<16xi32>, vector<16xi32>], vector<16xi32>,
    %add3A_165 = arith.constant 409600 : i32
    %add3A_166 = vector.broadcast %add3A_165 : i32 to vector<16xi32>
    %add3A_167 = arith.addi %gather3A_164, %add3A_166 : vector<16xi32>
    %swap3A_168 = arith.constant 8 : i32
    %swap3A_169 = arith.index_cast %swap3A_168 : i32 to index
    %swap3A_170 = arith.constant 0 : index
    %swap3A_171 = tpu.vector_load %arg7[%swap3A_169, %swap3A_170] {strides = array<i32>} : memref<13x32xi32, #tpu.memory_space<vmem>>, vector<16xi32>,
    tpu.vector_store %arg7[%swap3A_169, %swap3A_170], %add3A_167 {strides = array<i32>} : memref<13x32xi32, #tpu.memory_space<vmem>>, vector<16xi32>,
    %broadcast_in_dim3A_172 = arith.constant 17 : i32
    %broadcast_in_dim3A_173 = vector.broadcast %broadcast_in_dim3A_172 : i32 to vector<16xi32>
    %gather3A_174 = tpu.vector_load_idx %arg6[%iota3A, %broadcast_in_dim3A_173] : memref<16x39xi32, #tpu.memory_space<vmem>>[vector<16xi32>, vector<16xi32>], vector<16xi32>,
    %add3A_175 = arith.constant 409600 : i32
    %add3A_176 = vector.broadcast %add3A_175 : i32 to vector<16xi32>
    %add3A_177 = arith.addi %gather3A_174, %add3A_176 : vector<16xi32>
    %swap3A_178 = arith.constant 8 : i32
    %swap3A_179 = arith.index_cast %swap3A_178 : i32 to index
    %swap3A_180 = arith.constant 16 : index
    %swap3A_181 = tpu.vector_load %arg7[%swap3A_179, %swap3A_180] {strides = array<i32>} : memref<13x32xi32, #tpu.memory_space<vmem>>, vector<16xi32>,
    tpu.vector_store %arg7[%swap3A_179, %swap3A_180], %add3A_177 {strides = array<i32>} : memref<13x32xi32, #tpu.memory_space<vmem>>, vector<16xi32>,
    %broadcast_in_dim3A_182 = arith.constant 18 : i32
    %broadcast_in_dim3A_183 = vector.broadcast %broadcast_in_dim3A_182 : i32 to vector<16xi32>
    %gather3A_184 = tpu.vector_load_idx %arg6[%iota3A, %broadcast_in_dim3A_183] : memref<16x39xi32, #tpu.memory_space<vmem>>[vector<16xi32>, vector<16xi32>], vector<16xi32>,
    %add3A_185 = arith.constant 409600 : i32
    %add3A_186 = vector.broadcast %add3A_185 : i32 to vector<16xi32>
    %add3A_187 = arith.addi %gather3A_184, %add3A_186 : vector<16xi32>
    %swap3A_188 = arith.constant 9 : i32
    %swap3A_189 = arith.index_cast %swap3A_188 : i32 to index
    %swap3A_190 = arith.constant 0 : index
    %swap3A_191 = tpu.vector_load %arg7[%swap3A_189, %swap3A_190] {strides = array<i32>} : memref<13x32xi32, #tpu.memory_space<vmem>>, vector<16xi32>,
    tpu.vector_store %arg7[%swap3A_189, %swap3A_190], %add3A_187 {strides = array<i32>} : memref<13x32xi32, #tpu.memory_space<vmem>>, vector<16xi32>,
    %broadcast_in_dim3A_192 = arith.constant 19 : i32
    %broadcast_in_dim3A_193 = vector.broadcast %broadcast_in_dim3A_192 : i32 to vector<16xi32>
    %gather3A_194 = tpu.vector_load_idx %arg6[%iota3A, %broadcast_in_dim3A_193] : memref<16x39xi32, #tpu.memory_space<vmem>>[vector<16xi32>, vector<16xi32>], vector<16xi32>,
    %add3A_195 = arith.constant 409600 : i32
    %add3A_196 = vector.broadcast %add3A_195 : i32 to vector<16xi32>
    %add3A_197 = arith.addi %gather3A_194, %add3A_196 : vector<16xi32>
    %swap3A_198 = arith.constant 9 : i32
    %swap3A_199 = arith.index_cast %swap3A_198 : i32 to index
    %swap3A_200 = arith.constant 16 : index
    %swap3A_201 = tpu.vector_load %arg7[%swap3A_199, %swap3A_200] {strides = array<i32>} : memref<13x32xi32, #tpu.memory_space<vmem>>, vector<16xi32>,
    tpu.vector_store %arg7[%swap3A_199, %swap3A_200], %add3A_197 {strides = array<i32>} : memref<13x32xi32, #tpu.memory_space<vmem>>, vector<16xi32>,
    %broadcast_in_dim3A_202 = arith.constant 20 : i32
    %broadcast_in_dim3A_203 = vector.broadcast %broadcast_in_dim3A_202 : i32 to vector<16xi32>
    %gather3A_204 = tpu.vector_load_idx %arg6[%iota3A, %broadcast_in_dim3A_203] : memref<16x39xi32, #tpu.memory_space<vmem>>[vector<16xi32>, vector<16xi32>], vector<16xi32>,
    %add3A_205 = arith.constant 512000 : i32
    %add3A_206 = vector.broadcast %add3A_205 : i32 to vector<16xi32>
    %add3A_207 = arith.addi %gather3A_204, %add3A_206 : vector<16xi32>
    %swap3A_208 = arith.constant 10 : i32
    %swap3A_209 = arith.index_cast %swap3A_208 : i32 to index
    %swap3A_210 = arith.constant 0 : index
    %swap3A_211 = tpu.vector_load %arg7[%swap3A_209, %swap3A_210] {strides = array<i32>} : memref<13x32xi32, #tpu.memory_space<vmem>>, vector<16xi32>,
    tpu.vector_store %arg7[%swap3A_209, %swap3A_210], %add3A_207 {strides = array<i32>} : memref<13x32xi32, #tpu.memory_space<vmem>>, vector<16xi32>,
    %broadcast_in_dim3A_212 = arith.constant 21 : i32
    %broadcast_in_dim3A_213 = vector.broadcast %broadcast_in_dim3A_212 : i32 to vector<16xi32>
    %gather3A_214 = tpu.vector_load_idx %arg6[%iota3A, %broadcast_in_dim3A_213] : memref<16x39xi32, #tpu.memory_space<vmem>>[vector<16xi32>, vector<16xi32>], vector<16xi32>,
    %add3A_215 = arith.constant 512000 : i32
    %add3A_216 = vector.broadcast %add3A_215 : i32 to vector<16xi32>
    %add3A_217 = arith.addi %gather3A_214, %add3A_216 : vector<16xi32>
    %swap3A_218 = arith.constant 10 : i32
    %swap3A_219 = arith.index_cast %swap3A_218 : i32 to index
    %swap3A_220 = arith.constant 16 : index
    %swap3A_221 = tpu.vector_load %arg7[%swap3A_219, %swap3A_220] {strides = array<i32>} : memref<13x32xi32, #tpu.memory_space<vmem>>, vector<16xi32>,
    tpu.vector_store %arg7[%swap3A_219, %swap3A_220], %add3A_217 {strides = array<i32>} : memref<13x32xi32, #tpu.memory_space<vmem>>, vector<16xi32>,
    %broadcast_in_dim3A_222 = arith.constant 22 : i32
    %broadcast_in_dim3A_223 = vector.broadcast %broadcast_in_dim3A_222 : i32 to vector<16xi32>
    %gather3A_224 = tpu.vector_load_idx %arg6[%iota3A, %broadcast_in_dim3A_223] : memref<16x39xi32, #tpu.memory_space<vmem>>[vector<16xi32>, vector<16xi32>], vector<16xi32>,
    %add3A_225 = arith.constant 512000 : i32
    %add3A_226 = vector.broadcast %add3A_225 : i32 to vector<16xi32>
    %add3A_227 = arith.addi %gather3A_224, %add3A_226 : vector<16xi32>
    %swap3A_228 = arith.constant 11 : i32
    %swap3A_229 = arith.index_cast %swap3A_228 : i32 to index
    %swap3A_230 = arith.constant 0 : index
    %swap3A_231 = tpu.vector_load %arg7[%swap3A_229, %swap3A_230] {strides = array<i32>} : memref<13x32xi32, #tpu.memory_space<vmem>>, vector<16xi32>,
    tpu.vector_store %arg7[%swap3A_229, %swap3A_230], %add3A_227 {strides = array<i32>} : memref<13x32xi32, #tpu.memory_space<vmem>>, vector<16xi32>,
    %broadcast_in_dim3A_232 = arith.constant 23 : i32
    %broadcast_in_dim3A_233 = vector.broadcast %broadcast_in_dim3A_232 : i32 to vector<16xi32>
    %gather3A_234 = tpu.vector_load_idx %arg6[%iota3A, %broadcast_in_dim3A_233] : memref<16x39xi32, #tpu.memory_space<vmem>>[vector<16xi32>, vector<16xi32>], vector<16xi32>,
    %add3A_235 = arith.constant 512000 : i32
    %add3A_236 = vector.broadcast %add3A_235 : i32 to vector<16xi32>
    %add3A_237 = arith.addi %gather3A_234, %add3A_236 : vector<16xi32>
    %swap3A_238 = arith.constant 11 : i32
    %swap3A_239 = arith.index_cast %swap3A_238 : i32 to index
    %swap3A_240 = arith.constant 16 : index
    %swap3A_241 = tpu.vector_load %arg7[%swap3A_239, %swap3A_240] {strides = array<i32>} : memref<13x32xi32, #tpu.memory_space<vmem>>, vector<16xi32>,
    tpu.vector_store %arg7[%swap3A_239, %swap3A_240], %add3A_237 {strides = array<i32>} : memref<13x32xi32, #tpu.memory_space<vmem>>, vector<16xi32>,
    %broadcast_in_dim3A_242 = arith.constant 24 : i32
    %broadcast_in_dim3A_243 = vector.broadcast %broadcast_in_dim3A_242 : i32 to vector<16xi32>
    %gather3A_244 = tpu.vector_load_idx %arg6[%iota3A, %broadcast_in_dim3A_243] : memref<16x39xi32, #tpu.memory_space<vmem>>[vector<16xi32>, vector<16xi32>], vector<16xi32>,
    %add3A_245 = arith.constant 0 : i32
    %add3A_246 = vector.broadcast %add3A_245 : i32 to vector<16xi32>
    %add3A_247 = arith.addi %gather3A_244, %add3A_246 : vector<16xi32>
    %swap3A_248 = arith.constant 12 : i32
    %swap3A_249 = arith.index_cast %swap3A_248 : i32 to index
    %swap3A_250 = arith.constant 0 : index
    %swap3A_251 = tpu.vector_load %arg7[%swap3A_249, %swap3A_250] {strides = array<i32>} : memref<13x32xi32, #tpu.memory_space<vmem>>, vector<16xi32>,
    tpu.vector_store %arg7[%swap3A_249, %swap3A_250], %add3A_247 {strides = array<i32>} : memref<13x32xi32, #tpu.memory_space<vmem>>, vector<16xi32>,
    %broadcast_in_dim3A_252 = arith.constant 25 : i32
    %broadcast_in_dim3A_253 = vector.broadcast %broadcast_in_dim3A_252 : i32 to vector<16xi32>
    %gather3A_254 = tpu.vector_load_idx %arg6[%iota3A, %broadcast_in_dim3A_253] : memref<16x39xi32, #tpu.memory_space<vmem>>[vector<16xi32>, vector<16xi32>], vector<16xi32>,
    %add3A_255 = arith.constant 0 : i32
    %add3A_256 = vector.broadcast %add3A_255 : i32 to vector<16xi32>
    %add3A_257 = arith.addi %gather3A_254, %add3A_256 : vector<16xi32>
    %swap3A_258 = arith.constant 12 : i32
    %swap3A_259 = arith.index_cast %swap3A_258 : i32 to index
    %swap3A_260 = arith.constant 16 : index
    %swap3A_261 = tpu.vector_load %arg7[%swap3A_259, %swap3A_260] {strides = array<i32>} : memref<13x32xi32, #tpu.memory_space<vmem>>, vector<16xi32>,
    tpu.vector_store %arg7[%swap3A_259, %swap3A_260], %add3A_257 {strides = array<i32>} : memref<13x32xi32, #tpu.memory_space<vmem>>, vector<16xi32>,
    %dma_start3A = arith.constant 0 : i32
    %dma_start3A_262 = arith.constant 0 : i32
    %dma_start3A_263 = arith.constant 0 : i32
    %dma_start3A_264 = tpu.memref_slice %arg9[%dma_start3A_262, %dma_start3A_263] : memref<416x128xf32, #tpu.memory_space<vmem>> -> memref<32x128xf32, #tpu.memory_space<vmem>>
    %dma_start3A_265 = arith.constant 0 : i32
    %dma_start3A_266 = tpu.memref_slice %arg7[%dma_start3A, %dma_start3A_265] : memref<13x32xi32, #tpu.memory_space<vmem>> -> memref<1x32xi32, #tpu.memory_space<vmem>>
    %dma_start3A_267 = tpu.memref_squeeze %dma_start3A_266 : memref<1x32xi32, #tpu.memory_space<vmem>> -> memref<32xi32, #tpu.memory_space<vmem>>
    %dma_start3A_268 = arith.constant 0 : i32
    %dma_start3A_269 = arith.constant 0 : i32
    %dma_start3A_270 = tpu.memref_slice %arg3[%dma_start3A_268, %dma_start3A_269] : memref<614400x128xf32, #tpu.memory_space<hbm>> -> memref<614400x128xf32, #tpu.memory_space<hbm>>
    tpu.enqueue_indirect_dma source(%dma_start3A_270 : memref<614400x128xf32, #tpu.memory_space<hbm>>) target(%dma_start3A_264 : memref<32x128xf32, #tpu.memory_space<vmem>>) offsets(%dma_start3A_267 : memref<32xi32, #tpu.memory_space<vmem>>) semaphore(%arg12 : memref<!tpu.dma_semaphore, #tpu.memory_space<semaphore_mem>>)
    %dma_start3A_271 = arith.constant 1 : i32
    %dma_start3A_272 = arith.constant 32 : i32
    %dma_start3A_273 = arith.constant 0 : i32
    %dma_start3A_274 = tpu.memref_slice %arg9[%dma_start3A_272, %dma_start3A_273] : memref<416x128xf32, #tpu.memory_space<vmem>> -> memref<32x128xf32, #tpu.memory_space<vmem>>
    %dma_start3A_275 = arith.constant 0 : i32
    %dma_start3A_276 = tpu.memref_slice %arg7[%dma_start3A_271, %dma_start3A_275] : memref<13x32xi32, #tpu.memory_space<vmem>> -> memref<1x32xi32, #tpu.memory_space<vmem>>
    %dma_start3A_277 = tpu.memref_squeeze %dma_start3A_276 : memref<1x32xi32, #tpu.memory_space<vmem>> -> memref<32xi32, #tpu.memory_space<vmem>>
    %dma_start3A_278 = arith.constant 0 : i32
    %dma_start3A_279 = arith.constant 0 : i32
    %dma_start3A_280 = tpu.memref_slice %arg3[%dma_start3A_278, %dma_start3A_279] : memref<614400x128xf32, #tpu.memory_space<hbm>> -> memref<614400x128xf32, #tpu.memory_space<hbm>>
    tpu.enqueue_indirect_dma source(%dma_start3A_280 : memref<614400x128xf32, #tpu.memory_space<hbm>>) target(%dma_start3A_274 : memref<32x128xf32, #tpu.memory_space<vmem>>) offsets(%dma_start3A_277 : memref<32xi32, #tpu.memory_space<vmem>>) semaphore(%arg12 : memref<!tpu.dma_semaphore, #tpu.memory_space<semaphore_mem>>)
    %dma_start3A_281 = arith.constant 2 : i32
    %dma_start3A_282 = arith.constant 64 : i32
    %dma_start3A_283 = arith.constant 0 : i32
    %dma_start3A_284 = tpu.memref_slice %arg9[%dma_start3A_282, %dma_start3A_283] : memref<416x128xf32, #tpu.memory_space<vmem>> -> memref<32x128xf32, #tpu.memory_space<vmem>>
    %dma_start3A_285 = arith.constant 0 : i32
    %dma_start3A_286 = tpu.memref_slice %arg7[%dma_start3A_281, %dma_start3A_285] : memref<13x32xi32, #tpu.memory_space<vmem>> -> memref<1x32xi32, #tpu.memory_space<vmem>>
    %dma_start3A_287 = tpu.memref_squeeze %dma_start3A_286 : memref<1x32xi32, #tpu.memory_space<vmem>> -> memref<32xi32, #tpu.memory_space<vmem>>
    %dma_start3A_288 = arith.constant 0 : i32
    %dma_start3A_289 = arith.constant 0 : i32
    %dma_start3A_290 = tpu.memref_slice %arg3[%dma_start3A_288, %dma_start3A_289] : memref<614400x128xf32, #tpu.memory_space<hbm>> -> memref<614400x128xf32, #tpu.memory_space<hbm>>
    tpu.enqueue_indirect_dma source(%dma_start3A_290 : memref<614400x128xf32, #tpu.memory_space<hbm>>) target(%dma_start3A_284 : memref<32x128xf32, #tpu.memory_space<vmem>>) offsets(%dma_start3A_287 : memref<32xi32, #tpu.memory_space<vmem>>) semaphore(%arg12 : memref<!tpu.dma_semaphore, #tpu.memory_space<semaphore_mem>>)
    %dma_start3A_291 = arith.constant 3 : i32
    %dma_start3A_292 = arith.constant 96 : i32
    %dma_start3A_293 = arith.constant 0 : i32
    %dma_start3A_294 = tpu.memref_slice %arg9[%dma_start3A_292, %dma_start3A_293] : memref<416x128xf32, #tpu.memory_space<vmem>> -> memref<32x128xf32, #tpu.memory_space<vmem>>
    %dma_start3A_295 = arith.constant 0 : i32
    %dma_start3A_296 = tpu.memref_slice %arg7[%dma_start3A_291, %dma_start3A_295] : memref<13x32xi32, #tpu.memory_space<vmem>> -> memref<1x32xi32, #tpu.memory_space<vmem>>
    %dma_start3A_297 = tpu.memref_squeeze %dma_start3A_296 : memref<1x32xi32, #tpu.memory_space<vmem>> -> memref<32xi32, #tpu.memory_space<vmem>>
    %dma_start3A_298 = arith.constant 0 : i32
    %dma_start3A_299 = arith.constant 0 : i32
    %dma_start3A_300 = tpu.memref_slice %arg3[%dma_start3A_298, %dma_start3A_299] : memref<614400x128xf32, #tpu.memory_space<hbm>> -> memref<614400x128xf32, #tpu.memory_space<hbm>>
    tpu.enqueue_indirect_dma source(%dma_start3A_300 : memref<614400x128xf32, #tpu.memory_space<hbm>>) target(%dma_start3A_294 : memref<32x128xf32, #tpu.memory_space<vmem>>) offsets(%dma_start3A_297 : memref<32xi32, #tpu.memory_space<vmem>>) semaphore(%arg12 : memref<!tpu.dma_semaphore, #tpu.memory_space<semaphore_mem>>)
    %dma_start3A_301 = arith.constant 4 : i32
    %dma_start3A_302 = arith.constant 128 : i32
    %dma_start3A_303 = arith.constant 0 : i32
    %dma_start3A_304 = tpu.memref_slice %arg9[%dma_start3A_302, %dma_start3A_303] : memref<416x128xf32, #tpu.memory_space<vmem>> -> memref<32x128xf32, #tpu.memory_space<vmem>>
    %dma_start3A_305 = arith.constant 0 : i32
    %dma_start3A_306 = tpu.memref_slice %arg7[%dma_start3A_301, %dma_start3A_305] : memref<13x32xi32, #tpu.memory_space<vmem>> -> memref<1x32xi32, #tpu.memory_space<vmem>>
    %dma_start3A_307 = tpu.memref_squeeze %dma_start3A_306 : memref<1x32xi32, #tpu.memory_space<vmem>> -> memref<32xi32, #tpu.memory_space<vmem>>
    %dma_start3A_308 = arith.constant 0 : i32
    %dma_start3A_309 = arith.constant 0 : i32
    %dma_start3A_310 = tpu.memref_slice %arg3[%dma_start3A_308, %dma_start3A_309] : memref<614400x128xf32, #tpu.memory_space<hbm>> -> memref<614400x128xf32, #tpu.memory_space<hbm>>
    tpu.enqueue_indirect_dma source(%dma_start3A_310 : memref<614400x128xf32, #tpu.memory_space<hbm>>) target(%dma_start3A_304 : memref<32x128xf32, #tpu.memory_space<vmem>>) offsets(%dma_start3A_307 : memref<32xi32, #tpu.memory_space<vmem>>) semaphore(%arg12 : memref<!tpu.dma_semaphore, #tpu.memory_space<semaphore_mem>>)
    %dma_start3A_311 = arith.constant 5 : i32
    %dma_start3A_312 = arith.constant 160 : i32
    %dma_start3A_313 = arith.constant 0 : i32
    %dma_start3A_314 = tpu.memref_slice %arg9[%dma_start3A_312, %dma_start3A_313] : memref<416x128xf32, #tpu.memory_space<vmem>> -> memref<32x128xf32, #tpu.memory_space<vmem>>
    %dma_start3A_315 = arith.constant 0 : i32
    %dma_start3A_316 = tpu.memref_slice %arg7[%dma_start3A_311, %dma_start3A_315] : memref<13x32xi32, #tpu.memory_space<vmem>> -> memref<1x32xi32, #tpu.memory_space<vmem>>
    %dma_start3A_317 = tpu.memref_squeeze %dma_start3A_316 : memref<1x32xi32, #tpu.memory_space<vmem>> -> memref<32xi32, #tpu.memory_space<vmem>>
    %dma_start3A_318 = arith.constant 0 : i32
    %dma_start3A_319 = arith.constant 0 : i32
    %dma_start3A_320 = tpu.memref_slice %arg3[%dma_start3A_318, %dma_start3A_319] : memref<614400x128xf32, #tpu.memory_space<hbm>> -> memref<614400x128xf32, #tpu.memory_space<hbm>>
    tpu.enqueue_indirect_dma source(%dma_start3A_320 : memref<614400x128xf32, #tpu.memory_space<hbm>>) target(%dma_start3A_314 : memref<32x128xf32, #tpu.memory_space<vmem>>) offsets(%dma_start3A_317 : memref<32xi32, #tpu.memory_space<vmem>>) semaphore(%arg12 : memref<!tpu.dma_semaphore, #tpu.memory_space<semaphore_mem>>)
    %dma_start3A_321 = arith.constant 6 : i32
    %dma_start3A_322 = arith.constant 192 : i32
    %dma_start3A_323 = arith.constant 0 : i32
    %dma_start3A_324 = tpu.memref_slice %arg9[%dma_start3A_322, %dma_start3A_323] : memref<416x128xf32, #tpu.memory_space<vmem>> -> memref<32x128xf32, #tpu.memory_space<vmem>>
    %dma_start3A_325 = arith.constant 0 : i32
    %dma_start3A_326 = tpu.memref_slice %arg7[%dma_start3A_321, %dma_start3A_325] : memref<13x32xi32, #tpu.memory_space<vmem>> -> memref<1x32xi32, #tpu.memory_space<vmem>>
    %dma_start3A_327 = tpu.memref_squeeze %dma_start3A_326 : memref<1x32xi32, #tpu.memory_space<vmem>> -> memref<32xi32, #tpu.memory_space<vmem>>
    %dma_start3A_328 = arith.constant 0 : i32
    %dma_start3A_329 = arith.constant 0 : i32
    %dma_start3A_330 = tpu.memref_slice %arg3[%dma_start3A_328, %dma_start3A_329] : memref<614400x128xf32, #tpu.memory_space<hbm>> -> memref<614400x128xf32, #tpu.memory_space<hbm>>
    tpu.enqueue_indirect_dma source(%dma_start3A_330 : memref<614400x128xf32, #tpu.memory_space<hbm>>) target(%dma_start3A_324 : memref<32x128xf32, #tpu.memory_space<vmem>>) offsets(%dma_start3A_327 : memref<32xi32, #tpu.memory_space<vmem>>) semaphore(%arg12 : memref<!tpu.dma_semaphore, #tpu.memory_space<semaphore_mem>>)
    %dma_start3A_331 = arith.constant 7 : i32
    %dma_start3A_332 = arith.constant 224 : i32
    %dma_start3A_333 = arith.constant 0 : i32
    %dma_start3A_334 = tpu.memref_slice %arg9[%dma_start3A_332, %dma_start3A_333] : memref<416x128xf32, #tpu.memory_space<vmem>> -> memref<32x128xf32, #tpu.memory_space<vmem>>
    %dma_start3A_335 = arith.constant 0 : i32
    %dma_start3A_336 = tpu.memref_slice %arg7[%dma_start3A_331, %dma_start3A_335] : memref<13x32xi32, #tpu.memory_space<vmem>> -> memref<1x32xi32, #tpu.memory_space<vmem>>
    %dma_start3A_337 = tpu.memref_squeeze %dma_start3A_336 : memref<1x32xi32, #tpu.memory_space<vmem>> -> memref<32xi32, #tpu.memory_space<vmem>>
    %dma_start3A_338 = arith.constant 0 : i32
    %dma_start3A_339 = arith.constant 0 : i32
    %dma_start3A_340 = tpu.memref_slice %arg3[%dma_start3A_338, %dma_start3A_339] : memref<614400x128xf32, #tpu.memory_space<hbm>> -> memref<614400x128xf32, #tpu.memory_space<hbm>>
    tpu.enqueue_indirect_dma source(%dma_start3A_340 : memref<614400x128xf32, #tpu.memory_space<hbm>>) target(%dma_start3A_334 : memref<32x128xf32, #tpu.memory_space<vmem>>) offsets(%dma_start3A_337 : memref<32xi32, #tpu.memory_space<vmem>>) semaphore(%arg12 : memref<!tpu.dma_semaphore, #tpu.memory_space<semaphore_mem>>)
    %dma_start3A_341 = arith.constant 8 : i32
    %dma_start3A_342 = arith.constant 256 : i32
    %dma_start3A_343 = arith.constant 0 : i32
    %dma_start3A_344 = tpu.memref_slice %arg9[%dma_start3A_342, %dma_start3A_343] : memref<416x128xf32, #tpu.memory_space<vmem>> -> memref<32x128xf32, #tpu.memory_space<vmem>>
    %dma_start3A_345 = arith.constant 0 : i32
    %dma_start3A_346 = tpu.memref_slice %arg7[%dma_start3A_341, %dma_start3A_345] : memref<13x32xi32, #tpu.memory_space<vmem>> -> memref<1x32xi32, #tpu.memory_space<vmem>>
    %dma_start3A_347 = tpu.memref_squeeze %dma_start3A_346 : memref<1x32xi32, #tpu.memory_space<vmem>> -> memref<32xi32, #tpu.memory_space<vmem>>
    %dma_start3A_348 = arith.constant 0 : i32
    %dma_start3A_349 = arith.constant 0 : i32
    %dma_start3A_350 = tpu.memref_slice %arg3[%dma_start3A_348, %dma_start3A_349] : memref<614400x128xf32, #tpu.memory_space<hbm>> -> memref<614400x128xf32, #tpu.memory_space<hbm>>
    tpu.enqueue_indirect_dma source(%dma_start3A_350 : memref<614400x128xf32, #tpu.memory_space<hbm>>) target(%dma_start3A_344 : memref<32x128xf32, #tpu.memory_space<vmem>>) offsets(%dma_start3A_347 : memref<32xi32, #tpu.memory_space<vmem>>) semaphore(%arg12 : memref<!tpu.dma_semaphore, #tpu.memory_space<semaphore_mem>>)
    %dma_start3A_351 = arith.constant 9 : i32
    %dma_start3A_352 = arith.constant 288 : i32
    %dma_start3A_353 = arith.constant 0 : i32
    %dma_start3A_354 = tpu.memref_slice %arg9[%dma_start3A_352, %dma_start3A_353] : memref<416x128xf32, #tpu.memory_space<vmem>> -> memref<32x128xf32, #tpu.memory_space<vmem>>
    %dma_start3A_355 = arith.constant 0 : i32
    %dma_start3A_356 = tpu.memref_slice %arg7[%dma_start3A_351, %dma_start3A_355] : memref<13x32xi32, #tpu.memory_space<vmem>> -> memref<1x32xi32, #tpu.memory_space<vmem>>
    %dma_start3A_357 = tpu.memref_squeeze %dma_start3A_356 : memref<1x32xi32, #tpu.memory_space<vmem>> -> memref<32xi32, #tpu.memory_space<vmem>>
    %dma_start3A_358 = arith.constant 0 : i32
    %dma_start3A_359 = arith.constant 0 : i32
    %dma_start3A_360 = tpu.memref_slice %arg3[%dma_start3A_358, %dma_start3A_359] : memref<614400x128xf32, #tpu.memory_space<hbm>> -> memref<614400x128xf32, #tpu.memory_space<hbm>>
    tpu.enqueue_indirect_dma source(%dma_start3A_360 : memref<614400x128xf32, #tpu.memory_space<hbm>>) target(%dma_start3A_354 : memref<32x128xf32, #tpu.memory_space<vmem>>) offsets(%dma_start3A_357 : memref<32xi32, #tpu.memory_space<vmem>>) semaphore(%arg12 : memref<!tpu.dma_semaphore, #tpu.memory_space<semaphore_mem>>)
    %dma_start3A_361 = arith.constant 10 : i32
    %dma_start3A_362 = arith.constant 320 : i32
    %dma_start3A_363 = arith.constant 0 : i32
    %dma_start3A_364 = tpu.memref_slice %arg9[%dma_start3A_362, %dma_start3A_363] : memref<416x128xf32, #tpu.memory_space<vmem>> -> memref<32x128xf32, #tpu.memory_space<vmem>>
    %dma_start3A_365 = arith.constant 0 : i32
    %dma_start3A_366 = tpu.memref_slice %arg7[%dma_start3A_361, %dma_start3A_365] : memref<13x32xi32, #tpu.memory_space<vmem>> -> memref<1x32xi32, #tpu.memory_space<vmem>>
    %dma_start3A_367 = tpu.memref_squeeze %dma_start3A_366 : memref<1x32xi32, #tpu.memory_space<vmem>> -> memref<32xi32, #tpu.memory_space<vmem>>
    %dma_start3A_368 = arith.constant 0 : i32
    %dma_start3A_369 = arith.constant 0 : i32
    %dma_start3A_370 = tpu.memref_slice %arg3[%dma_start3A_368, %dma_start3A_369] : memref<614400x128xf32, #tpu.memory_space<hbm>> -> memref<614400x128xf32, #tpu.memory_space<hbm>>
    tpu.enqueue_indirect_dma source(%dma_start3A_370 : memref<614400x128xf32, #tpu.memory_space<hbm>>) target(%dma_start3A_364 : memref<32x128xf32, #tpu.memory_space<vmem>>) offsets(%dma_start3A_367 : memref<32xi32, #tpu.memory_space<vmem>>) semaphore(%arg12 : memref<!tpu.dma_semaphore, #tpu.memory_space<semaphore_mem>>)
    %dma_start3A_371 = arith.constant 11 : i32
    %dma_start3A_372 = arith.constant 352 : i32
    %dma_start3A_373 = arith.constant 0 : i32
    %dma_start3A_374 = tpu.memref_slice %arg9[%dma_start3A_372, %dma_start3A_373] : memref<416x128xf32, #tpu.memory_space<vmem>> -> memref<32x128xf32, #tpu.memory_space<vmem>>
    %dma_start3A_375 = arith.constant 0 : i32
    %dma_start3A_376 = tpu.memref_slice %arg7[%dma_start3A_371, %dma_start3A_375] : memref<13x32xi32, #tpu.memory_space<vmem>> -> memref<1x32xi32, #tpu.memory_space<vmem>>
    %dma_start3A_377 = tpu.memref_squeeze %dma_start3A_376 : memref<1x32xi32, #tpu.memory_space<vmem>> -> memref<32xi32, #tpu.memory_space<vmem>>
    %dma_start3A_378 = arith.constant 0 : i32
    %dma_start3A_379 = arith.constant 0 : i32
    %dma_start3A_380 = tpu.memref_slice %arg3[%dma_start3A_378, %dma_start3A_379] : memref<614400x128xf32, #tpu.memory_space<hbm>> -> memref<614400x128xf32, #tpu.memory_space<hbm>>
    tpu.enqueue_indirect_dma source(%dma_start3A_380 : memref<614400x128xf32, #tpu.memory_space<hbm>>) target(%dma_start3A_374 : memref<32x128xf32, #tpu.memory_space<vmem>>) offsets(%dma_start3A_377 : memref<32xi32, #tpu.memory_space<vmem>>) semaphore(%arg12 : memref<!tpu.dma_semaphore, #tpu.memory_space<semaphore_mem>>)
    %dma_start3A_381 = arith.constant 12 : i32
    %dma_start3A_382 = arith.constant 384 : i32
    %dma_start3A_383 = arith.constant 0 : i32
    %dma_start3A_384 = tpu.memref_slice %arg9[%dma_start3A_382, %dma_start3A_383] : memref<416x128xf32, #tpu.memory_space<vmem>> -> memref<32x128xf32, #tpu.memory_space<vmem>>
    %dma_start3A_385 = arith.constant 0 : i32
    %dma_start3A_386 = tpu.memref_slice %arg7[%dma_start3A_381, %dma_start3A_385] : memref<13x32xi32, #tpu.memory_space<vmem>> -> memref<1x32xi32, #tpu.memory_space<vmem>>
    %dma_start3A_387 = tpu.memref_squeeze %dma_start3A_386 : memref<1x32xi32, #tpu.memory_space<vmem>> -> memref<32xi32, #tpu.memory_space<vmem>>
    %dma_start3A_388 = arith.constant 0 : i32
    %dma_start3A_389 = arith.constant 0 : i32
    %dma_start3A_390 = tpu.memref_slice %arg4[%dma_start3A_388, %dma_start3A_389] : memref<102400x128xf32, #tpu.memory_space<hbm>> -> memref<102400x128xf32, #tpu.memory_space<hbm>>
    tpu.enqueue_indirect_dma source(%dma_start3A_390 : memref<102400x128xf32, #tpu.memory_space<hbm>>) target(%dma_start3A_384 : memref<32x128xf32, #tpu.memory_space<vmem>>) offsets(%dma_start3A_387 : memref<32xi32, #tpu.memory_space<vmem>>) semaphore(%arg12 : memref<!tpu.dma_semaphore, #tpu.memory_space<semaphore_mem>>)
    %scan3A = arith.constant 0 : i32
    %scan3A_391 = arith.constant 50 : i32
    %scan3A_392 = arith.addi %scan3A, %scan3A_391 : i32
    %scan3A_393 = arith.constant 1 : i32
    scf.for %scan3A_524 = %scan3A to %scan3A_392 step %scan3A_393  : i32 {
      %mul3A_525 = arith.constant 1 : i32
      %mul3A_526 = arith.muli %scan3A_524, %mul3A_525 : i32
      %add3A_527 = arith.constant 0 : i32
      %add3A_528 = arith.addi %add3A_527, %mul3A_526 : i32
      %mul3A_529 = arith.constant 2 : i32
      %mul3A_530 = arith.muli %mul3A_529, %add3A_528 : i32
      %add3A_531 = arith.constant 0 : i32
      %add3A_532 = arith.addi %mul3A_530, %add3A_531 : i32
      %add3A_533 = arith.constant 1 : i32
      %add3A_534 = arith.addi %add3A_532, %add3A_533 : i32
      %min3A = arith.constant 99 : i32
      %min3A_535 = arith.minsi %add3A_534, %min3A : i32
      %mul3A_536 = arith.constant 16 : i32
      %mul3A_537 = arith.muli %min3A_535, %mul3A_536 : i32
      %add3A_538 = arith.addi %mul3A_2, %mul3A_537 : i32
      "tpu.region"() ({
        %run_scoped3A = tpu.sem_alloc : memref<!tpu.dma_semaphore, #tpu.memory_space<semaphore_mem>>
        %dma_start3A_1606 = arith.constant 0 : i32
        %dma_start3A_1607 = tpu.memref_slice %arg2[%add3A_538, %dma_start3A_1606] : memref<51200x39xi32, #tpu.memory_space<hbm>> -> memref<16x39xi32, #tpu.memory_space<hbm>>
        %dma_start3A_1608 = arith.constant 0 : i32
        %dma_start3A_1609 = tpu.memref_slice %arg2[%add3A_538, %dma_start3A_1608] : memref<51200x39xi32, #tpu.memory_space<hbm>> -> memref<16x39xi32, #tpu.memory_space<hbm>>
        tpu.enqueue_dma source(%dma_start3A_1609 : memref<16x39xi32, #tpu.memory_space<hbm>>) target(%arg6 : memref<16x39xi32, #tpu.memory_space<vmem>>) target_semaphore(%run_scoped3A : memref<!tpu.dma_semaphore, #tpu.memory_space<semaphore_mem>>)
        %dma_wait3A_1610 = arith.constant 0 : i32
        %dma_wait3A_1611 = tpu.memref_slice %arg2[%add3A_538, %dma_wait3A_1610] : memref<51200x39xi32, #tpu.memory_space<hbm>> -> memref<16x39xi32, #tpu.memory_space<hbm>>
        %dma_wait3A_1612 = arith.constant 0 : i32
        %dma_wait3A_1613 = tpu.memref_slice %arg2[%add3A_538, %dma_wait3A_1612] : memref<51200x39xi32, #tpu.memory_space<hbm>> -> memref<16x39xi32, #tpu.memory_space<hbm>>
        tpu.wait_dma2 semaphore(%run_scoped3A : memref<!tpu.dma_semaphore, #tpu.memory_space<semaphore_mem>>) src(%dma_wait3A_1613 : memref<16x39xi32, #tpu.memory_space<hbm>>) dst(%arg6 : memref<16x39xi32, #tpu.memory_space<vmem>>)
        tpu.yield
      }) : () -> ()
      %broadcast_in_dim3A_539 = arith.constant 0 : i32
      %broadcast_in_dim3A_540 = vector.broadcast %broadcast_in_dim3A_539 : i32 to vector<16xi32>
      %gather3A_541 = tpu.vector_load_idx %arg6[%iota3A, %broadcast_in_dim3A_540] : memref<16x39xi32, #tpu.memory_space<vmem>>[vector<16xi32>, vector<16xi32>], vector<16xi32>,
      %add3A_542 = arith.constant 0 : i32
      %add3A_543 = vector.broadcast %add3A_542 : i32 to vector<16xi32>
      %add3A_544 = arith.addi %gather3A_541, %add3A_543 : vector<16xi32>
      %swap3A_545 = arith.constant 0 : i32
      %swap3A_546 = arith.index_cast %swap3A_545 : i32 to index
      %swap3A_547 = arith.constant 0 : index
      %swap3A_548 = tpu.vector_load %arg8[%swap3A_546, %swap3A_547] {strides = array<i32>} : memref<13x32xi32, #tpu.memory_space<vmem>>, vector<16xi32>,
      tpu.vector_store %arg8[%swap3A_546, %swap3A_547], %add3A_544 {strides = array<i32>} : memref<13x32xi32, #tpu.memory_space<vmem>>, vector<16xi32>,
      %broadcast_in_dim3A_549 = arith.constant 1 : i32
      %broadcast_in_dim3A_550 = vector.broadcast %broadcast_in_dim3A_549 : i32 to vector<16xi32>
      %gather3A_551 = tpu.vector_load_idx %arg6[%iota3A, %broadcast_in_dim3A_550] : memref<16x39xi32, #tpu.memory_space<vmem>>[vector<16xi32>, vector<16xi32>], vector<16xi32>,
      %add3A_552 = arith.constant 0 : i32
      %add3A_553 = vector.broadcast %add3A_552 : i32 to vector<16xi32>
      %add3A_554 = arith.addi %gather3A_551, %add3A_553 : vector<16xi32>
      %swap3A_555 = arith.constant 0 : i32
      %swap3A_556 = arith.index_cast %swap3A_555 : i32 to index
      %swap3A_557 = arith.constant 16 : index
      %swap3A_558 = tpu.vector_load %arg8[%swap3A_556, %swap3A_557] {strides = array<i32>} : memref<13x32xi32, #tpu.memory_space<vmem>>, vector<16xi32>,
      tpu.vector_store %arg8[%swap3A_556, %swap3A_557], %add3A_554 {strides = array<i32>} : memref<13x32xi32, #tpu.memory_space<vmem>>, vector<16xi32>,
      %broadcast_in_dim3A_559 = arith.constant 2 : i32
      %broadcast_in_dim3A_560 = vector.broadcast %broadcast_in_dim3A_559 : i32 to vector<16xi32>
      %gather3A_561 = tpu.vector_load_idx %arg6[%iota3A, %broadcast_in_dim3A_560] : memref<16x39xi32, #tpu.memory_space<vmem>>[vector<16xi32>, vector<16xi32>], vector<16xi32>,
      %add3A_562 = arith.constant 0 : i32
      %add3A_563 = vector.broadcast %add3A_562 : i32 to vector<16xi32>
      %add3A_564 = arith.addi %gather3A_561, %add3A_563 : vector<16xi32>
      %swap3A_565 = arith.constant 1 : i32
      %swap3A_566 = arith.index_cast %swap3A_565 : i32 to index
      %swap3A_567 = arith.constant 0 : index
      %swap3A_568 = tpu.vector_load %arg8[%swap3A_566, %swap3A_567] {strides = array<i32>} : memref<13x32xi32, #tpu.memory_space<vmem>>, vector<16xi32>,
      tpu.vector_store %arg8[%swap3A_566, %swap3A_567], %add3A_564 {strides = array<i32>} : memref<13x32xi32, #tpu.memory_space<vmem>>, vector<16xi32>,
      %broadcast_in_dim3A_569 = arith.constant 3 : i32
      %broadcast_in_dim3A_570 = vector.broadcast %broadcast_in_dim3A_569 : i32 to vector<16xi32>
      %gather3A_571 = tpu.vector_load_idx %arg6[%iota3A, %broadcast_in_dim3A_570] : memref<16x39xi32, #tpu.memory_space<vmem>>[vector<16xi32>, vector<16xi32>], vector<16xi32>,
      %add3A_572 = arith.constant 0 : i32
      %add3A_573 = vector.broadcast %add3A_572 : i32 to vector<16xi32>
      %add3A_574 = arith.addi %gather3A_571, %add3A_573 : vector<16xi32>
      %swap3A_575 = arith.constant 1 : i32
      %swap3A_576 = arith.index_cast %swap3A_575 : i32 to index
      %swap3A_577 = arith.constant 16 : index
      %swap3A_578 = tpu.vector_load %arg8[%swap3A_576, %swap3A_577] {strides = array<i32>} : memref<13x32xi32, #tpu.memory_space<vmem>>, vector<16xi32>,
      tpu.vector_store %arg8[%swap3A_576, %swap3A_577], %add3A_574 {strides = array<i32>} : memref<13x32xi32, #tpu.memory_space<vmem>>, vector<16xi32>,
      %broadcast_in_dim3A_579 = arith.constant 4 : i32
      %broadcast_in_dim3A_580 = vector.broadcast %broadcast_in_dim3A_579 : i32 to vector<16xi32>
      %gather3A_581 = tpu.vector_load_idx %arg6[%iota3A, %broadcast_in_dim3A_580] : memref<16x39xi32, #tpu.memory_space<vmem>>[vector<16xi32>, vector<16xi32>], vector<16xi32>,
      %add3A_582 = arith.constant 102400 : i32
      %add3A_583 = vector.broadcast %add3A_582 : i32 to vector<16xi32>
      %add3A_584 = arith.addi %gather3A_581, %add3A_583 : vector<16xi32>
      %swap3A_585 = arith.constant 2 : i32
      %swap3A_586 = arith.index_cast %swap3A_585 : i32 to index
      %swap3A_587 = arith.constant 0 : index
      %swap3A_588 = tpu.vector_load %arg8[%swap3A_586, %swap3A_587] {strides = array<i32>} : memref<13x32xi32, #tpu.memory_space<vmem>>, vector<16xi32>,
      tpu.vector_store %arg8[%swap3A_586, %swap3A_587], %add3A_584 {strides = array<i32>} : memref<13x32xi32, #tpu.memory_space<vmem>>, vector<16xi32>,
      %broadcast_in_dim3A_589 = arith.constant 5 : i32
      %broadcast_in_dim3A_590 = vector.broadcast %broadcast_in_dim3A_589 : i32 to vector<16xi32>
      %gather3A_591 = tpu.vector_load_idx %arg6[%iota3A, %broadcast_in_dim3A_590] : memref<16x39xi32, #tpu.memory_space<vmem>>[vector<16xi32>, vector<16xi32>], vector<16xi32>,
      %add3A_592 = arith.constant 102400 : i32
      %add3A_593 = vector.broadcast %add3A_592 : i32 to vector<16xi32>
      %add3A_594 = arith.addi %gather3A_591, %add3A_593 : vector<16xi32>
      %swap3A_595 = arith.constant 2 : i32
      %swap3A_596 = arith.index_cast %swap3A_595 : i32 to index
      %swap3A_597 = arith.constant 16 : index
      %swap3A_598 = tpu.vector_load %arg8[%swap3A_596, %swap3A_597] {strides = array<i32>} : memref<13x32xi32, #tpu.memory_space<vmem>>, vector<16xi32>,
      tpu.vector_store %arg8[%swap3A_596, %swap3A_597], %add3A_594 {strides = array<i32>} : memref<13x32xi32, #tpu.memory_space<vmem>>, vector<16xi32>,
      %broadcast_in_dim3A_599 = arith.constant 6 : i32
      %broadcast_in_dim3A_600 = vector.broadcast %broadcast_in_dim3A_599 : i32 to vector<16xi32>
      %gather3A_601 = tpu.vector_load_idx %arg6[%iota3A, %broadcast_in_dim3A_600] : memref<16x39xi32, #tpu.memory_space<vmem>>[vector<16xi32>, vector<16xi32>], vector<16xi32>,
      %add3A_602 = arith.constant 102400 : i32
      %add3A_603 = vector.broadcast %add3A_602 : i32 to vector<16xi32>
      %add3A_604 = arith.addi %gather3A_601, %add3A_603 : vector<16xi32>
      %swap3A_605 = arith.constant 3 : i32
      %swap3A_606 = arith.index_cast %swap3A_605 : i32 to index
      %swap3A_607 = arith.constant 0 : index
      %swap3A_608 = tpu.vector_load %arg8[%swap3A_606, %swap3A_607] {strides = array<i32>} : memref<13x32xi32, #tpu.memory_space<vmem>>, vector<16xi32>,
      tpu.vector_store %arg8[%swap3A_606, %swap3A_607], %add3A_604 {strides = array<i32>} : memref<13x32xi32, #tpu.memory_space<vmem>>, vector<16xi32>,
      %broadcast_in_dim3A_609 = arith.constant 7 : i32
      %broadcast_in_dim3A_610 = vector.broadcast %broadcast_in_dim3A_609 : i32 to vector<16xi32>
      %gather3A_611 = tpu.vector_load_idx %arg6[%iota3A, %broadcast_in_dim3A_610] : memref<16x39xi32, #tpu.memory_space<vmem>>[vector<16xi32>, vector<16xi32>], vector<16xi32>,
      %add3A_612 = arith.constant 102400 : i32
      %add3A_613 = vector.broadcast %add3A_612 : i32 to vector<16xi32>
      %add3A_614 = arith.addi %gather3A_611, %add3A_613 : vector<16xi32>
      %swap3A_615 = arith.constant 3 : i32
      %swap3A_616 = arith.index_cast %swap3A_615 : i32 to index
      %swap3A_617 = arith.constant 16 : index
      %swap3A_618 = tpu.vector_load %arg8[%swap3A_616, %swap3A_617] {strides = array<i32>} : memref<13x32xi32, #tpu.memory_space<vmem>>, vector<16xi32>,
      tpu.vector_store %arg8[%swap3A_616, %swap3A_617], %add3A_614 {strides = array<i32>} : memref<13x32xi32, #tpu.memory_space<vmem>>, vector<16xi32>,
      %broadcast_in_dim3A_619 = arith.constant 8 : i32
      %broadcast_in_dim3A_620 = vector.broadcast %broadcast_in_dim3A_619 : i32 to vector<16xi32>
      %gather3A_621 = tpu.vector_load_idx %arg6[%iota3A, %broadcast_in_dim3A_620] : memref<16x39xi32, #tpu.memory_space<vmem>>[vector<16xi32>, vector<16xi32>], vector<16xi32>,
      %add3A_622 = arith.constant 204800 : i32
      %add3A_623 = vector.broadcast %add3A_622 : i32 to vector<16xi32>
      %add3A_624 = arith.addi %gather3A_621, %add3A_623 : vector<16xi32>
      %swap3A_625 = arith.constant 4 : i32
      %swap3A_626 = arith.index_cast %swap3A_625 : i32 to index
      %swap3A_627 = arith.constant 0 : index
      %swap3A_628 = tpu.vector_load %arg8[%swap3A_626, %swap3A_627] {strides = array<i32>} : memref<13x32xi32, #tpu.memory_space<vmem>>, vector<16xi32>,
      tpu.vector_store %arg8[%swap3A_626, %swap3A_627], %add3A_624 {strides = array<i32>} : memref<13x32xi32, #tpu.memory_space<vmem>>, vector<16xi32>,
      %broadcast_in_dim3A_629 = arith.constant 9 : i32
      %broadcast_in_dim3A_630 = vector.broadcast %broadcast_in_dim3A_629 : i32 to vector<16xi32>
      %gather3A_631 = tpu.vector_load_idx %arg6[%iota3A, %broadcast_in_dim3A_630] : memref<16x39xi32, #tpu.memory_space<vmem>>[vector<16xi32>, vector<16xi32>], vector<16xi32>,
      %add3A_632 = arith.constant 204800 : i32
      %add3A_633 = vector.broadcast %add3A_632 : i32 to vector<16xi32>
      %add3A_634 = arith.addi %gather3A_631, %add3A_633 : vector<16xi32>
      %swap3A_635 = arith.constant 4 : i32
      %swap3A_636 = arith.index_cast %swap3A_635 : i32 to index
      %swap3A_637 = arith.constant 16 : index
      %swap3A_638 = tpu.vector_load %arg8[%swap3A_636, %swap3A_637] {strides = array<i32>} : memref<13x32xi32, #tpu.memory_space<vmem>>, vector<16xi32>,
      tpu.vector_store %arg8[%swap3A_636, %swap3A_637], %add3A_634 {strides = array<i32>} : memref<13x32xi32, #tpu.memory_space<vmem>>, vector<16xi32>,
      %broadcast_in_dim3A_639 = arith.constant 10 : i32
      %broadcast_in_dim3A_640 = vector.broadcast %broadcast_in_dim3A_639 : i32 to vector<16xi32>
      %gather3A_641 = tpu.vector_load_idx %arg6[%iota3A, %broadcast_in_dim3A_640] : memref<16x39xi32, #tpu.memory_space<vmem>>[vector<16xi32>, vector<16xi32>], vector<16xi32>,
      %add3A_642 = arith.constant 204800 : i32
      %add3A_643 = vector.broadcast %add3A_642 : i32 to vector<16xi32>
      %add3A_644 = arith.addi %gather3A_641, %add3A_643 : vector<16xi32>
      %swap3A_645 = arith.constant 5 : i32
      %swap3A_646 = arith.index_cast %swap3A_645 : i32 to index
      %swap3A_647 = arith.constant 0 : index
      %swap3A_648 = tpu.vector_load %arg8[%swap3A_646, %swap3A_647] {strides = array<i32>} : memref<13x32xi32, #tpu.memory_space<vmem>>, vector<16xi32>,
      tpu.vector_store %arg8[%swap3A_646, %swap3A_647], %add3A_644 {strides = array<i32>} : memref<13x32xi32, #tpu.memory_space<vmem>>, vector<16xi32>,
      %broadcast_in_dim3A_649 = arith.constant 11 : i32
      %broadcast_in_dim3A_650 = vector.broadcast %broadcast_in_dim3A_649 : i32 to vector<16xi32>
      %gather3A_651 = tpu.vector_load_idx %arg6[%iota3A, %broadcast_in_dim3A_650] : memref<16x39xi32, #tpu.memory_space<vmem>>[vector<16xi32>, vector<16xi32>], vector<16xi32>,
      %add3A_652 = arith.constant 204800 : i32
      %add3A_653 = vector.broadcast %add3A_652 : i32 to vector<16xi32>
      %add3A_654 = arith.addi %gather3A_651, %add3A_653 : vector<16xi32>
      %swap3A_655 = arith.constant 5 : i32
      %swap3A_656 = arith.index_cast %swap3A_655 : i32 to index
      %swap3A_657 = arith.constant 16 : index
      %swap3A_658 = tpu.vector_load %arg8[%swap3A_656, %swap3A_657] {strides = array<i32>} : memref<13x32xi32, #tpu.memory_space<vmem>>, vector<16xi32>,
      tpu.vector_store %arg8[%swap3A_656, %swap3A_657], %add3A_654 {strides = array<i32>} : memref<13x32xi32, #tpu.memory_space<vmem>>, vector<16xi32>,
      %broadcast_in_dim3A_659 = arith.constant 12 : i32
      %broadcast_in_dim3A_660 = vector.broadcast %broadcast_in_dim3A_659 : i32 to vector<16xi32>
      %gather3A_661 = tpu.vector_load_idx %arg6[%iota3A, %broadcast_in_dim3A_660] : memref<16x39xi32, #tpu.memory_space<vmem>>[vector<16xi32>, vector<16xi32>], vector<16xi32>,
      %add3A_662 = arith.constant 307200 : i32
      %add3A_663 = vector.broadcast %add3A_662 : i32 to vector<16xi32>
      %add3A_664 = arith.addi %gather3A_661, %add3A_663 : vector<16xi32>
      %swap3A_665 = arith.constant 6 : i32
      %swap3A_666 = arith.index_cast %swap3A_665 : i32 to index
      %swap3A_667 = arith.constant 0 : index
      %swap3A_668 = tpu.vector_load %arg8[%swap3A_666, %swap3A_667] {strides = array<i32>} : memref<13x32xi32, #tpu.memory_space<vmem>>, vector<16xi32>,
      tpu.vector_store %arg8[%swap3A_666, %swap3A_667], %add3A_664 {strides = array<i32>} : memref<13x32xi32, #tpu.memory_space<vmem>>, vector<16xi32>,
      %broadcast_in_dim3A_669 = arith.constant 13 : i32
      %broadcast_in_dim3A_670 = vector.broadcast %broadcast_in_dim3A_669 : i32 to vector<16xi32>
      %gather3A_671 = tpu.vector_load_idx %arg6[%iota3A, %broadcast_in_dim3A_670] : memref<16x39xi32, #tpu.memory_space<vmem>>[vector<16xi32>, vector<16xi32>], vector<16xi32>,
      %add3A_672 = arith.constant 307200 : i32
      %add3A_673 = vector.broadcast %add3A_672 : i32 to vector<16xi32>
      %add3A_674 = arith.addi %gather3A_671, %add3A_673 : vector<16xi32>
      %swap3A_675 = arith.constant 6 : i32
      %swap3A_676 = arith.index_cast %swap3A_675 : i32 to index
      %swap3A_677 = arith.constant 16 : index
      %swap3A_678 = tpu.vector_load %arg8[%swap3A_676, %swap3A_677] {strides = array<i32>} : memref<13x32xi32, #tpu.memory_space<vmem>>, vector<16xi32>,
      tpu.vector_store %arg8[%swap3A_676, %swap3A_677], %add3A_674 {strides = array<i32>} : memref<13x32xi32, #tpu.memory_space<vmem>>, vector<16xi32>,
      %broadcast_in_dim3A_679 = arith.constant 14 : i32
      %broadcast_in_dim3A_680 = vector.broadcast %broadcast_in_dim3A_679 : i32 to vector<16xi32>
      %gather3A_681 = tpu.vector_load_idx %arg6[%iota3A, %broadcast_in_dim3A_680] : memref<16x39xi32, #tpu.memory_space<vmem>>[vector<16xi32>, vector<16xi32>], vector<16xi32>,
      %add3A_682 = arith.constant 307200 : i32
      %add3A_683 = vector.broadcast %add3A_682 : i32 to vector<16xi32>
      %add3A_684 = arith.addi %gather3A_681, %add3A_683 : vector<16xi32>
      %swap3A_685 = arith.constant 7 : i32
      %swap3A_686 = arith.index_cast %swap3A_685 : i32 to index
      %swap3A_687 = arith.constant 0 : index
      %swap3A_688 = tpu.vector_load %arg8[%swap3A_686, %swap3A_687] {strides = array<i32>} : memref<13x32xi32, #tpu.memory_space<vmem>>, vector<16xi32>,
      tpu.vector_store %arg8[%swap3A_686, %swap3A_687], %add3A_684 {strides = array<i32>} : memref<13x32xi32, #tpu.memory_space<vmem>>, vector<16xi32>,
      %broadcast_in_dim3A_689 = arith.constant 15 : i32
      %broadcast_in_dim3A_690 = vector.broadcast %broadcast_in_dim3A_689 : i32 to vector<16xi32>
      %gather3A_691 = tpu.vector_load_idx %arg6[%iota3A, %broadcast_in_dim3A_690] : memref<16x39xi32, #tpu.memory_space<vmem>>[vector<16xi32>, vector<16xi32>], vector<16xi32>,
      %add3A_692 = arith.constant 307200 : i32
      %add3A_693 = vector.broadcast %add3A_692 : i32 to vector<16xi32>
      %add3A_694 = arith.addi %gather3A_691, %add3A_693 : vector<16xi32>
      %swap3A_695 = arith.constant 7 : i32
      %swap3A_696 = arith.index_cast %swap3A_695 : i32 to index
      %swap3A_697 = arith.constant 16 : index
      %swap3A_698 = tpu.vector_load %arg8[%swap3A_696, %swap3A_697] {strides = array<i32>} : memref<13x32xi32, #tpu.memory_space<vmem>>, vector<16xi32>,
      tpu.vector_store %arg8[%swap3A_696, %swap3A_697], %add3A_694 {strides = array<i32>} : memref<13x32xi32, #tpu.memory_space<vmem>>, vector<16xi32>,
      %broadcast_in_dim3A_699 = arith.constant 16 : i32
      %broadcast_in_dim3A_700 = vector.broadcast %broadcast_in_dim3A_699 : i32 to vector<16xi32>
      %gather3A_701 = tpu.vector_load_idx %arg6[%iota3A, %broadcast_in_dim3A_700] : memref<16x39xi32, #tpu.memory_space<vmem>>[vector<16xi32>, vector<16xi32>], vector<16xi32>,
      %add3A_702 = arith.constant 409600 : i32
      %add3A_703 = vector.broadcast %add3A_702 : i32 to vector<16xi32>
      %add3A_704 = arith.addi %gather3A_701, %add3A_703 : vector<16xi32>
      %swap3A_705 = arith.constant 8 : i32
      %swap3A_706 = arith.index_cast %swap3A_705 : i32 to index
      %swap3A_707 = arith.constant 0 : index
      %swap3A_708 = tpu.vector_load %arg8[%swap3A_706, %swap3A_707] {strides = array<i32>} : memref<13x32xi32, #tpu.memory_space<vmem>>, vector<16xi32>,
      tpu.vector_store %arg8[%swap3A_706, %swap3A_707], %add3A_704 {strides = array<i32>} : memref<13x32xi32, #tpu.memory_space<vmem>>, vector<16xi32>,
      %broadcast_in_dim3A_709 = arith.constant 17 : i32
      %broadcast_in_dim3A_710 = vector.broadcast %broadcast_in_dim3A_709 : i32 to vector<16xi32>
      %gather3A_711 = tpu.vector_load_idx %arg6[%iota3A, %broadcast_in_dim3A_710] : memref<16x39xi32, #tpu.memory_space<vmem>>[vector<16xi32>, vector<16xi32>], vector<16xi32>,
      %add3A_712 = arith.constant 409600 : i32
      %add3A_713 = vector.broadcast %add3A_712 : i32 to vector<16xi32>
      %add3A_714 = arith.addi %gather3A_711, %add3A_713 : vector<16xi32>
      %swap3A_715 = arith.constant 8 : i32
      %swap3A_716 = arith.index_cast %swap3A_715 : i32 to index
      %swap3A_717 = arith.constant 16 : index
      %swap3A_718 = tpu.vector_load %arg8[%swap3A_716, %swap3A_717] {strides = array<i32>} : memref<13x32xi32, #tpu.memory_space<vmem>>, vector<16xi32>,
      tpu.vector_store %arg8[%swap3A_716, %swap3A_717], %add3A_714 {strides = array<i32>} : memref<13x32xi32, #tpu.memory_space<vmem>>, vector<16xi32>,
      %broadcast_in_dim3A_719 = arith.constant 18 : i32
      %broadcast_in_dim3A_720 = vector.broadcast %broadcast_in_dim3A_719 : i32 to vector<16xi32>
      %gather3A_721 = tpu.vector_load_idx %arg6[%iota3A, %broadcast_in_dim3A_720] : memref<16x39xi32, #tpu.memory_space<vmem>>[vector<16xi32>, vector<16xi32>], vector<16xi32>,
      %add3A_722 = arith.constant 409600 : i32
      %add3A_723 = vector.broadcast %add3A_722 : i32 to vector<16xi32>
      %add3A_724 = arith.addi %gather3A_721, %add3A_723 : vector<16xi32>
      %swap3A_725 = arith.constant 9 : i32
      %swap3A_726 = arith.index_cast %swap3A_725 : i32 to index
      %swap3A_727 = arith.constant 0 : index
      %swap3A_728 = tpu.vector_load %arg8[%swap3A_726, %swap3A_727] {strides = array<i32>} : memref<13x32xi32, #tpu.memory_space<vmem>>, vector<16xi32>,
      tpu.vector_store %arg8[%swap3A_726, %swap3A_727], %add3A_724 {strides = array<i32>} : memref<13x32xi32, #tpu.memory_space<vmem>>, vector<16xi32>,
      %broadcast_in_dim3A_729 = arith.constant 19 : i32
      %broadcast_in_dim3A_730 = vector.broadcast %broadcast_in_dim3A_729 : i32 to vector<16xi32>
      %gather3A_731 = tpu.vector_load_idx %arg6[%iota3A, %broadcast_in_dim3A_730] : memref<16x39xi32, #tpu.memory_space<vmem>>[vector<16xi32>, vector<16xi32>], vector<16xi32>,
      %add3A_732 = arith.constant 409600 : i32
      %add3A_733 = vector.broadcast %add3A_732 : i32 to vector<16xi32>
      %add3A_734 = arith.addi %gather3A_731, %add3A_733 : vector<16xi32>
      %swap3A_735 = arith.constant 9 : i32
      %swap3A_736 = arith.index_cast %swap3A_735 : i32 to index
      %swap3A_737 = arith.constant 16 : index
      %swap3A_738 = tpu.vector_load %arg8[%swap3A_736, %swap3A_737] {strides = array<i32>} : memref<13x32xi32, #tpu.memory_space<vmem>>, vector<16xi32>,
      tpu.vector_store %arg8[%swap3A_736, %swap3A_737], %add3A_734 {strides = array<i32>} : memref<13x32xi32, #tpu.memory_space<vmem>>, vector<16xi32>,
      %broadcast_in_dim3A_739 = arith.constant 20 : i32
      %broadcast_in_dim3A_740 = vector.broadcast %broadcast_in_dim3A_739 : i32 to vector<16xi32>
      %gather3A_741 = tpu.vector_load_idx %arg6[%iota3A, %broadcast_in_dim3A_740] : memref<16x39xi32, #tpu.memory_space<vmem>>[vector<16xi32>, vector<16xi32>], vector<16xi32>,
      %add3A_742 = arith.constant 512000 : i32
      %add3A_743 = vector.broadcast %add3A_742 : i32 to vector<16xi32>
      %add3A_744 = arith.addi %gather3A_741, %add3A_743 : vector<16xi32>
      %swap3A_745 = arith.constant 10 : i32
      %swap3A_746 = arith.index_cast %swap3A_745 : i32 to index
      %swap3A_747 = arith.constant 0 : index
      %swap3A_748 = tpu.vector_load %arg8[%swap3A_746, %swap3A_747] {strides = array<i32>} : memref<13x32xi32, #tpu.memory_space<vmem>>, vector<16xi32>,
      tpu.vector_store %arg8[%swap3A_746, %swap3A_747], %add3A_744 {strides = array<i32>} : memref<13x32xi32, #tpu.memory_space<vmem>>, vector<16xi32>,
      %broadcast_in_dim3A_749 = arith.constant 21 : i32
      %broadcast_in_dim3A_750 = vector.broadcast %broadcast_in_dim3A_749 : i32 to vector<16xi32>
      %gather3A_751 = tpu.vector_load_idx %arg6[%iota3A, %broadcast_in_dim3A_750] : memref<16x39xi32, #tpu.memory_space<vmem>>[vector<16xi32>, vector<16xi32>], vector<16xi32>,
      %add3A_752 = arith.constant 512000 : i32
      %add3A_753 = vector.broadcast %add3A_752 : i32 to vector<16xi32>
      %add3A_754 = arith.addi %gather3A_751, %add3A_753 : vector<16xi32>
      %swap3A_755 = arith.constant 10 : i32
      %swap3A_756 = arith.index_cast %swap3A_755 : i32 to index
      %swap3A_757 = arith.constant 16 : index
      %swap3A_758 = tpu.vector_load %arg8[%swap3A_756, %swap3A_757] {strides = array<i32>} : memref<13x32xi32, #tpu.memory_space<vmem>>, vector<16xi32>,
      tpu.vector_store %arg8[%swap3A_756, %swap3A_757], %add3A_754 {strides = array<i32>} : memref<13x32xi32, #tpu.memory_space<vmem>>, vector<16xi32>,
      %broadcast_in_dim3A_759 = arith.constant 22 : i32
      %broadcast_in_dim3A_760 = vector.broadcast %broadcast_in_dim3A_759 : i32 to vector<16xi32>
      %gather3A_761 = tpu.vector_load_idx %arg6[%iota3A, %broadcast_in_dim3A_760] : memref<16x39xi32, #tpu.memory_space<vmem>>[vector<16xi32>, vector<16xi32>], vector<16xi32>,
      %add3A_762 = arith.constant 512000 : i32
      %add3A_763 = vector.broadcast %add3A_762 : i32 to vector<16xi32>
      %add3A_764 = arith.addi %gather3A_761, %add3A_763 : vector<16xi32>
      %swap3A_765 = arith.constant 11 : i32
      %swap3A_766 = arith.index_cast %swap3A_765 : i32 to index
      %swap3A_767 = arith.constant 0 : index
      %swap3A_768 = tpu.vector_load %arg8[%swap3A_766, %swap3A_767] {strides = array<i32>} : memref<13x32xi32, #tpu.memory_space<vmem>>, vector<16xi32>,
      tpu.vector_store %arg8[%swap3A_766, %swap3A_767], %add3A_764 {strides = array<i32>} : memref<13x32xi32, #tpu.memory_space<vmem>>, vector<16xi32>,
      %broadcast_in_dim3A_769 = arith.constant 23 : i32
      %broadcast_in_dim3A_770 = vector.broadcast %broadcast_in_dim3A_769 : i32 to vector<16xi32>
      %gather3A_771 = tpu.vector_load_idx %arg6[%iota3A, %broadcast_in_dim3A_770] : memref<16x39xi32, #tpu.memory_space<vmem>>[vector<16xi32>, vector<16xi32>], vector<16xi32>,
      %add3A_772 = arith.constant 512000 : i32
      %add3A_773 = vector.broadcast %add3A_772 : i32 to vector<16xi32>
      %add3A_774 = arith.addi %gather3A_771, %add3A_773 : vector<16xi32>
      %swap3A_775 = arith.constant 11 : i32
      %swap3A_776 = arith.index_cast %swap3A_775 : i32 to index
      %swap3A_777 = arith.constant 16 : index
      %swap3A_778 = tpu.vector_load %arg8[%swap3A_776, %swap3A_777] {strides = array<i32>} : memref<13x32xi32, #tpu.memory_space<vmem>>, vector<16xi32>,
      tpu.vector_store %arg8[%swap3A_776, %swap3A_777], %add3A_774 {strides = array<i32>} : memref<13x32xi32, #tpu.memory_space<vmem>>, vector<16xi32>,
      %broadcast_in_dim3A_779 = arith.constant 24 : i32
      %broadcast_in_dim3A_780 = vector.broadcast %broadcast_in_dim3A_779 : i32 to vector<16xi32>
      %gather3A_781 = tpu.vector_load_idx %arg6[%iota3A, %broadcast_in_dim3A_780] : memref<16x39xi32, #tpu.memory_space<vmem>>[vector<16xi32>, vector<16xi32>], vector<16xi32>,
      %add3A_782 = arith.constant 0 : i32
      %add3A_783 = vector.broadcast %add3A_782 : i32 to vector<16xi32>
      %add3A_784 = arith.addi %gather3A_781, %add3A_783 : vector<16xi32>
      %swap3A_785 = arith.constant 12 : i32
      %swap3A_786 = arith.index_cast %swap3A_785 : i32 to index
      %swap3A_787 = arith.constant 0 : index
      %swap3A_788 = tpu.vector_load %arg8[%swap3A_786, %swap3A_787] {strides = array<i32>} : memref<13x32xi32, #tpu.memory_space<vmem>>, vector<16xi32>,
      tpu.vector_store %arg8[%swap3A_786, %swap3A_787], %add3A_784 {strides = array<i32>} : memref<13x32xi32, #tpu.memory_space<vmem>>, vector<16xi32>,
      %broadcast_in_dim3A_789 = arith.constant 25 : i32
      %broadcast_in_dim3A_790 = vector.broadcast %broadcast_in_dim3A_789 : i32 to vector<16xi32>
      %gather3A_791 = tpu.vector_load_idx %arg6[%iota3A, %broadcast_in_dim3A_790] : memref<16x39xi32, #tpu.memory_space<vmem>>[vector<16xi32>, vector<16xi32>], vector<16xi32>,
      %add3A_792 = arith.constant 0 : i32
      %add3A_793 = vector.broadcast %add3A_792 : i32 to vector<16xi32>
      %add3A_794 = arith.addi %gather3A_791, %add3A_793 : vector<16xi32>
      %swap3A_795 = arith.constant 12 : i32
      %swap3A_796 = arith.index_cast %swap3A_795 : i32 to index
      %swap3A_797 = arith.constant 16 : index
      %swap3A_798 = tpu.vector_load %arg8[%swap3A_796, %swap3A_797] {strides = array<i32>} : memref<13x32xi32, #tpu.memory_space<vmem>>, vector<16xi32>,
      tpu.vector_store %arg8[%swap3A_796, %swap3A_797], %add3A_794 {strides = array<i32>} : memref<13x32xi32, #tpu.memory_space<vmem>>, vector<16xi32>,
      %dma_start3A_799 = arith.constant 0 : i32
      %dma_start3A_800 = arith.constant 0 : i32
      %dma_start3A_801 = arith.constant 0 : i32
      %dma_start3A_802 = tpu.memref_slice %arg10[%dma_start3A_800, %dma_start3A_801] : memref<416x128xf32, #tpu.memory_space<vmem>> -> memref<32x128xf32, #tpu.memory_space<vmem>>
      %dma_start3A_803 = arith.constant 0 : i32
      %dma_start3A_804 = tpu.memref_slice %arg8[%dma_start3A_799, %dma_start3A_803] : memref<13x32xi32, #tpu.memory_space<vmem>> -> memref<1x32xi32, #tpu.memory_space<vmem>>
      %dma_start3A_805 = tpu.memref_squeeze %dma_start3A_804 : memref<1x32xi32, #tpu.memory_space<vmem>> -> memref<32xi32, #tpu.memory_space<vmem>>
      %dma_start3A_806 = arith.constant 0 : i32
      %dma_start3A_807 = arith.constant 0 : i32
      %dma_start3A_808 = tpu.memref_slice %arg3[%dma_start3A_806, %dma_start3A_807] : memref<614400x128xf32, #tpu.memory_space<hbm>> -> memref<614400x128xf32, #tpu.memory_space<hbm>>
      tpu.enqueue_indirect_dma source(%dma_start3A_808 : memref<614400x128xf32, #tpu.memory_space<hbm>>) target(%dma_start3A_802 : memref<32x128xf32, #tpu.memory_space<vmem>>) offsets(%dma_start3A_805 : memref<32xi32, #tpu.memory_space<vmem>>) semaphore(%arg13 : memref<!tpu.dma_semaphore, #tpu.memory_space<semaphore_mem>>)
      %dma_start3A_809 = arith.constant 1 : i32
      %dma_start3A_810 = arith.constant 32 : i32
      %dma_start3A_811 = arith.constant 0 : i32
      %dma_start3A_812 = tpu.memref_slice %arg10[%dma_start3A_810, %dma_start3A_811] : memref<416x128xf32, #tpu.memory_space<vmem>> -> memref<32x128xf32, #tpu.memory_space<vmem>>
      %dma_start3A_813 = arith.constant 0 : i32
      %dma_start3A_814 = tpu.memref_slice %arg8[%dma_start3A_809, %dma_start3A_813] : memref<13x32xi32, #tpu.memory_space<vmem>> -> memref<1x32xi32, #tpu.memory_space<vmem>>
      %dma_start3A_815 = tpu.memref_squeeze %dma_start3A_814 : memref<1x32xi32, #tpu.memory_space<vmem>> -> memref<32xi32, #tpu.memory_space<vmem>>
      %dma_start3A_816 = arith.constant 0 : i32
      %dma_start3A_817 = arith.constant 0 : i32
      %dma_start3A_818 = tpu.memref_slice %arg3[%dma_start3A_816, %dma_start3A_817] : memref<614400x128xf32, #tpu.memory_space<hbm>> -> memref<614400x128xf32, #tpu.memory_space<hbm>>
      tpu.enqueue_indirect_dma source(%dma_start3A_818 : memref<614400x128xf32, #tpu.memory_space<hbm>>) target(%dma_start3A_812 : memref<32x128xf32, #tpu.memory_space<vmem>>) offsets(%dma_start3A_815 : memref<32xi32, #tpu.memory_space<vmem>>) semaphore(%arg13 : memref<!tpu.dma_semaphore, #tpu.memory_space<semaphore_mem>>)
      %dma_start3A_819 = arith.constant 2 : i32
      %dma_start3A_820 = arith.constant 64 : i32
      %dma_start3A_821 = arith.constant 0 : i32
      %dma_start3A_822 = tpu.memref_slice %arg10[%dma_start3A_820, %dma_start3A_821] : memref<416x128xf32, #tpu.memory_space<vmem>> -> memref<32x128xf32, #tpu.memory_space<vmem>>
      %dma_start3A_823 = arith.constant 0 : i32
      %dma_start3A_824 = tpu.memref_slice %arg8[%dma_start3A_819, %dma_start3A_823] : memref<13x32xi32, #tpu.memory_space<vmem>> -> memref<1x32xi32, #tpu.memory_space<vmem>>
      %dma_start3A_825 = tpu.memref_squeeze %dma_start3A_824 : memref<1x32xi32, #tpu.memory_space<vmem>> -> memref<32xi32, #tpu.memory_space<vmem>>
      %dma_start3A_826 = arith.constant 0 : i32
      %dma_start3A_827 = arith.constant 0 : i32
      %dma_start3A_828 = tpu.memref_slice %arg3[%dma_start3A_826, %dma_start3A_827] : memref<614400x128xf32, #tpu.memory_space<hbm>> -> memref<614400x128xf32, #tpu.memory_space<hbm>>
      tpu.enqueue_indirect_dma source(%dma_start3A_828 : memref<614400x128xf32, #tpu.memory_space<hbm>>) target(%dma_start3A_822 : memref<32x128xf32, #tpu.memory_space<vmem>>) offsets(%dma_start3A_825 : memref<32xi32, #tpu.memory_space<vmem>>) semaphore(%arg13 : memref<!tpu.dma_semaphore, #tpu.memory_space<semaphore_mem>>)
      %dma_start3A_829 = arith.constant 3 : i32
      %dma_start3A_830 = arith.constant 96 : i32
      %dma_start3A_831 = arith.constant 0 : i32
      %dma_start3A_832 = tpu.memref_slice %arg10[%dma_start3A_830, %dma_start3A_831] : memref<416x128xf32, #tpu.memory_space<vmem>> -> memref<32x128xf32, #tpu.memory_space<vmem>>
      %dma_start3A_833 = arith.constant 0 : i32
      %dma_start3A_834 = tpu.memref_slice %arg8[%dma_start3A_829, %dma_start3A_833] : memref<13x32xi32, #tpu.memory_space<vmem>> -> memref<1x32xi32, #tpu.memory_space<vmem>>
      %dma_start3A_835 = tpu.memref_squeeze %dma_start3A_834 : memref<1x32xi32, #tpu.memory_space<vmem>> -> memref<32xi32, #tpu.memory_space<vmem>>
      %dma_start3A_836 = arith.constant 0 : i32
      %dma_start3A_837 = arith.constant 0 : i32
      %dma_start3A_838 = tpu.memref_slice %arg3[%dma_start3A_836, %dma_start3A_837] : memref<614400x128xf32, #tpu.memory_space<hbm>> -> memref<614400x128xf32, #tpu.memory_space<hbm>>
      tpu.enqueue_indirect_dma source(%dma_start3A_838 : memref<614400x128xf32, #tpu.memory_space<hbm>>) target(%dma_start3A_832 : memref<32x128xf32, #tpu.memory_space<vmem>>) offsets(%dma_start3A_835 : memref<32xi32, #tpu.memory_space<vmem>>) semaphore(%arg13 : memref<!tpu.dma_semaphore, #tpu.memory_space<semaphore_mem>>)
      %dma_start3A_839 = arith.constant 4 : i32
      %dma_start3A_840 = arith.constant 128 : i32
      %dma_start3A_841 = arith.constant 0 : i32
      %dma_start3A_842 = tpu.memref_slice %arg10[%dma_start3A_840, %dma_start3A_841] : memref<416x128xf32, #tpu.memory_space<vmem>> -> memref<32x128xf32, #tpu.memory_space<vmem>>
      %dma_start3A_843 = arith.constant 0 : i32
      %dma_start3A_844 = tpu.memref_slice %arg8[%dma_start3A_839, %dma_start3A_843] : memref<13x32xi32, #tpu.memory_space<vmem>> -> memref<1x32xi32, #tpu.memory_space<vmem>>
      %dma_start3A_845 = tpu.memref_squeeze %dma_start3A_844 : memref<1x32xi32, #tpu.memory_space<vmem>> -> memref<32xi32, #tpu.memory_space<vmem>>
      %dma_start3A_846 = arith.constant 0 : i32
      %dma_start3A_847 = arith.constant 0 : i32
      %dma_start3A_848 = tpu.memref_slice %arg3[%dma_start3A_846, %dma_start3A_847] : memref<614400x128xf32, #tpu.memory_space<hbm>> -> memref<614400x128xf32, #tpu.memory_space<hbm>>
      tpu.enqueue_indirect_dma source(%dma_start3A_848 : memref<614400x128xf32, #tpu.memory_space<hbm>>) target(%dma_start3A_842 : memref<32x128xf32, #tpu.memory_space<vmem>>) offsets(%dma_start3A_845 : memref<32xi32, #tpu.memory_space<vmem>>) semaphore(%arg13 : memref<!tpu.dma_semaphore, #tpu.memory_space<semaphore_mem>>)
      %dma_start3A_849 = arith.constant 5 : i32
      %dma_start3A_850 = arith.constant 160 : i32
      %dma_start3A_851 = arith.constant 0 : i32
      %dma_start3A_852 = tpu.memref_slice %arg10[%dma_start3A_850, %dma_start3A_851] : memref<416x128xf32, #tpu.memory_space<vmem>> -> memref<32x128xf32, #tpu.memory_space<vmem>>
      %dma_start3A_853 = arith.constant 0 : i32
      %dma_start3A_854 = tpu.memref_slice %arg8[%dma_start3A_849, %dma_start3A_853] : memref<13x32xi32, #tpu.memory_space<vmem>> -> memref<1x32xi32, #tpu.memory_space<vmem>>
      %dma_start3A_855 = tpu.memref_squeeze %dma_start3A_854 : memref<1x32xi32, #tpu.memory_space<vmem>> -> memref<32xi32, #tpu.memory_space<vmem>>
      %dma_start3A_856 = arith.constant 0 : i32
      %dma_start3A_857 = arith.constant 0 : i32
      %dma_start3A_858 = tpu.memref_slice %arg3[%dma_start3A_856, %dma_start3A_857] : memref<614400x128xf32, #tpu.memory_space<hbm>> -> memref<614400x128xf32, #tpu.memory_space<hbm>>
      tpu.enqueue_indirect_dma source(%dma_start3A_858 : memref<614400x128xf32, #tpu.memory_space<hbm>>) target(%dma_start3A_852 : memref<32x128xf32, #tpu.memory_space<vmem>>) offsets(%dma_start3A_855 : memref<32xi32, #tpu.memory_space<vmem>>) semaphore(%arg13 : memref<!tpu.dma_semaphore, #tpu.memory_space<semaphore_mem>>)
      %dma_start3A_859 = arith.constant 6 : i32
      %dma_start3A_860 = arith.constant 192 : i32
      %dma_start3A_861 = arith.constant 0 : i32
      %dma_start3A_862 = tpu.memref_slice %arg10[%dma_start3A_860, %dma_start3A_861] : memref<416x128xf32, #tpu.memory_space<vmem>> -> memref<32x128xf32, #tpu.memory_space<vmem>>
      %dma_start3A_863 = arith.constant 0 : i32
      %dma_start3A_864 = tpu.memref_slice %arg8[%dma_start3A_859, %dma_start3A_863] : memref<13x32xi32, #tpu.memory_space<vmem>> -> memref<1x32xi32, #tpu.memory_space<vmem>>
      %dma_start3A_865 = tpu.memref_squeeze %dma_start3A_864 : memref<1x32xi32, #tpu.memory_space<vmem>> -> memref<32xi32, #tpu.memory_space<vmem>>
      %dma_start3A_866 = arith.constant 0 : i32
      %dma_start3A_867 = arith.constant 0 : i32
      %dma_start3A_868 = tpu.memref_slice %arg3[%dma_start3A_866, %dma_start3A_867] : memref<614400x128xf32, #tpu.memory_space<hbm>> -> memref<614400x128xf32, #tpu.memory_space<hbm>>
      tpu.enqueue_indirect_dma source(%dma_start3A_868 : memref<614400x128xf32, #tpu.memory_space<hbm>>) target(%dma_start3A_862 : memref<32x128xf32, #tpu.memory_space<vmem>>) offsets(%dma_start3A_865 : memref<32xi32, #tpu.memory_space<vmem>>) semaphore(%arg13 : memref<!tpu.dma_semaphore, #tpu.memory_space<semaphore_mem>>)
      %dma_start3A_869 = arith.constant 7 : i32
      %dma_start3A_870 = arith.constant 224 : i32
      %dma_start3A_871 = arith.constant 0 : i32
      %dma_start3A_872 = tpu.memref_slice %arg10[%dma_start3A_870, %dma_start3A_871] : memref<416x128xf32, #tpu.memory_space<vmem>> -> memref<32x128xf32, #tpu.memory_space<vmem>>
      %dma_start3A_873 = arith.constant 0 : i32
      %dma_start3A_874 = tpu.memref_slice %arg8[%dma_start3A_869, %dma_start3A_873] : memref<13x32xi32, #tpu.memory_space<vmem>> -> memref<1x32xi32, #tpu.memory_space<vmem>>
      %dma_start3A_875 = tpu.memref_squeeze %dma_start3A_874 : memref<1x32xi32, #tpu.memory_space<vmem>> -> memref<32xi32, #tpu.memory_space<vmem>>
      %dma_start3A_876 = arith.constant 0 : i32
      %dma_start3A_877 = arith.constant 0 : i32
      %dma_start3A_878 = tpu.memref_slice %arg3[%dma_start3A_876, %dma_start3A_877] : memref<614400x128xf32, #tpu.memory_space<hbm>> -> memref<614400x128xf32, #tpu.memory_space<hbm>>
      tpu.enqueue_indirect_dma source(%dma_start3A_878 : memref<614400x128xf32, #tpu.memory_space<hbm>>) target(%dma_start3A_872 : memref<32x128xf32, #tpu.memory_space<vmem>>) offsets(%dma_start3A_875 : memref<32xi32, #tpu.memory_space<vmem>>) semaphore(%arg13 : memref<!tpu.dma_semaphore, #tpu.memory_space<semaphore_mem>>)
      %dma_start3A_879 = arith.constant 8 : i32
      %dma_start3A_880 = arith.constant 256 : i32
      %dma_start3A_881 = arith.constant 0 : i32
      %dma_start3A_882 = tpu.memref_slice %arg10[%dma_start3A_880, %dma_start3A_881] : memref<416x128xf32, #tpu.memory_space<vmem>> -> memref<32x128xf32, #tpu.memory_space<vmem>>
      %dma_start3A_883 = arith.constant 0 : i32
      %dma_start3A_884 = tpu.memref_slice %arg8[%dma_start3A_879, %dma_start3A_883] : memref<13x32xi32, #tpu.memory_space<vmem>> -> memref<1x32xi32, #tpu.memory_space<vmem>>
      %dma_start3A_885 = tpu.memref_squeeze %dma_start3A_884 : memref<1x32xi32, #tpu.memory_space<vmem>> -> memref<32xi32, #tpu.memory_space<vmem>>
      %dma_start3A_886 = arith.constant 0 : i32
      %dma_start3A_887 = arith.constant 0 : i32
      %dma_start3A_888 = tpu.memref_slice %arg3[%dma_start3A_886, %dma_start3A_887] : memref<614400x128xf32, #tpu.memory_space<hbm>> -> memref<614400x128xf32, #tpu.memory_space<hbm>>
      tpu.enqueue_indirect_dma source(%dma_start3A_888 : memref<614400x128xf32, #tpu.memory_space<hbm>>) target(%dma_start3A_882 : memref<32x128xf32, #tpu.memory_space<vmem>>) offsets(%dma_start3A_885 : memref<32xi32, #tpu.memory_space<vmem>>) semaphore(%arg13 : memref<!tpu.dma_semaphore, #tpu.memory_space<semaphore_mem>>)
      %dma_start3A_889 = arith.constant 9 : i32
      %dma_start3A_890 = arith.constant 288 : i32
      %dma_start3A_891 = arith.constant 0 : i32
      %dma_start3A_892 = tpu.memref_slice %arg10[%dma_start3A_890, %dma_start3A_891] : memref<416x128xf32, #tpu.memory_space<vmem>> -> memref<32x128xf32, #tpu.memory_space<vmem>>
      %dma_start3A_893 = arith.constant 0 : i32
      %dma_start3A_894 = tpu.memref_slice %arg8[%dma_start3A_889, %dma_start3A_893] : memref<13x32xi32, #tpu.memory_space<vmem>> -> memref<1x32xi32, #tpu.memory_space<vmem>>
      %dma_start3A_895 = tpu.memref_squeeze %dma_start3A_894 : memref<1x32xi32, #tpu.memory_space<vmem>> -> memref<32xi32, #tpu.memory_space<vmem>>
      %dma_start3A_896 = arith.constant 0 : i32
      %dma_start3A_897 = arith.constant 0 : i32
      %dma_start3A_898 = tpu.memref_slice %arg3[%dma_start3A_896, %dma_start3A_897] : memref<614400x128xf32, #tpu.memory_space<hbm>> -> memref<614400x128xf32, #tpu.memory_space<hbm>>
      tpu.enqueue_indirect_dma source(%dma_start3A_898 : memref<614400x128xf32, #tpu.memory_space<hbm>>) target(%dma_start3A_892 : memref<32x128xf32, #tpu.memory_space<vmem>>) offsets(%dma_start3A_895 : memref<32xi32, #tpu.memory_space<vmem>>) semaphore(%arg13 : memref<!tpu.dma_semaphore, #tpu.memory_space<semaphore_mem>>)
      %dma_start3A_899 = arith.constant 10 : i32
      %dma_start3A_900 = arith.constant 320 : i32
      %dma_start3A_901 = arith.constant 0 : i32
      %dma_start3A_902 = tpu.memref_slice %arg10[%dma_start3A_900, %dma_start3A_901] : memref<416x128xf32, #tpu.memory_space<vmem>> -> memref<32x128xf32, #tpu.memory_space<vmem>>
      %dma_start3A_903 = arith.constant 0 : i32
      %dma_start3A_904 = tpu.memref_slice %arg8[%dma_start3A_899, %dma_start3A_903] : memref<13x32xi32, #tpu.memory_space<vmem>> -> memref<1x32xi32, #tpu.memory_space<vmem>>
      %dma_start3A_905 = tpu.memref_squeeze %dma_start3A_904 : memref<1x32xi32, #tpu.memory_space<vmem>> -> memref<32xi32, #tpu.memory_space<vmem>>
      %dma_start3A_906 = arith.constant 0 : i32
      %dma_start3A_907 = arith.constant 0 : i32
      %dma_start3A_908 = tpu.memref_slice %arg3[%dma_start3A_906, %dma_start3A_907] : memref<614400x128xf32, #tpu.memory_space<hbm>> -> memref<614400x128xf32, #tpu.memory_space<hbm>>
      tpu.enqueue_indirect_dma source(%dma_start3A_908 : memref<614400x128xf32, #tpu.memory_space<hbm>>) target(%dma_start3A_902 : memref<32x128xf32, #tpu.memory_space<vmem>>) offsets(%dma_start3A_905 : memref<32xi32, #tpu.memory_space<vmem>>) semaphore(%arg13 : memref<!tpu.dma_semaphore, #tpu.memory_space<semaphore_mem>>)
      %dma_start3A_909 = arith.constant 11 : i32
      %dma_start3A_910 = arith.constant 352 : i32
      %dma_start3A_911 = arith.constant 0 : i32
      %dma_start3A_912 = tpu.memref_slice %arg10[%dma_start3A_910, %dma_start3A_911] : memref<416x128xf32, #tpu.memory_space<vmem>> -> memref<32x128xf32, #tpu.memory_space<vmem>>
      %dma_start3A_913 = arith.constant 0 : i32
      %dma_start3A_914 = tpu.memref_slice %arg8[%dma_start3A_909, %dma_start3A_913] : memref<13x32xi32, #tpu.memory_space<vmem>> -> memref<1x32xi32, #tpu.memory_space<vmem>>
      %dma_start3A_915 = tpu.memref_squeeze %dma_start3A_914 : memref<1x32xi32, #tpu.memory_space<vmem>> -> memref<32xi32, #tpu.memory_space<vmem>>
      %dma_start3A_916 = arith.constant 0 : i32
      %dma_start3A_917 = arith.constant 0 : i32
      %dma_start3A_918 = tpu.memref_slice %arg3[%dma_start3A_916, %dma_start3A_917] : memref<614400x128xf32, #tpu.memory_space<hbm>> -> memref<614400x128xf32, #tpu.memory_space<hbm>>
      tpu.enqueue_indirect_dma source(%dma_start3A_918 : memref<614400x128xf32, #tpu.memory_space<hbm>>) target(%dma_start3A_912 : memref<32x128xf32, #tpu.memory_space<vmem>>) offsets(%dma_start3A_915 : memref<32xi32, #tpu.memory_space<vmem>>) semaphore(%arg13 : memref<!tpu.dma_semaphore, #tpu.memory_space<semaphore_mem>>)
      %dma_start3A_919 = arith.constant 12 : i32
      %dma_start3A_920 = arith.constant 384 : i32
      %dma_start3A_921 = arith.constant 0 : i32
      %dma_start3A_922 = tpu.memref_slice %arg10[%dma_start3A_920, %dma_start3A_921] : memref<416x128xf32, #tpu.memory_space<vmem>> -> memref<32x128xf32, #tpu.memory_space<vmem>>
      %dma_start3A_923 = arith.constant 0 : i32
      %dma_start3A_924 = tpu.memref_slice %arg8[%dma_start3A_919, %dma_start3A_923] : memref<13x32xi32, #tpu.memory_space<vmem>> -> memref<1x32xi32, #tpu.memory_space<vmem>>
      %dma_start3A_925 = tpu.memref_squeeze %dma_start3A_924 : memref<1x32xi32, #tpu.memory_space<vmem>> -> memref<32xi32, #tpu.memory_space<vmem>>
      %dma_start3A_926 = arith.constant 0 : i32
      %dma_start3A_927 = arith.constant 0 : i32
      %dma_start3A_928 = tpu.memref_slice %arg4[%dma_start3A_926, %dma_start3A_927] : memref<102400x128xf32, #tpu.memory_space<hbm>> -> memref<102400x128xf32, #tpu.memory_space<hbm>>
      tpu.enqueue_indirect_dma source(%dma_start3A_928 : memref<102400x128xf32, #tpu.memory_space<hbm>>) target(%dma_start3A_922 : memref<32x128xf32, #tpu.memory_space<vmem>>) offsets(%dma_start3A_925 : memref<32xi32, #tpu.memory_space<vmem>>) semaphore(%arg13 : memref<!tpu.dma_semaphore, #tpu.memory_space<semaphore_mem>>)
      %dma_wait3A_929 = arith.constant 0 : i32
      %dma_wait3A_930 = arith.constant 0 : i32
      %dma_wait3A_931 = arith.constant 0 : i32
      %dma_wait3A_932 = tpu.memref_slice %arg9[%dma_wait3A_930, %dma_wait3A_931] : memref<416x128xf32, #tpu.memory_space<vmem>> -> memref<32x128xf32, #tpu.memory_space<vmem>>
      %dma_wait3A_933 = arith.constant 0 : i32
      %dma_wait3A_934 = tpu.memref_slice %arg7[%dma_wait3A_929, %dma_wait3A_933] : memref<13x32xi32, #tpu.memory_space<vmem>> -> memref<1x32xi32, #tpu.memory_space<vmem>>
      %dma_wait3A_935 = tpu.memref_squeeze %dma_wait3A_934 : memref<1x32xi32, #tpu.memory_space<vmem>> -> memref<32xi32, #tpu.memory_space<vmem>>
      %dma_wait3A_936 = arith.constant 0 : i32
      %dma_wait3A_937 = arith.constant 0 : i32
      %dma_wait3A_938 = tpu.memref_slice %arg3[%dma_wait3A_936, %dma_wait3A_937] : memref<614400x128xf32, #tpu.memory_space<hbm>> -> memref<614400x128xf32, #tpu.memory_space<hbm>>
      tpu.wait_indirect_dma semaphore(%arg12 : memref<!tpu.dma_semaphore, #tpu.memory_space<semaphore_mem>>) src(%dma_wait3A_938 : memref<614400x128xf32, #tpu.memory_space<hbm>>) dst(%dma_wait3A_932 : memref<32x128xf32, #tpu.memory_space<vmem>>)
      %dma_wait3A_939 = arith.constant 1 : i32
      %dma_wait3A_940 = arith.constant 32 : i32
      %dma_wait3A_941 = arith.constant 0 : i32
      %dma_wait3A_942 = tpu.memref_slice %arg9[%dma_wait3A_940, %dma_wait3A_941] : memref<416x128xf32, #tpu.memory_space<vmem>> -> memref<32x128xf32, #tpu.memory_space<vmem>>
      %dma_wait3A_943 = arith.constant 0 : i32
      %dma_wait3A_944 = tpu.memref_slice %arg7[%dma_wait3A_939, %dma_wait3A_943] : memref<13x32xi32, #tpu.memory_space<vmem>> -> memref<1x32xi32, #tpu.memory_space<vmem>>
      %dma_wait3A_945 = tpu.memref_squeeze %dma_wait3A_944 : memref<1x32xi32, #tpu.memory_space<vmem>> -> memref<32xi32, #tpu.memory_space<vmem>>
      %dma_wait3A_946 = arith.constant 0 : i32
      %dma_wait3A_947 = arith.constant 0 : i32
      %dma_wait3A_948 = tpu.memref_slice %arg3[%dma_wait3A_946, %dma_wait3A_947] : memref<614400x128xf32, #tpu.memory_space<hbm>> -> memref<614400x128xf32, #tpu.memory_space<hbm>>
      tpu.wait_indirect_dma semaphore(%arg12 : memref<!tpu.dma_semaphore, #tpu.memory_space<semaphore_mem>>) src(%dma_wait3A_948 : memref<614400x128xf32, #tpu.memory_space<hbm>>) dst(%dma_wait3A_942 : memref<32x128xf32, #tpu.memory_space<vmem>>)
      %dma_wait3A_949 = arith.constant 2 : i32
      %dma_wait3A_950 = arith.constant 64 : i32
      %dma_wait3A_951 = arith.constant 0 : i32
      %dma_wait3A_952 = tpu.memref_slice %arg9[%dma_wait3A_950, %dma_wait3A_951] : memref<416x128xf32, #tpu.memory_space<vmem>> -> memref<32x128xf32, #tpu.memory_space<vmem>>
      %dma_wait3A_953 = arith.constant 0 : i32
      %dma_wait3A_954 = tpu.memref_slice %arg7[%dma_wait3A_949, %dma_wait3A_953] : memref<13x32xi32, #tpu.memory_space<vmem>> -> memref<1x32xi32, #tpu.memory_space<vmem>>
      %dma_wait3A_955 = tpu.memref_squeeze %dma_wait3A_954 : memref<1x32xi32, #tpu.memory_space<vmem>> -> memref<32xi32, #tpu.memory_space<vmem>>
      %dma_wait3A_956 = arith.constant 0 : i32
      %dma_wait3A_957 = arith.constant 0 : i32
      %dma_wait3A_958 = tpu.memref_slice %arg3[%dma_wait3A_956, %dma_wait3A_957] : memref<614400x128xf32, #tpu.memory_space<hbm>> -> memref<614400x128xf32, #tpu.memory_space<hbm>>
      tpu.wait_indirect_dma semaphore(%arg12 : memref<!tpu.dma_semaphore, #tpu.memory_space<semaphore_mem>>) src(%dma_wait3A_958 : memref<614400x128xf32, #tpu.memory_space<hbm>>) dst(%dma_wait3A_952 : memref<32x128xf32, #tpu.memory_space<vmem>>)
      %dma_wait3A_959 = arith.constant 3 : i32
      %dma_wait3A_960 = arith.constant 96 : i32
      %dma_wait3A_961 = arith.constant 0 : i32
      %dma_wait3A_962 = tpu.memref_slice %arg9[%dma_wait3A_960, %dma_wait3A_961] : memref<416x128xf32, #tpu.memory_space<vmem>> -> memref<32x128xf32, #tpu.memory_space<vmem>>
      %dma_wait3A_963 = arith.constant 0 : i32
      %dma_wait3A_964 = tpu.memref_slice %arg7[%dma_wait3A_959, %dma_wait3A_963] : memref<13x32xi32, #tpu.memory_space<vmem>> -> memref<1x32xi32, #tpu.memory_space<vmem>>
      %dma_wait3A_965 = tpu.memref_squeeze %dma_wait3A_964 : memref<1x32xi32, #tpu.memory_space<vmem>> -> memref<32xi32, #tpu.memory_space<vmem>>
      %dma_wait3A_966 = arith.constant 0 : i32
      %dma_wait3A_967 = arith.constant 0 : i32
      %dma_wait3A_968 = tpu.memref_slice %arg3[%dma_wait3A_966, %dma_wait3A_967] : memref<614400x128xf32, #tpu.memory_space<hbm>> -> memref<614400x128xf32, #tpu.memory_space<hbm>>
      tpu.wait_indirect_dma semaphore(%arg12 : memref<!tpu.dma_semaphore, #tpu.memory_space<semaphore_mem>>) src(%dma_wait3A_968 : memref<614400x128xf32, #tpu.memory_space<hbm>>) dst(%dma_wait3A_962 : memref<32x128xf32, #tpu.memory_space<vmem>>)
      %dma_wait3A_969 = arith.constant 4 : i32
      %dma_wait3A_970 = arith.constant 128 : i32
      %dma_wait3A_971 = arith.constant 0 : i32
      %dma_wait3A_972 = tpu.memref_slice %arg9[%dma_wait3A_970, %dma_wait3A_971] : memref<416x128xf32, #tpu.memory_space<vmem>> -> memref<32x128xf32, #tpu.memory_space<vmem>>
      %dma_wait3A_973 = arith.constant 0 : i32
      %dma_wait3A_974 = tpu.memref_slice %arg7[%dma_wait3A_969, %dma_wait3A_973] : memref<13x32xi32, #tpu.memory_space<vmem>> -> memref<1x32xi32, #tpu.memory_space<vmem>>
      %dma_wait3A_975 = tpu.memref_squeeze %dma_wait3A_974 : memref<1x32xi32, #tpu.memory_space<vmem>> -> memref<32xi32, #tpu.memory_space<vmem>>
      %dma_wait3A_976 = arith.constant 0 : i32
      %dma_wait3A_977 = arith.constant 0 : i32
      %dma_wait3A_978 = tpu.memref_slice %arg3[%dma_wait3A_976, %dma_wait3A_977] : memref<614400x128xf32, #tpu.memory_space<hbm>> -> memref<614400x128xf32, #tpu.memory_space<hbm>>
      tpu.wait_indirect_dma semaphore(%arg12 : memref<!tpu.dma_semaphore, #tpu.memory_space<semaphore_mem>>) src(%dma_wait3A_978 : memref<614400x128xf32, #tpu.memory_space<hbm>>) dst(%dma_wait3A_972 : memref<32x128xf32, #tpu.memory_space<vmem>>)
      %dma_wait3A_979 = arith.constant 5 : i32
      %dma_wait3A_980 = arith.constant 160 : i32
      %dma_wait3A_981 = arith.constant 0 : i32
      %dma_wait3A_982 = tpu.memref_slice %arg9[%dma_wait3A_980, %dma_wait3A_981] : memref<416x128xf32, #tpu.memory_space<vmem>> -> memref<32x128xf32, #tpu.memory_space<vmem>>
      %dma_wait3A_983 = arith.constant 0 : i32
      %dma_wait3A_984 = tpu.memref_slice %arg7[%dma_wait3A_979, %dma_wait3A_983] : memref<13x32xi32, #tpu.memory_space<vmem>> -> memref<1x32xi32, #tpu.memory_space<vmem>>
      %dma_wait3A_985 = tpu.memref_squeeze %dma_wait3A_984 : memref<1x32xi32, #tpu.memory_space<vmem>> -> memref<32xi32, #tpu.memory_space<vmem>>
      %dma_wait3A_986 = arith.constant 0 : i32
      %dma_wait3A_987 = arith.constant 0 : i32
      %dma_wait3A_988 = tpu.memref_slice %arg3[%dma_wait3A_986, %dma_wait3A_987] : memref<614400x128xf32, #tpu.memory_space<hbm>> -> memref<614400x128xf32, #tpu.memory_space<hbm>>
      tpu.wait_indirect_dma semaphore(%arg12 : memref<!tpu.dma_semaphore, #tpu.memory_space<semaphore_mem>>) src(%dma_wait3A_988 : memref<614400x128xf32, #tpu.memory_space<hbm>>) dst(%dma_wait3A_982 : memref<32x128xf32, #tpu.memory_space<vmem>>)
      %dma_wait3A_989 = arith.constant 6 : i32
      %dma_wait3A_990 = arith.constant 192 : i32
      %dma_wait3A_991 = arith.constant 0 : i32
      %dma_wait3A_992 = tpu.memref_slice %arg9[%dma_wait3A_990, %dma_wait3A_991] : memref<416x128xf32, #tpu.memory_space<vmem>> -> memref<32x128xf32, #tpu.memory_space<vmem>>
      %dma_wait3A_993 = arith.constant 0 : i32
      %dma_wait3A_994 = tpu.memref_slice %arg7[%dma_wait3A_989, %dma_wait3A_993] : memref<13x32xi32, #tpu.memory_space<vmem>> -> memref<1x32xi32, #tpu.memory_space<vmem>>
      %dma_wait3A_995 = tpu.memref_squeeze %dma_wait3A_994 : memref<1x32xi32, #tpu.memory_space<vmem>> -> memref<32xi32, #tpu.memory_space<vmem>>
      %dma_wait3A_996 = arith.constant 0 : i32
      %dma_wait3A_997 = arith.constant 0 : i32
      %dma_wait3A_998 = tpu.memref_slice %arg3[%dma_wait3A_996, %dma_wait3A_997] : memref<614400x128xf32, #tpu.memory_space<hbm>> -> memref<614400x128xf32, #tpu.memory_space<hbm>>
      tpu.wait_indirect_dma semaphore(%arg12 : memref<!tpu.dma_semaphore, #tpu.memory_space<semaphore_mem>>) src(%dma_wait3A_998 : memref<614400x128xf32, #tpu.memory_space<hbm>>) dst(%dma_wait3A_992 : memref<32x128xf32, #tpu.memory_space<vmem>>)
      %dma_wait3A_999 = arith.constant 7 : i32
      %dma_wait3A_1000 = arith.constant 224 : i32
      %dma_wait3A_1001 = arith.constant 0 : i32
      %dma_wait3A_1002 = tpu.memref_slice %arg9[%dma_wait3A_1000, %dma_wait3A_1001] : memref<416x128xf32, #tpu.memory_space<vmem>> -> memref<32x128xf32, #tpu.memory_space<vmem>>
      %dma_wait3A_1003 = arith.constant 0 : i32
      %dma_wait3A_1004 = tpu.memref_slice %arg7[%dma_wait3A_999, %dma_wait3A_1003] : memref<13x32xi32, #tpu.memory_space<vmem>> -> memref<1x32xi32, #tpu.memory_space<vmem>>
      %dma_wait3A_1005 = tpu.memref_squeeze %dma_wait3A_1004 : memref<1x32xi32, #tpu.memory_space<vmem>> -> memref<32xi32, #tpu.memory_space<vmem>>
      %dma_wait3A_1006 = arith.constant 0 : i32
      %dma_wait3A_1007 = arith.constant 0 : i32
      %dma_wait3A_1008 = tpu.memref_slice %arg3[%dma_wait3A_1006, %dma_wait3A_1007] : memref<614400x128xf32, #tpu.memory_space<hbm>> -> memref<614400x128xf32, #tpu.memory_space<hbm>>
      tpu.wait_indirect_dma semaphore(%arg12 : memref<!tpu.dma_semaphore, #tpu.memory_space<semaphore_mem>>) src(%dma_wait3A_1008 : memref<614400x128xf32, #tpu.memory_space<hbm>>) dst(%dma_wait3A_1002 : memref<32x128xf32, #tpu.memory_space<vmem>>)
      %dma_wait3A_1009 = arith.constant 8 : i32
      %dma_wait3A_1010 = arith.constant 256 : i32
      %dma_wait3A_1011 = arith.constant 0 : i32
      %dma_wait3A_1012 = tpu.memref_slice %arg9[%dma_wait3A_1010, %dma_wait3A_1011] : memref<416x128xf32, #tpu.memory_space<vmem>> -> memref<32x128xf32, #tpu.memory_space<vmem>>
      %dma_wait3A_1013 = arith.constant 0 : i32
      %dma_wait3A_1014 = tpu.memref_slice %arg7[%dma_wait3A_1009, %dma_wait3A_1013] : memref<13x32xi32, #tpu.memory_space<vmem>> -> memref<1x32xi32, #tpu.memory_space<vmem>>
      %dma_wait3A_1015 = tpu.memref_squeeze %dma_wait3A_1014 : memref<1x32xi32, #tpu.memory_space<vmem>> -> memref<32xi32, #tpu.memory_space<vmem>>
      %dma_wait3A_1016 = arith.constant 0 : i32
      %dma_wait3A_1017 = arith.constant 0 : i32
      %dma_wait3A_1018 = tpu.memref_slice %arg3[%dma_wait3A_1016, %dma_wait3A_1017] : memref<614400x128xf32, #tpu.memory_space<hbm>> -> memref<614400x128xf32, #tpu.memory_space<hbm>>
      tpu.wait_indirect_dma semaphore(%arg12 : memref<!tpu.dma_semaphore, #tpu.memory_space<semaphore_mem>>) src(%dma_wait3A_1018 : memref<614400x128xf32, #tpu.memory_space<hbm>>) dst(%dma_wait3A_1012 : memref<32x128xf32, #tpu.memory_space<vmem>>)
      %dma_wait3A_1019 = arith.constant 9 : i32
      %dma_wait3A_1020 = arith.constant 288 : i32
      %dma_wait3A_1021 = arith.constant 0 : i32
      %dma_wait3A_1022 = tpu.memref_slice %arg9[%dma_wait3A_1020, %dma_wait3A_1021] : memref<416x128xf32, #tpu.memory_space<vmem>> -> memref<32x128xf32, #tpu.memory_space<vmem>>
      %dma_wait3A_1023 = arith.constant 0 : i32
      %dma_wait3A_1024 = tpu.memref_slice %arg7[%dma_wait3A_1019, %dma_wait3A_1023] : memref<13x32xi32, #tpu.memory_space<vmem>> -> memref<1x32xi32, #tpu.memory_space<vmem>>
      %dma_wait3A_1025 = tpu.memref_squeeze %dma_wait3A_1024 : memref<1x32xi32, #tpu.memory_space<vmem>> -> memref<32xi32, #tpu.memory_space<vmem>>
      %dma_wait3A_1026 = arith.constant 0 : i32
      %dma_wait3A_1027 = arith.constant 0 : i32
      %dma_wait3A_1028 = tpu.memref_slice %arg3[%dma_wait3A_1026, %dma_wait3A_1027] : memref<614400x128xf32, #tpu.memory_space<hbm>> -> memref<614400x128xf32, #tpu.memory_space<hbm>>
      tpu.wait_indirect_dma semaphore(%arg12 : memref<!tpu.dma_semaphore, #tpu.memory_space<semaphore_mem>>) src(%dma_wait3A_1028 : memref<614400x128xf32, #tpu.memory_space<hbm>>) dst(%dma_wait3A_1022 : memref<32x128xf32, #tpu.memory_space<vmem>>)
      %dma_wait3A_1029 = arith.constant 10 : i32
      %dma_wait3A_1030 = arith.constant 320 : i32
      %dma_wait3A_1031 = arith.constant 0 : i32
      %dma_wait3A_1032 = tpu.memref_slice %arg9[%dma_wait3A_1030, %dma_wait3A_1031] : memref<416x128xf32, #tpu.memory_space<vmem>> -> memref<32x128xf32, #tpu.memory_space<vmem>>
      %dma_wait3A_1033 = arith.constant 0 : i32
      %dma_wait3A_1034 = tpu.memref_slice %arg7[%dma_wait3A_1029, %dma_wait3A_1033] : memref<13x32xi32, #tpu.memory_space<vmem>> -> memref<1x32xi32, #tpu.memory_space<vmem>>
      %dma_wait3A_1035 = tpu.memref_squeeze %dma_wait3A_1034 : memref<1x32xi32, #tpu.memory_space<vmem>> -> memref<32xi32, #tpu.memory_space<vmem>>
      %dma_wait3A_1036 = arith.constant 0 : i32
      %dma_wait3A_1037 = arith.constant 0 : i32
      %dma_wait3A_1038 = tpu.memref_slice %arg3[%dma_wait3A_1036, %dma_wait3A_1037] : memref<614400x128xf32, #tpu.memory_space<hbm>> -> memref<614400x128xf32, #tpu.memory_space<hbm>>
      tpu.wait_indirect_dma semaphore(%arg12 : memref<!tpu.dma_semaphore, #tpu.memory_space<semaphore_mem>>) src(%dma_wait3A_1038 : memref<614400x128xf32, #tpu.memory_space<hbm>>) dst(%dma_wait3A_1032 : memref<32x128xf32, #tpu.memory_space<vmem>>)
      %dma_wait3A_1039 = arith.constant 11 : i32
      %dma_wait3A_1040 = arith.constant 352 : i32
      %dma_wait3A_1041 = arith.constant 0 : i32
      %dma_wait3A_1042 = tpu.memref_slice %arg9[%dma_wait3A_1040, %dma_wait3A_1041] : memref<416x128xf32, #tpu.memory_space<vmem>> -> memref<32x128xf32, #tpu.memory_space<vmem>>
      %dma_wait3A_1043 = arith.constant 0 : i32
      %dma_wait3A_1044 = tpu.memref_slice %arg7[%dma_wait3A_1039, %dma_wait3A_1043] : memref<13x32xi32, #tpu.memory_space<vmem>> -> memref<1x32xi32, #tpu.memory_space<vmem>>
      %dma_wait3A_1045 = tpu.memref_squeeze %dma_wait3A_1044 : memref<1x32xi32, #tpu.memory_space<vmem>> -> memref<32xi32, #tpu.memory_space<vmem>>
      %dma_wait3A_1046 = arith.constant 0 : i32
      %dma_wait3A_1047 = arith.constant 0 : i32
      %dma_wait3A_1048 = tpu.memref_slice %arg3[%dma_wait3A_1046, %dma_wait3A_1047] : memref<614400x128xf32, #tpu.memory_space<hbm>> -> memref<614400x128xf32, #tpu.memory_space<hbm>>
      tpu.wait_indirect_dma semaphore(%arg12 : memref<!tpu.dma_semaphore, #tpu.memory_space<semaphore_mem>>) src(%dma_wait3A_1048 : memref<614400x128xf32, #tpu.memory_space<hbm>>) dst(%dma_wait3A_1042 : memref<32x128xf32, #tpu.memory_space<vmem>>)
      %dma_wait3A_1049 = arith.constant 12 : i32
      %dma_wait3A_1050 = arith.constant 384 : i32
      %dma_wait3A_1051 = arith.constant 0 : i32
      %dma_wait3A_1052 = tpu.memref_slice %arg9[%dma_wait3A_1050, %dma_wait3A_1051] : memref<416x128xf32, #tpu.memory_space<vmem>> -> memref<32x128xf32, #tpu.memory_space<vmem>>
      %dma_wait3A_1053 = arith.constant 0 : i32
      %dma_wait3A_1054 = tpu.memref_slice %arg7[%dma_wait3A_1049, %dma_wait3A_1053] : memref<13x32xi32, #tpu.memory_space<vmem>> -> memref<1x32xi32, #tpu.memory_space<vmem>>
      %dma_wait3A_1055 = tpu.memref_squeeze %dma_wait3A_1054 : memref<1x32xi32, #tpu.memory_space<vmem>> -> memref<32xi32, #tpu.memory_space<vmem>>
      %dma_wait3A_1056 = arith.constant 0 : i32
      %dma_wait3A_1057 = arith.constant 0 : i32
      %dma_wait3A_1058 = tpu.memref_slice %arg4[%dma_wait3A_1056, %dma_wait3A_1057] : memref<102400x128xf32, #tpu.memory_space<hbm>> -> memref<102400x128xf32, #tpu.memory_space<hbm>>
      tpu.wait_indirect_dma semaphore(%arg12 : memref<!tpu.dma_semaphore, #tpu.memory_space<semaphore_mem>>) src(%dma_wait3A_1058 : memref<102400x128xf32, #tpu.memory_space<hbm>>) dst(%dma_wait3A_1052 : memref<32x128xf32, #tpu.memory_space<vmem>>)
      %scan3A_1059 = arith.constant 0 : i32
      %scan3A_1060 = arith.constant 16 : i32
      %scan3A_1061 = arith.addi %scan3A_1059, %scan3A_1060 : i32
      %scan3A_1062 = arith.constant 1 : i32
      scf.for %scan3A_1606 = %scan3A_1059 to %scan3A_1061 step %scan3A_1062  : i32 {
        %mul3A_1607 = arith.constant 1 : i32
        %mul3A_1608 = arith.muli %scan3A_1606, %mul3A_1607 : i32
        %add3A_1609 = arith.constant 0 : i32
        %add3A_1610 = arith.addi %add3A_1609, %mul3A_1608 : i32
        %add3A_1611 = arith.constant 0 : i32
        %add3A_1612 = arith.addi %add3A_1611, %add3A_1610 : i32
        %get3A = arith.index_cast %add3A_1612 : i32 to index
        %get3A_1613 = arith.constant 0 : index
        %get3A_1614 = tpu.vector_load %arg9[%get3A, %get3A_1613] {strides = array<i32>} : memref<416x128xf32, #tpu.memory_space<vmem>>, vector<16xf32>,
        %add3A_1615 = arith.constant 16 : i32
        %add3A_1616 = arith.addi %add3A_1615, %add3A_1610 : i32
        %get3A_1617 = arith.index_cast %add3A_1616 : i32 to index
        %get3A_1618 = arith.constant 32 : index
        %get3A_1619 = tpu.vector_load %arg9[%get3A_1617, %get3A_1618] {strides = array<i32>} : memref<416x128xf32, #tpu.memory_space<vmem>>, vector<16xf32>,
        %add3A_1620 = arith.constant 32 : i32
        %add3A_1621 = arith.addi %add3A_1620, %add3A_1610 : i32
        %get3A_1622 = arith.index_cast %add3A_1621 : i32 to index
        %get3A_1623 = arith.constant 64 : index
        %get3A_1624 = tpu.vector_load %arg9[%get3A_1622, %get3A_1623] {strides = array<i32>} : memref<416x128xf32, #tpu.memory_space<vmem>>, vector<16xf32>,
        %add3A_1625 = arith.constant 48 : i32
        %add3A_1626 = arith.addi %add3A_1625, %add3A_1610 : i32
        %get3A_1627 = arith.index_cast %add3A_1626 : i32 to index
        %get3A_1628 = arith.constant 96 : index
        %get3A_1629 = tpu.vector_load %arg9[%get3A_1627, %get3A_1628] {strides = array<i32>} : memref<416x128xf32, #tpu.memory_space<vmem>>, vector<16xf32>,
        %add3A_1630 = arith.constant 64 : i32
        %add3A_1631 = arith.addi %add3A_1630, %add3A_1610 : i32
        %get3A_1632 = arith.index_cast %add3A_1631 : i32 to index
        %get3A_1633 = arith.constant 0 : index
        %get3A_1634 = tpu.vector_load %arg9[%get3A_1632, %get3A_1633] {strides = array<i32>} : memref<416x128xf32, #tpu.memory_space<vmem>>, vector<16xf32>,
        %add3A_1635 = arith.constant 80 : i32
        %add3A_1636 = arith.addi %add3A_1635, %add3A_1610 : i32
        %get3A_1637 = arith.index_cast %add3A_1636 : i32 to index
        %get3A_1638 = arith.constant 32 : index
        %get3A_1639 = tpu.vector_load %arg9[%get3A_1637, %get3A_1638] {strides = array<i32>} : memref<416x128xf32, #tpu.memory_space<vmem>>, vector<16xf32>,
        %add3A_1640 = arith.constant 96 : i32
        %add3A_1641 = arith.addi %add3A_1640, %add3A_1610 : i32
        %get3A_1642 = arith.index_cast %add3A_1641 : i32 to index
        %get3A_1643 = arith.constant 64 : index
        %get3A_1644 = tpu.vector_load %arg9[%get3A_1642, %get3A_1643] {strides = array<i32>} : memref<416x128xf32, #tpu.memory_space<vmem>>, vector<16xf32>,
        %add3A_1645 = arith.constant 112 : i32
        %add3A_1646 = arith.addi %add3A_1645, %add3A_1610 : i32
        %get3A_1647 = arith.index_cast %add3A_1646 : i32 to index
        %get3A_1648 = arith.constant 96 : index
        %get3A_1649 = tpu.vector_load %arg9[%get3A_1647, %get3A_1648] {strides = array<i32>} : memref<416x128xf32, #tpu.memory_space<vmem>>, vector<16xf32>,
        %add3A_1650 = arith.constant 128 : i32
        %add3A_1651 = arith.addi %add3A_1650, %add3A_1610 : i32
        %get3A_1652 = arith.index_cast %add3A_1651 : i32 to index
        %get3A_1653 = arith.constant 0 : index
        %get3A_1654 = tpu.vector_load %arg9[%get3A_1652, %get3A_1653] {strides = array<i32>} : memref<416x128xf32, #tpu.memory_space<vmem>>, vector<16xf32>,
        %add3A_1655 = arith.constant 144 : i32
        %add3A_1656 = arith.addi %add3A_1655, %add3A_1610 : i32
        %get3A_1657 = arith.index_cast %add3A_1656 : i32 to index
        %get3A_1658 = arith.constant 32 : index
        %get3A_1659 = tpu.vector_load %arg9[%get3A_1657, %get3A_1658] {strides = array<i32>} : memref<416x128xf32, #tpu.memory_space<vmem>>, vector<16xf32>,
        %add3A_1660 = arith.constant 160 : i32
        %add3A_1661 = arith.addi %add3A_1660, %add3A_1610 : i32
        %get3A_1662 = arith.index_cast %add3A_1661 : i32 to index
        %get3A_1663 = arith.constant 64 : index
        %get3A_1664 = tpu.vector_load %arg9[%get3A_1662, %get3A_1663] {strides = array<i32>} : memref<416x128xf32, #tpu.memory_space<vmem>>, vector<16xf32>,
        %add3A_1665 = arith.constant 176 : i32
        %add3A_1666 = arith.addi %add3A_1665, %add3A_1610 : i32
        %get3A_1667 = arith.index_cast %add3A_1666 : i32 to index
        %get3A_1668 = arith.constant 96 : index
        %get3A_1669 = tpu.vector_load %arg9[%get3A_1667, %get3A_1668] {strides = array<i32>} : memref<416x128xf32, #tpu.memory_space<vmem>>, vector<16xf32>,
        %add3A_1670 = arith.constant 192 : i32
        %add3A_1671 = arith.addi %add3A_1670, %add3A_1610 : i32
        %get3A_1672 = arith.index_cast %add3A_1671 : i32 to index
        %get3A_1673 = arith.constant 0 : index
        %get3A_1674 = tpu.vector_load %arg9[%get3A_1672, %get3A_1673] {strides = array<i32>} : memref<416x128xf32, #tpu.memory_space<vmem>>, vector<16xf32>,
        %add3A_1675 = arith.constant 208 : i32
        %add3A_1676 = arith.addi %add3A_1675, %add3A_1610 : i32
        %get3A_1677 = arith.index_cast %add3A_1676 : i32 to index
        %get3A_1678 = arith.constant 32 : index
        %get3A_1679 = tpu.vector_load %arg9[%get3A_1677, %get3A_1678] {strides = array<i32>} : memref<416x128xf32, #tpu.memory_space<vmem>>, vector<16xf32>,
        %add3A_1680 = arith.constant 224 : i32
        %add3A_1681 = arith.addi %add3A_1680, %add3A_1610 : i32
        %get3A_1682 = arith.index_cast %add3A_1681 : i32 to index
        %get3A_1683 = arith.constant 64 : index
        %get3A_1684 = tpu.vector_load %arg9[%get3A_1682, %get3A_1683] {strides = array<i32>} : memref<416x128xf32, #tpu.memory_space<vmem>>, vector<16xf32>,
        %add3A_1685 = arith.constant 240 : i32
        %add3A_1686 = arith.addi %add3A_1685, %add3A_1610 : i32
        %get3A_1687 = arith.index_cast %add3A_1686 : i32 to index
        %get3A_1688 = arith.constant 96 : index
        %get3A_1689 = tpu.vector_load %arg9[%get3A_1687, %get3A_1688] {strides = array<i32>} : memref<416x128xf32, #tpu.memory_space<vmem>>, vector<16xf32>,
        %add3A_1690 = arith.constant 256 : i32
        %add3A_1691 = arith.addi %add3A_1690, %add3A_1610 : i32
        %get3A_1692 = arith.index_cast %add3A_1691 : i32 to index
        %get3A_1693 = arith.constant 0 : index
        %get3A_1694 = tpu.vector_load %arg9[%get3A_1692, %get3A_1693] {strides = array<i32>} : memref<416x128xf32, #tpu.memory_space<vmem>>, vector<16xf32>,
        %add3A_1695 = arith.constant 272 : i32
        %add3A_1696 = arith.addi %add3A_1695, %add3A_1610 : i32
        %get3A_1697 = arith.index_cast %add3A_1696 : i32 to index
        %get3A_1698 = arith.constant 32 : index
        %get3A_1699 = tpu.vector_load %arg9[%get3A_1697, %get3A_1698] {strides = array<i32>} : memref<416x128xf32, #tpu.memory_space<vmem>>, vector<16xf32>,
        %add3A_1700 = arith.constant 288 : i32
        %add3A_1701 = arith.addi %add3A_1700, %add3A_1610 : i32
        %get3A_1702 = arith.index_cast %add3A_1701 : i32 to index
        %get3A_1703 = arith.constant 64 : index
        %get3A_1704 = tpu.vector_load %arg9[%get3A_1702, %get3A_1703] {strides = array<i32>} : memref<416x128xf32, #tpu.memory_space<vmem>>, vector<16xf32>,
        %add3A_1705 = arith.constant 304 : i32
        %add3A_1706 = arith.addi %add3A_1705, %add3A_1610 : i32
        %get3A_1707 = arith.index_cast %add3A_1706 : i32 to index
        %get3A_1708 = arith.constant 96 : index
        %get3A_1709 = tpu.vector_load %arg9[%get3A_1707, %get3A_1708] {strides = array<i32>} : memref<416x128xf32, #tpu.memory_space<vmem>>, vector<16xf32>,
        %add3A_1710 = arith.constant 320 : i32
        %add3A_1711 = arith.addi %add3A_1710, %add3A_1610 : i32
        %get3A_1712 = arith.index_cast %add3A_1711 : i32 to index
        %get3A_1713 = arith.constant 0 : index
        %get3A_1714 = tpu.vector_load %arg9[%get3A_1712, %get3A_1713] {strides = array<i32>} : memref<416x128xf32, #tpu.memory_space<vmem>>, vector<16xf32>,
        %add3A_1715 = arith.constant 336 : i32
        %add3A_1716 = arith.addi %add3A_1715, %add3A_1610 : i32
        %get3A_1717 = arith.index_cast %add3A_1716 : i32 to index
        %get3A_1718 = arith.constant 32 : index
        %get3A_1719 = tpu.vector_load %arg9[%get3A_1717, %get3A_1718] {strides = array<i32>} : memref<416x128xf32, #tpu.memory_space<vmem>>, vector<16xf32>,
        %add3A_1720 = arith.constant 352 : i32
        %add3A_1721 = arith.addi %add3A_1720, %add3A_1610 : i32
        %get3A_1722 = arith.index_cast %add3A_1721 : i32 to index
        %get3A_1723 = arith.constant 64 : index
        %get3A_1724 = tpu.vector_load %arg9[%get3A_1722, %get3A_1723] {strides = array<i32>} : memref<416x128xf32, #tpu.memory_space<vmem>>, vector<16xf32>,
        %add3A_1725 = arith.constant 368 : i32
        %add3A_1726 = arith.addi %add3A_1725, %add3A_1610 : i32
        %get3A_1727 = arith.index_cast %add3A_1726 : i32 to index
        %get3A_1728 = arith.constant 96 : index
        %get3A_1729 = tpu.vector_load %arg9[%get3A_1727, %get3A_1728] {strides = array<i32>} : memref<416x128xf32, #tpu.memory_space<vmem>>, vector<16xf32>,
        %add3A_1730 = arith.constant 384 : i32
        %add3A_1731 = arith.addi %add3A_1730, %add3A_1610 : i32
        %get3A_1732 = arith.index_cast %add3A_1731 : i32 to index
        %get3A_1733 = arith.constant 0 : index
        %get3A_1734 = tpu.vector_load %arg9[%get3A_1732, %get3A_1733] {strides = array<i32>} : memref<416x128xf32, #tpu.memory_space<vmem>>, vector<16xf32>,
        %add3A_1735 = arith.constant 400 : i32
        %add3A_1736 = arith.addi %add3A_1735, %add3A_1610 : i32
        %get3A_1737 = arith.index_cast %add3A_1736 : i32 to index
        %get3A_1738 = arith.constant 32 : index
        %get3A_1739 = tpu.vector_load %arg9[%get3A_1737, %get3A_1738] {strides = array<i32>} : memref<416x128xf32, #tpu.memory_space<vmem>>, vector<16xf32>,
        %add3A_1740 = arith.addf %get3A_1614, %get3A_1619 : vector<16xf32>
        %add3A_1741 = arith.addf %get3A_1624, %get3A_1629 : vector<16xf32>
        %add3A_1742 = arith.addf %get3A_1634, %get3A_1639 : vector<16xf32>
        %add3A_1743 = arith.addf %get3A_1644, %get3A_1649 : vector<16xf32>
        %add3A_1744 = arith.addf %get3A_1654, %get3A_1659 : vector<16xf32>
        %add3A_1745 = arith.addf %get3A_1664, %get3A_1669 : vector<16xf32>
        %add3A_1746 = arith.addf %get3A_1674, %get3A_1679 : vector<16xf32>
        %add3A_1747 = arith.addf %get3A_1684, %get3A_1689 : vector<16xf32>
        %add3A_1748 = arith.addf %get3A_1694, %get3A_1699 : vector<16xf32>
        %add3A_1749 = arith.addf %get3A_1704, %get3A_1709 : vector<16xf32>
        %add3A_1750 = arith.addf %get3A_1714, %get3A_1719 : vector<16xf32>
        %add3A_1751 = arith.addf %get3A_1724, %get3A_1729 : vector<16xf32>
        %add3A_1752 = arith.addf %get3A_1734, %get3A_1739 : vector<16xf32>
        %add3A_1753 = arith.addf %add3A_1740, %add3A_1741 : vector<16xf32>
        %add3A_1754 = arith.addf %add3A_1742, %add3A_1743 : vector<16xf32>
        %add3A_1755 = arith.addf %add3A_1744, %add3A_1745 : vector<16xf32>
        %add3A_1756 = arith.addf %add3A_1746, %add3A_1747 : vector<16xf32>
        %add3A_1757 = arith.addf %add3A_1748, %add3A_1749 : vector<16xf32>
        %add3A_1758 = arith.addf %add3A_1750, %add3A_1751 : vector<16xf32>
        %add3A_1759 = arith.addf %add3A_1753, %add3A_1754 : vector<16xf32>
        %add3A_1760 = arith.addf %add3A_1755, %add3A_1756 : vector<16xf32>
        %add3A_1761 = arith.addf %add3A_1757, %add3A_1758 : vector<16xf32>
        %add3A_1762 = arith.addf %add3A_1759, %add3A_1760 : vector<16xf32>
        %add3A_1763 = arith.addf %add3A_1761, %add3A_1752 : vector<16xf32>
        %add3A_1764 = arith.addf %add3A_1762, %add3A_1763 : vector<16xf32>
        %swap3A_1765 = arith.index_cast %add3A_1610 : i32 to index
        %swap3A_1766 = arith.constant 0 : index
        %swap3A_1767 = tpu.vector_load %arg11[%swap3A_1765, %swap3A_1766] {strides = array<i32>} : memref<16x32xf32, #tpu.memory_space<vmem>>, vector<16xf32>,
        tpu.vector_store %arg11[%swap3A_1765, %swap3A_1766], %add3A_1764 {strides = array<i32>} : memref<16x32xf32, #tpu.memory_space<vmem>>, vector<16xf32>,
        %add3A_1768 = arith.constant 0 : i32
        %add3A_1769 = arith.addi %add3A_1768, %add3A_1610 : i32
        %get3A_1770 = arith.index_cast %add3A_1769 : i32 to index
        %get3A_1771 = arith.constant 16 : index
        %get3A_1772 = tpu.vector_load %arg9[%get3A_1770, %get3A_1771] {strides = array<i32>} : memref<416x128xf32, #tpu.memory_space<vmem>>, vector<16xf32>,
        %add3A_1773 = arith.constant 16 : i32
        %add3A_1774 = arith.addi %add3A_1773, %add3A_1610 : i32
        %get3A_1775 = arith.index_cast %add3A_1774 : i32 to index
        %get3A_1776 = arith.constant 48 : index
        %get3A_1777 = tpu.vector_load %arg9[%get3A_1775, %get3A_1776] {strides = array<i32>} : memref<416x128xf32, #tpu.memory_space<vmem>>, vector<16xf32>,
        %add3A_1778 = arith.constant 32 : i32
        %add3A_1779 = arith.addi %add3A_1778, %add3A_1610 : i32
        %get3A_1780 = arith.index_cast %add3A_1779 : i32 to index
        %get3A_1781 = arith.constant 80 : index
        %get3A_1782 = tpu.vector_load %arg9[%get3A_1780, %get3A_1781] {strides = array<i32>} : memref<416x128xf32, #tpu.memory_space<vmem>>, vector<16xf32>,
        %add3A_1783 = arith.constant 48 : i32
        %add3A_1784 = arith.addi %add3A_1783, %add3A_1610 : i32
        %get3A_1785 = arith.index_cast %add3A_1784 : i32 to index
        %get3A_1786 = arith.constant 112 : index
        %get3A_1787 = tpu.vector_load %arg9[%get3A_1785, %get3A_1786] {strides = array<i32>} : memref<416x128xf32, #tpu.memory_space<vmem>>, vector<16xf32>,
        %add3A_1788 = arith.constant 64 : i32
        %add3A_1789 = arith.addi %add3A_1788, %add3A_1610 : i32
        %get3A_1790 = arith.index_cast %add3A_1789 : i32 to index
        %get3A_1791 = arith.constant 16 : index
        %get3A_1792 = tpu.vector_load %arg9[%get3A_1790, %get3A_1791] {strides = array<i32>} : memref<416x128xf32, #tpu.memory_space<vmem>>, vector<16xf32>,
        %add3A_1793 = arith.constant 80 : i32
        %add3A_1794 = arith.addi %add3A_1793, %add3A_1610 : i32
        %get3A_1795 = arith.index_cast %add3A_1794 : i32 to index
        %get3A_1796 = arith.constant 48 : index
        %get3A_1797 = tpu.vector_load %arg9[%get3A_1795, %get3A_1796] {strides = array<i32>} : memref<416x128xf32, #tpu.memory_space<vmem>>, vector<16xf32>,
        %add3A_1798 = arith.constant 96 : i32
        %add3A_1799 = arith.addi %add3A_1798, %add3A_1610 : i32
        %get3A_1800 = arith.index_cast %add3A_1799 : i32 to index
        %get3A_1801 = arith.constant 80 : index
        %get3A_1802 = tpu.vector_load %arg9[%get3A_1800, %get3A_1801] {strides = array<i32>} : memref<416x128xf32, #tpu.memory_space<vmem>>, vector<16xf32>,
        %add3A_1803 = arith.constant 112 : i32
        %add3A_1804 = arith.addi %add3A_1803, %add3A_1610 : i32
        %get3A_1805 = arith.index_cast %add3A_1804 : i32 to index
        %get3A_1806 = arith.constant 112 : index
        %get3A_1807 = tpu.vector_load %arg9[%get3A_1805, %get3A_1806] {strides = array<i32>} : memref<416x128xf32, #tpu.memory_space<vmem>>, vector<16xf32>,
        %add3A_1808 = arith.constant 128 : i32
        %add3A_1809 = arith.addi %add3A_1808, %add3A_1610 : i32
        %get3A_1810 = arith.index_cast %add3A_1809 : i32 to index
        %get3A_1811 = arith.constant 16 : index
        %get3A_1812 = tpu.vector_load %arg9[%get3A_1810, %get3A_1811] {strides = array<i32>} : memref<416x128xf32, #tpu.memory_space<vmem>>, vector<16xf32>,
        %add3A_1813 = arith.constant 144 : i32
        %add3A_1814 = arith.addi %add3A_1813, %add3A_1610 : i32
        %get3A_1815 = arith.index_cast %add3A_1814 : i32 to index
        %get3A_1816 = arith.constant 48 : index
        %get3A_1817 = tpu.vector_load %arg9[%get3A_1815, %get3A_1816] {strides = array<i32>} : memref<416x128xf32, #tpu.memory_space<vmem>>, vector<16xf32>,
        %add3A_1818 = arith.constant 160 : i32
        %add3A_1819 = arith.addi %add3A_1818, %add3A_1610 : i32
        %get3A_1820 = arith.index_cast %add3A_1819 : i32 to index
        %get3A_1821 = arith.constant 80 : index
        %get3A_1822 = tpu.vector_load %arg9[%get3A_1820, %get3A_1821] {strides = array<i32>} : memref<416x128xf32, #tpu.memory_space<vmem>>, vector<16xf32>,
        %add3A_1823 = arith.constant 176 : i32
        %add3A_1824 = arith.addi %add3A_1823, %add3A_1610 : i32
        %get3A_1825 = arith.index_cast %add3A_1824 : i32 to index
        %get3A_1826 = arith.constant 112 : index
        %get3A_1827 = tpu.vector_load %arg9[%get3A_1825, %get3A_1826] {strides = array<i32>} : memref<416x128xf32, #tpu.memory_space<vmem>>, vector<16xf32>,
        %add3A_1828 = arith.constant 192 : i32
        %add3A_1829 = arith.addi %add3A_1828, %add3A_1610 : i32
        %get3A_1830 = arith.index_cast %add3A_1829 : i32 to index
        %get3A_1831 = arith.constant 16 : index
        %get3A_1832 = tpu.vector_load %arg9[%get3A_1830, %get3A_1831] {strides = array<i32>} : memref<416x128xf32, #tpu.memory_space<vmem>>, vector<16xf32>,
        %add3A_1833 = arith.constant 208 : i32
        %add3A_1834 = arith.addi %add3A_1833, %add3A_1610 : i32
        %get3A_1835 = arith.index_cast %add3A_1834 : i32 to index
        %get3A_1836 = arith.constant 48 : index
        %get3A_1837 = tpu.vector_load %arg9[%get3A_1835, %get3A_1836] {strides = array<i32>} : memref<416x128xf32, #tpu.memory_space<vmem>>, vector<16xf32>,
        %add3A_1838 = arith.constant 224 : i32
        %add3A_1839 = arith.addi %add3A_1838, %add3A_1610 : i32
        %get3A_1840 = arith.index_cast %add3A_1839 : i32 to index
        %get3A_1841 = arith.constant 80 : index
        %get3A_1842 = tpu.vector_load %arg9[%get3A_1840, %get3A_1841] {strides = array<i32>} : memref<416x128xf32, #tpu.memory_space<vmem>>, vector<16xf32>,
        %add3A_1843 = arith.constant 240 : i32
        %add3A_1844 = arith.addi %add3A_1843, %add3A_1610 : i32
        %get3A_1845 = arith.index_cast %add3A_1844 : i32 to index
        %get3A_1846 = arith.constant 112 : index
        %get3A_1847 = tpu.vector_load %arg9[%get3A_1845, %get3A_1846] {strides = array<i32>} : memref<416x128xf32, #tpu.memory_space<vmem>>, vector<16xf32>,
        %add3A_1848 = arith.constant 256 : i32
        %add3A_1849 = arith.addi %add3A_1848, %add3A_1610 : i32
        %get3A_1850 = arith.index_cast %add3A_1849 : i32 to index
        %get3A_1851 = arith.constant 16 : index
        %get3A_1852 = tpu.vector_load %arg9[%get3A_1850, %get3A_1851] {strides = array<i32>} : memref<416x128xf32, #tpu.memory_space<vmem>>, vector<16xf32>,
        %add3A_1853 = arith.constant 272 : i32
        %add3A_1854 = arith.addi %add3A_1853, %add3A_1610 : i32
        %get3A_1855 = arith.index_cast %add3A_1854 : i32 to index
        %get3A_1856 = arith.constant 48 : index
        %get3A_1857 = tpu.vector_load %arg9[%get3A_1855, %get3A_1856] {strides = array<i32>} : memref<416x128xf32, #tpu.memory_space<vmem>>, vector<16xf32>,
        %add3A_1858 = arith.constant 288 : i32
        %add3A_1859 = arith.addi %add3A_1858, %add3A_1610 : i32
        %get3A_1860 = arith.index_cast %add3A_1859 : i32 to index
        %get3A_1861 = arith.constant 80 : index
        %get3A_1862 = tpu.vector_load %arg9[%get3A_1860, %get3A_1861] {strides = array<i32>} : memref<416x128xf32, #tpu.memory_space<vmem>>, vector<16xf32>,
        %add3A_1863 = arith.constant 304 : i32
        %add3A_1864 = arith.addi %add3A_1863, %add3A_1610 : i32
        %get3A_1865 = arith.index_cast %add3A_1864 : i32 to index
        %get3A_1866 = arith.constant 112 : index
        %get3A_1867 = tpu.vector_load %arg9[%get3A_1865, %get3A_1866] {strides = array<i32>} : memref<416x128xf32, #tpu.memory_space<vmem>>, vector<16xf32>,
        %add3A_1868 = arith.constant 320 : i32
        %add3A_1869 = arith.addi %add3A_1868, %add3A_1610 : i32
        %get3A_1870 = arith.index_cast %add3A_1869 : i32 to index
        %get3A_1871 = arith.constant 16 : index
        %get3A_1872 = tpu.vector_load %arg9[%get3A_1870, %get3A_1871] {strides = array<i32>} : memref<416x128xf32, #tpu.memory_space<vmem>>, vector<16xf32>,
        %add3A_1873 = arith.constant 336 : i32
        %add3A_1874 = arith.addi %add3A_1873, %add3A_1610 : i32
        %get3A_1875 = arith.index_cast %add3A_1874 : i32 to index
        %get3A_1876 = arith.constant 48 : index
        %get3A_1877 = tpu.vector_load %arg9[%get3A_1875, %get3A_1876] {strides = array<i32>} : memref<416x128xf32, #tpu.memory_space<vmem>>, vector<16xf32>,
        %add3A_1878 = arith.constant 352 : i32
        %add3A_1879 = arith.addi %add3A_1878, %add3A_1610 : i32
        %get3A_1880 = arith.index_cast %add3A_1879 : i32 to index
        %get3A_1881 = arith.constant 80 : index
        %get3A_1882 = tpu.vector_load %arg9[%get3A_1880, %get3A_1881] {strides = array<i32>} : memref<416x128xf32, #tpu.memory_space<vmem>>, vector<16xf32>,
        %add3A_1883 = arith.constant 368 : i32
        %add3A_1884 = arith.addi %add3A_1883, %add3A_1610 : i32
        %get3A_1885 = arith.index_cast %add3A_1884 : i32 to index
        %get3A_1886 = arith.constant 112 : index
        %get3A_1887 = tpu.vector_load %arg9[%get3A_1885, %get3A_1886] {strides = array<i32>} : memref<416x128xf32, #tpu.memory_space<vmem>>, vector<16xf32>,
        %add3A_1888 = arith.constant 384 : i32
        %add3A_1889 = arith.addi %add3A_1888, %add3A_1610 : i32
        %get3A_1890 = arith.index_cast %add3A_1889 : i32 to index
        %get3A_1891 = arith.constant 16 : index
        %get3A_1892 = tpu.vector_load %arg9[%get3A_1890, %get3A_1891] {strides = array<i32>} : memref<416x128xf32, #tpu.memory_space<vmem>>, vector<16xf32>,
        %add3A_1893 = arith.constant 400 : i32
        %add3A_1894 = arith.addi %add3A_1893, %add3A_1610 : i32
        %get3A_1895 = arith.index_cast %add3A_1894 : i32 to index
        %get3A_1896 = arith.constant 48 : index
        %get3A_1897 = tpu.vector_load %arg9[%get3A_1895, %get3A_1896] {strides = array<i32>} : memref<416x128xf32, #tpu.memory_space<vmem>>, vector<16xf32>,
        %add3A_1898 = arith.addf %get3A_1772, %get3A_1777 : vector<16xf32>
        %add3A_1899 = arith.addf %get3A_1782, %get3A_1787 : vector<16xf32>
        %add3A_1900 = arith.addf %get3A_1792, %get3A_1797 : vector<16xf32>
        %add3A_1901 = arith.addf %get3A_1802, %get3A_1807 : vector<16xf32>
        %add3A_1902 = arith.addf %get3A_1812, %get3A_1817 : vector<16xf32>
        %add3A_1903 = arith.addf %get3A_1822, %get3A_1827 : vector<16xf32>
        %add3A_1904 = arith.addf %get3A_1832, %get3A_1837 : vector<16xf32>
        %add3A_1905 = arith.addf %get3A_1842, %get3A_1847 : vector<16xf32>
        %add3A_1906 = arith.addf %get3A_1852, %get3A_1857 : vector<16xf32>
        %add3A_1907 = arith.addf %get3A_1862, %get3A_1867 : vector<16xf32>
        %add3A_1908 = arith.addf %get3A_1872, %get3A_1877 : vector<16xf32>
        %add3A_1909 = arith.addf %get3A_1882, %get3A_1887 : vector<16xf32>
        %add3A_1910 = arith.addf %get3A_1892, %get3A_1897 : vector<16xf32>
        %add3A_1911 = arith.addf %add3A_1898, %add3A_1899 : vector<16xf32>
        %add3A_1912 = arith.addf %add3A_1900, %add3A_1901 : vector<16xf32>
        %add3A_1913 = arith.addf %add3A_1902, %add3A_1903 : vector<16xf32>
        %add3A_1914 = arith.addf %add3A_1904, %add3A_1905 : vector<16xf32>
        %add3A_1915 = arith.addf %add3A_1906, %add3A_1907 : vector<16xf32>
        %add3A_1916 = arith.addf %add3A_1908, %add3A_1909 : vector<16xf32>
        %add3A_1917 = arith.addf %add3A_1911, %add3A_1912 : vector<16xf32>
        %add3A_1918 = arith.addf %add3A_1913, %add3A_1914 : vector<16xf32>
        %add3A_1919 = arith.addf %add3A_1915, %add3A_1916 : vector<16xf32>
        %add3A_1920 = arith.addf %add3A_1917, %add3A_1918 : vector<16xf32>
        %add3A_1921 = arith.addf %add3A_1919, %add3A_1910 : vector<16xf32>
        %add3A_1922 = arith.addf %add3A_1920, %add3A_1921 : vector<16xf32>
        %swap3A_1923 = arith.index_cast %add3A_1610 : i32 to index
        %swap3A_1924 = arith.constant 16 : index
        %swap3A_1925 = tpu.vector_load %arg11[%swap3A_1923, %swap3A_1924] {strides = array<i32>} : memref<16x32xf32, #tpu.memory_space<vmem>>, vector<16xf32>,
        tpu.vector_store %arg11[%swap3A_1923, %swap3A_1924], %add3A_1922 {strides = array<i32>} : memref<16x32xf32, #tpu.memory_space<vmem>>, vector<16xf32>,
      }
      %scan3A_1063 = arith.constant 16 : i32
      %mul3A_1064 = arith.constant 16 : i32
      %mul3A_1065 = arith.muli %add3A_532, %mul3A_1064 : i32
      %add3A_1066 = arith.addi %mul3A_2, %mul3A_1065 : i32
      "tpu.region"() ({
        %run_scoped3A = tpu.sem_alloc : memref<!tpu.dma_semaphore, #tpu.memory_space<semaphore_mem>>
        %dma_start3A_1606 = arith.constant 0 : i32
        %dma_start3A_1607 = tpu.memref_slice %arg5[%add3A_1066, %dma_start3A_1606] : memref<51200x32xf32, #tpu.memory_space<hbm>> -> memref<16x32xf32, #tpu.memory_space<hbm>>
        %dma_start3A_1608 = arith.constant 0 : i32
        %dma_start3A_1609 = tpu.memref_slice %arg5[%add3A_1066, %dma_start3A_1608] : memref<51200x32xf32, #tpu.memory_space<hbm>> -> memref<16x32xf32, #tpu.memory_space<hbm>>
        tpu.enqueue_dma source(%arg11 : memref<16x32xf32, #tpu.memory_space<vmem>>) target(%dma_start3A_1609 : memref<16x32xf32, #tpu.memory_space<hbm>>) target_semaphore(%run_scoped3A : memref<!tpu.dma_semaphore, #tpu.memory_space<semaphore_mem>>)
        %dma_wait3A_1610 = arith.constant 0 : i32
        %dma_wait3A_1611 = tpu.memref_slice %arg5[%add3A_1066, %dma_wait3A_1610] : memref<51200x32xf32, #tpu.memory_space<hbm>> -> memref<16x32xf32, #tpu.memory_space<hbm>>
        %dma_wait3A_1612 = arith.constant 0 : i32
        %dma_wait3A_1613 = tpu.memref_slice %arg5[%add3A_1066, %dma_wait3A_1612] : memref<51200x32xf32, #tpu.memory_space<hbm>> -> memref<16x32xf32, #tpu.memory_space<hbm>>
        tpu.wait_dma2 semaphore(%run_scoped3A : memref<!tpu.dma_semaphore, #tpu.memory_space<semaphore_mem>>) src(%arg11 : memref<16x32xf32, #tpu.memory_space<vmem>>) dst(%dma_wait3A_1613 : memref<16x32xf32, #tpu.memory_space<hbm>>)
        tpu.yield
      }) : () -> ()
      %mul3A_1067 = arith.constant 2 : i32
      %mul3A_1068 = arith.muli %mul3A_1067, %add3A_528 : i32
      %add3A_1069 = arith.constant 1 : i32
      %add3A_1070 = arith.addi %mul3A_1068, %add3A_1069 : i32
      %add3A_1071 = arith.constant 1 : i32
      %add3A_1072 = arith.addi %add3A_1070, %add3A_1071 : i32
      %min3A_1073 = arith.constant 99 : i32
      %min3A_1074 = arith.minsi %add3A_1072, %min3A_1073 : i32
      %mul3A_1075 = arith.constant 16 : i32
      %mul3A_1076 = arith.muli %min3A_1074, %mul3A_1075 : i32
      %add3A_1077 = arith.addi %mul3A_2, %mul3A_1076 : i32
      "tpu.region"() ({
        %run_scoped3A = tpu.sem_alloc : memref<!tpu.dma_semaphore, #tpu.memory_space<semaphore_mem>>
        %dma_start3A_1606 = arith.constant 0 : i32
        %dma_start3A_1607 = tpu.memref_slice %arg2[%add3A_1077, %dma_start3A_1606] : memref<51200x39xi32, #tpu.memory_space<hbm>> -> memref<16x39xi32, #tpu.memory_space<hbm>>
        %dma_start3A_1608 = arith.constant 0 : i32
        %dma_start3A_1609 = tpu.memref_slice %arg2[%add3A_1077, %dma_start3A_1608] : memref<51200x39xi32, #tpu.memory_space<hbm>> -> memref<16x39xi32, #tpu.memory_space<hbm>>
        tpu.enqueue_dma source(%dma_start3A_1609 : memref<16x39xi32, #tpu.memory_space<hbm>>) target(%arg6 : memref<16x39xi32, #tpu.memory_space<vmem>>) target_semaphore(%run_scoped3A : memref<!tpu.dma_semaphore, #tpu.memory_space<semaphore_mem>>)
        %dma_wait3A_1610 = arith.constant 0 : i32
        %dma_wait3A_1611 = tpu.memref_slice %arg2[%add3A_1077, %dma_wait3A_1610] : memref<51200x39xi32, #tpu.memory_space<hbm>> -> memref<16x39xi32, #tpu.memory_space<hbm>>
        %dma_wait3A_1612 = arith.constant 0 : i32
        %dma_wait3A_1613 = tpu.memref_slice %arg2[%add3A_1077, %dma_wait3A_1612] : memref<51200x39xi32, #tpu.memory_space<hbm>> -> memref<16x39xi32, #tpu.memory_space<hbm>>
        tpu.wait_dma2 semaphore(%run_scoped3A : memref<!tpu.dma_semaphore, #tpu.memory_space<semaphore_mem>>) src(%dma_wait3A_1613 : memref<16x39xi32, #tpu.memory_space<hbm>>) dst(%arg6 : memref<16x39xi32, #tpu.memory_space<vmem>>)
        tpu.yield
      }) : () -> ()
      %broadcast_in_dim3A_1078 = arith.constant 0 : i32
      %broadcast_in_dim3A_1079 = vector.broadcast %broadcast_in_dim3A_1078 : i32 to vector<16xi32>
      %gather3A_1080 = tpu.vector_load_idx %arg6[%iota3A, %broadcast_in_dim3A_1079] : memref<16x39xi32, #tpu.memory_space<vmem>>[vector<16xi32>, vector<16xi32>], vector<16xi32>,
      %add3A_1081 = arith.constant 0 : i32
      %add3A_1082 = vector.broadcast %add3A_1081 : i32 to vector<16xi32>
      %add3A_1083 = arith.addi %gather3A_1080, %add3A_1082 : vector<16xi32>
      %swap3A_1084 = arith.constant 0 : i32
      %swap3A_1085 = arith.index_cast %swap3A_1084 : i32 to index
      %swap3A_1086 = arith.constant 0 : index
      %swap3A_1087 = tpu.vector_load %arg7[%swap3A_1085, %swap3A_1086] {strides = array<i32>} : memref<13x32xi32, #tpu.memory_space<vmem>>, vector<16xi32>,
      tpu.vector_store %arg7[%swap3A_1085, %swap3A_1086], %add3A_1083 {strides = array<i32>} : memref<13x32xi32, #tpu.memory_space<vmem>>, vector<16xi32>,
      %broadcast_in_dim3A_1088 = arith.constant 1 : i32
      %broadcast_in_dim3A_1089 = vector.broadcast %broadcast_in_dim3A_1088 : i32 to vector<16xi32>
      %gather3A_1090 = tpu.vector_load_idx %arg6[%iota3A, %broadcast_in_dim3A_1089] : memref<16x39xi32, #tpu.memory_space<vmem>>[vector<16xi32>, vector<16xi32>], vector<16xi32>,
      %add3A_1091 = arith.constant 0 : i32
      %add3A_1092 = vector.broadcast %add3A_1091 : i32 to vector<16xi32>
      %add3A_1093 = arith.addi %gather3A_1090, %add3A_1092 : vector<16xi32>
      %swap3A_1094 = arith.constant 0 : i32
      %swap3A_1095 = arith.index_cast %swap3A_1094 : i32 to index
      %swap3A_1096 = arith.constant 16 : index
      %swap3A_1097 = tpu.vector_load %arg7[%swap3A_1095, %swap3A_1096] {strides = array<i32>} : memref<13x32xi32, #tpu.memory_space<vmem>>, vector<16xi32>,
      tpu.vector_store %arg7[%swap3A_1095, %swap3A_1096], %add3A_1093 {strides = array<i32>} : memref<13x32xi32, #tpu.memory_space<vmem>>, vector<16xi32>,
      %broadcast_in_dim3A_1098 = arith.constant 2 : i32
      %broadcast_in_dim3A_1099 = vector.broadcast %broadcast_in_dim3A_1098 : i32 to vector<16xi32>
      %gather3A_1100 = tpu.vector_load_idx %arg6[%iota3A, %broadcast_in_dim3A_1099] : memref<16x39xi32, #tpu.memory_space<vmem>>[vector<16xi32>, vector<16xi32>], vector<16xi32>,
      %add3A_1101 = arith.constant 0 : i32
      %add3A_1102 = vector.broadcast %add3A_1101 : i32 to vector<16xi32>
      %add3A_1103 = arith.addi %gather3A_1100, %add3A_1102 : vector<16xi32>
      %swap3A_1104 = arith.constant 1 : i32
      %swap3A_1105 = arith.index_cast %swap3A_1104 : i32 to index
      %swap3A_1106 = arith.constant 0 : index
      %swap3A_1107 = tpu.vector_load %arg7[%swap3A_1105, %swap3A_1106] {strides = array<i32>} : memref<13x32xi32, #tpu.memory_space<vmem>>, vector<16xi32>,
      tpu.vector_store %arg7[%swap3A_1105, %swap3A_1106], %add3A_1103 {strides = array<i32>} : memref<13x32xi32, #tpu.memory_space<vmem>>, vector<16xi32>,
      %broadcast_in_dim3A_1108 = arith.constant 3 : i32
      %broadcast_in_dim3A_1109 = vector.broadcast %broadcast_in_dim3A_1108 : i32 to vector<16xi32>
      %gather3A_1110 = tpu.vector_load_idx %arg6[%iota3A, %broadcast_in_dim3A_1109] : memref<16x39xi32, #tpu.memory_space<vmem>>[vector<16xi32>, vector<16xi32>], vector<16xi32>,
      %add3A_1111 = arith.constant 0 : i32
      %add3A_1112 = vector.broadcast %add3A_1111 : i32 to vector<16xi32>
      %add3A_1113 = arith.addi %gather3A_1110, %add3A_1112 : vector<16xi32>
      %swap3A_1114 = arith.constant 1 : i32
      %swap3A_1115 = arith.index_cast %swap3A_1114 : i32 to index
      %swap3A_1116 = arith.constant 16 : index
      %swap3A_1117 = tpu.vector_load %arg7[%swap3A_1115, %swap3A_1116] {strides = array<i32>} : memref<13x32xi32, #tpu.memory_space<vmem>>, vector<16xi32>,
      tpu.vector_store %arg7[%swap3A_1115, %swap3A_1116], %add3A_1113 {strides = array<i32>} : memref<13x32xi32, #tpu.memory_space<vmem>>, vector<16xi32>,
      %broadcast_in_dim3A_1118 = arith.constant 4 : i32
      %broadcast_in_dim3A_1119 = vector.broadcast %broadcast_in_dim3A_1118 : i32 to vector<16xi32>
      %gather3A_1120 = tpu.vector_load_idx %arg6[%iota3A, %broadcast_in_dim3A_1119] : memref<16x39xi32, #tpu.memory_space<vmem>>[vector<16xi32>, vector<16xi32>], vector<16xi32>,
      %add3A_1121 = arith.constant 102400 : i32
      %add3A_1122 = vector.broadcast %add3A_1121 : i32 to vector<16xi32>
      %add3A_1123 = arith.addi %gather3A_1120, %add3A_1122 : vector<16xi32>
      %swap3A_1124 = arith.constant 2 : i32
      %swap3A_1125 = arith.index_cast %swap3A_1124 : i32 to index
      %swap3A_1126 = arith.constant 0 : index
      %swap3A_1127 = tpu.vector_load %arg7[%swap3A_1125, %swap3A_1126] {strides = array<i32>} : memref<13x32xi32, #tpu.memory_space<vmem>>, vector<16xi32>,
      tpu.vector_store %arg7[%swap3A_1125, %swap3A_1126], %add3A_1123 {strides = array<i32>} : memref<13x32xi32, #tpu.memory_space<vmem>>, vector<16xi32>,
      %broadcast_in_dim3A_1128 = arith.constant 5 : i32
      %broadcast_in_dim3A_1129 = vector.broadcast %broadcast_in_dim3A_1128 : i32 to vector<16xi32>
      %gather3A_1130 = tpu.vector_load_idx %arg6[%iota3A, %broadcast_in_dim3A_1129] : memref<16x39xi32, #tpu.memory_space<vmem>>[vector<16xi32>, vector<16xi32>], vector<16xi32>,
      %add3A_1131 = arith.constant 102400 : i32
      %add3A_1132 = vector.broadcast %add3A_1131 : i32 to vector<16xi32>
      %add3A_1133 = arith.addi %gather3A_1130, %add3A_1132 : vector<16xi32>
      %swap3A_1134 = arith.constant 2 : i32
      %swap3A_1135 = arith.index_cast %swap3A_1134 : i32 to index
      %swap3A_1136 = arith.constant 16 : index
      %swap3A_1137 = tpu.vector_load %arg7[%swap3A_1135, %swap3A_1136] {strides = array<i32>} : memref<13x32xi32, #tpu.memory_space<vmem>>, vector<16xi32>,
      tpu.vector_store %arg7[%swap3A_1135, %swap3A_1136], %add3A_1133 {strides = array<i32>} : memref<13x32xi32, #tpu.memory_space<vmem>>, vector<16xi32>,
      %broadcast_in_dim3A_1138 = arith.constant 6 : i32
      %broadcast_in_dim3A_1139 = vector.broadcast %broadcast_in_dim3A_1138 : i32 to vector<16xi32>
      %gather3A_1140 = tpu.vector_load_idx %arg6[%iota3A, %broadcast_in_dim3A_1139] : memref<16x39xi32, #tpu.memory_space<vmem>>[vector<16xi32>, vector<16xi32>], vector<16xi32>,
      %add3A_1141 = arith.constant 102400 : i32
      %add3A_1142 = vector.broadcast %add3A_1141 : i32 to vector<16xi32>
      %add3A_1143 = arith.addi %gather3A_1140, %add3A_1142 : vector<16xi32>
      %swap3A_1144 = arith.constant 3 : i32
      %swap3A_1145 = arith.index_cast %swap3A_1144 : i32 to index
      %swap3A_1146 = arith.constant 0 : index
      %swap3A_1147 = tpu.vector_load %arg7[%swap3A_1145, %swap3A_1146] {strides = array<i32>} : memref<13x32xi32, #tpu.memory_space<vmem>>, vector<16xi32>,
      tpu.vector_store %arg7[%swap3A_1145, %swap3A_1146], %add3A_1143 {strides = array<i32>} : memref<13x32xi32, #tpu.memory_space<vmem>>, vector<16xi32>,
      %broadcast_in_dim3A_1148 = arith.constant 7 : i32
      %broadcast_in_dim3A_1149 = vector.broadcast %broadcast_in_dim3A_1148 : i32 to vector<16xi32>
      %gather3A_1150 = tpu.vector_load_idx %arg6[%iota3A, %broadcast_in_dim3A_1149] : memref<16x39xi32, #tpu.memory_space<vmem>>[vector<16xi32>, vector<16xi32>], vector<16xi32>,
      %add3A_1151 = arith.constant 102400 : i32
      %add3A_1152 = vector.broadcast %add3A_1151 : i32 to vector<16xi32>
      %add3A_1153 = arith.addi %gather3A_1150, %add3A_1152 : vector<16xi32>
      %swap3A_1154 = arith.constant 3 : i32
      %swap3A_1155 = arith.index_cast %swap3A_1154 : i32 to index
      %swap3A_1156 = arith.constant 16 : index
      %swap3A_1157 = tpu.vector_load %arg7[%swap3A_1155, %swap3A_1156] {strides = array<i32>} : memref<13x32xi32, #tpu.memory_space<vmem>>, vector<16xi32>,
      tpu.vector_store %arg7[%swap3A_1155, %swap3A_1156], %add3A_1153 {strides = array<i32>} : memref<13x32xi32, #tpu.memory_space<vmem>>, vector<16xi32>,
      %broadcast_in_dim3A_1158 = arith.constant 8 : i32
      %broadcast_in_dim3A_1159 = vector.broadcast %broadcast_in_dim3A_1158 : i32 to vector<16xi32>
      %gather3A_1160 = tpu.vector_load_idx %arg6[%iota3A, %broadcast_in_dim3A_1159] : memref<16x39xi32, #tpu.memory_space<vmem>>[vector<16xi32>, vector<16xi32>], vector<16xi32>,
      %add3A_1161 = arith.constant 204800 : i32
      %add3A_1162 = vector.broadcast %add3A_1161 : i32 to vector<16xi32>
      %add3A_1163 = arith.addi %gather3A_1160, %add3A_1162 : vector<16xi32>
      %swap3A_1164 = arith.constant 4 : i32
      %swap3A_1165 = arith.index_cast %swap3A_1164 : i32 to index
      %swap3A_1166 = arith.constant 0 : index
      %swap3A_1167 = tpu.vector_load %arg7[%swap3A_1165, %swap3A_1166] {strides = array<i32>} : memref<13x32xi32, #tpu.memory_space<vmem>>, vector<16xi32>,
      tpu.vector_store %arg7[%swap3A_1165, %swap3A_1166], %add3A_1163 {strides = array<i32>} : memref<13x32xi32, #tpu.memory_space<vmem>>, vector<16xi32>,
      %broadcast_in_dim3A_1168 = arith.constant 9 : i32
      %broadcast_in_dim3A_1169 = vector.broadcast %broadcast_in_dim3A_1168 : i32 to vector<16xi32>
      %gather3A_1170 = tpu.vector_load_idx %arg6[%iota3A, %broadcast_in_dim3A_1169] : memref<16x39xi32, #tpu.memory_space<vmem>>[vector<16xi32>, vector<16xi32>], vector<16xi32>,
      %add3A_1171 = arith.constant 204800 : i32
      %add3A_1172 = vector.broadcast %add3A_1171 : i32 to vector<16xi32>
      %add3A_1173 = arith.addi %gather3A_1170, %add3A_1172 : vector<16xi32>
      %swap3A_1174 = arith.constant 4 : i32
      %swap3A_1175 = arith.index_cast %swap3A_1174 : i32 to index
      %swap3A_1176 = arith.constant 16 : index
      %swap3A_1177 = tpu.vector_load %arg7[%swap3A_1175, %swap3A_1176] {strides = array<i32>} : memref<13x32xi32, #tpu.memory_space<vmem>>, vector<16xi32>,
      tpu.vector_store %arg7[%swap3A_1175, %swap3A_1176], %add3A_1173 {strides = array<i32>} : memref<13x32xi32, #tpu.memory_space<vmem>>, vector<16xi32>,
      %broadcast_in_dim3A_1178 = arith.constant 10 : i32
      %broadcast_in_dim3A_1179 = vector.broadcast %broadcast_in_dim3A_1178 : i32 to vector<16xi32>
      %gather3A_1180 = tpu.vector_load_idx %arg6[%iota3A, %broadcast_in_dim3A_1179] : memref<16x39xi32, #tpu.memory_space<vmem>>[vector<16xi32>, vector<16xi32>], vector<16xi32>,
      %add3A_1181 = arith.constant 204800 : i32
      %add3A_1182 = vector.broadcast %add3A_1181 : i32 to vector<16xi32>
      %add3A_1183 = arith.addi %gather3A_1180, %add3A_1182 : vector<16xi32>
      %swap3A_1184 = arith.constant 5 : i32
      %swap3A_1185 = arith.index_cast %swap3A_1184 : i32 to index
      %swap3A_1186 = arith.constant 0 : index
      %swap3A_1187 = tpu.vector_load %arg7[%swap3A_1185, %swap3A_1186] {strides = array<i32>} : memref<13x32xi32, #tpu.memory_space<vmem>>, vector<16xi32>,
      tpu.vector_store %arg7[%swap3A_1185, %swap3A_1186], %add3A_1183 {strides = array<i32>} : memref<13x32xi32, #tpu.memory_space<vmem>>, vector<16xi32>,
      %broadcast_in_dim3A_1188 = arith.constant 11 : i32
      %broadcast_in_dim3A_1189 = vector.broadcast %broadcast_in_dim3A_1188 : i32 to vector<16xi32>
      %gather3A_1190 = tpu.vector_load_idx %arg6[%iota3A, %broadcast_in_dim3A_1189] : memref<16x39xi32, #tpu.memory_space<vmem>>[vector<16xi32>, vector<16xi32>], vector<16xi32>,
      %add3A_1191 = arith.constant 204800 : i32
      %add3A_1192 = vector.broadcast %add3A_1191 : i32 to vector<16xi32>
      %add3A_1193 = arith.addi %gather3A_1190, %add3A_1192 : vector<16xi32>
      %swap3A_1194 = arith.constant 5 : i32
      %swap3A_1195 = arith.index_cast %swap3A_1194 : i32 to index
      %swap3A_1196 = arith.constant 16 : index
      %swap3A_1197 = tpu.vector_load %arg7[%swap3A_1195, %swap3A_1196] {strides = array<i32>} : memref<13x32xi32, #tpu.memory_space<vmem>>, vector<16xi32>,
      tpu.vector_store %arg7[%swap3A_1195, %swap3A_1196], %add3A_1193 {strides = array<i32>} : memref<13x32xi32, #tpu.memory_space<vmem>>, vector<16xi32>,
      %broadcast_in_dim3A_1198 = arith.constant 12 : i32
      %broadcast_in_dim3A_1199 = vector.broadcast %broadcast_in_dim3A_1198 : i32 to vector<16xi32>
      %gather3A_1200 = tpu.vector_load_idx %arg6[%iota3A, %broadcast_in_dim3A_1199] : memref<16x39xi32, #tpu.memory_space<vmem>>[vector<16xi32>, vector<16xi32>], vector<16xi32>,
      %add3A_1201 = arith.constant 307200 : i32
      %add3A_1202 = vector.broadcast %add3A_1201 : i32 to vector<16xi32>
      %add3A_1203 = arith.addi %gather3A_1200, %add3A_1202 : vector<16xi32>
      %swap3A_1204 = arith.constant 6 : i32
      %swap3A_1205 = arith.index_cast %swap3A_1204 : i32 to index
      %swap3A_1206 = arith.constant 0 : index
      %swap3A_1207 = tpu.vector_load %arg7[%swap3A_1205, %swap3A_1206] {strides = array<i32>} : memref<13x32xi32, #tpu.memory_space<vmem>>, vector<16xi32>,
      tpu.vector_store %arg7[%swap3A_1205, %swap3A_1206], %add3A_1203 {strides = array<i32>} : memref<13x32xi32, #tpu.memory_space<vmem>>, vector<16xi32>,
      %broadcast_in_dim3A_1208 = arith.constant 13 : i32
      %broadcast_in_dim3A_1209 = vector.broadcast %broadcast_in_dim3A_1208 : i32 to vector<16xi32>
      %gather3A_1210 = tpu.vector_load_idx %arg6[%iota3A, %broadcast_in_dim3A_1209] : memref<16x39xi32, #tpu.memory_space<vmem>>[vector<16xi32>, vector<16xi32>], vector<16xi32>,
      %add3A_1211 = arith.constant 307200 : i32
      %add3A_1212 = vector.broadcast %add3A_1211 : i32 to vector<16xi32>
      %add3A_1213 = arith.addi %gather3A_1210, %add3A_1212 : vector<16xi32>
      %swap3A_1214 = arith.constant 6 : i32
      %swap3A_1215 = arith.index_cast %swap3A_1214 : i32 to index
      %swap3A_1216 = arith.constant 16 : index
      %swap3A_1217 = tpu.vector_load %arg7[%swap3A_1215, %swap3A_1216] {strides = array<i32>} : memref<13x32xi32, #tpu.memory_space<vmem>>, vector<16xi32>,
      tpu.vector_store %arg7[%swap3A_1215, %swap3A_1216], %add3A_1213 {strides = array<i32>} : memref<13x32xi32, #tpu.memory_space<vmem>>, vector<16xi32>,
      %broadcast_in_dim3A_1218 = arith.constant 14 : i32
      %broadcast_in_dim3A_1219 = vector.broadcast %broadcast_in_dim3A_1218 : i32 to vector<16xi32>
      %gather3A_1220 = tpu.vector_load_idx %arg6[%iota3A, %broadcast_in_dim3A_1219] : memref<16x39xi32, #tpu.memory_space<vmem>>[vector<16xi32>, vector<16xi32>], vector<16xi32>,
      %add3A_1221 = arith.constant 307200 : i32
      %add3A_1222 = vector.broadcast %add3A_1221 : i32 to vector<16xi32>
      %add3A_1223 = arith.addi %gather3A_1220, %add3A_1222 : vector<16xi32>
      %swap3A_1224 = arith.constant 7 : i32
      %swap3A_1225 = arith.index_cast %swap3A_1224 : i32 to index
      %swap3A_1226 = arith.constant 0 : index
      %swap3A_1227 = tpu.vector_load %arg7[%swap3A_1225, %swap3A_1226] {strides = array<i32>} : memref<13x32xi32, #tpu.memory_space<vmem>>, vector<16xi32>,
      tpu.vector_store %arg7[%swap3A_1225, %swap3A_1226], %add3A_1223 {strides = array<i32>} : memref<13x32xi32, #tpu.memory_space<vmem>>, vector<16xi32>,
      %broadcast_in_dim3A_1228 = arith.constant 15 : i32
      %broadcast_in_dim3A_1229 = vector.broadcast %broadcast_in_dim3A_1228 : i32 to vector<16xi32>
      %gather3A_1230 = tpu.vector_load_idx %arg6[%iota3A, %broadcast_in_dim3A_1229] : memref<16x39xi32, #tpu.memory_space<vmem>>[vector<16xi32>, vector<16xi32>], vector<16xi32>,
      %add3A_1231 = arith.constant 307200 : i32
      %add3A_1232 = vector.broadcast %add3A_1231 : i32 to vector<16xi32>
      %add3A_1233 = arith.addi %gather3A_1230, %add3A_1232 : vector<16xi32>
      %swap3A_1234 = arith.constant 7 : i32
      %swap3A_1235 = arith.index_cast %swap3A_1234 : i32 to index
      %swap3A_1236 = arith.constant 16 : index
      %swap3A_1237 = tpu.vector_load %arg7[%swap3A_1235, %swap3A_1236] {strides = array<i32>} : memref<13x32xi32, #tpu.memory_space<vmem>>, vector<16xi32>,
      tpu.vector_store %arg7[%swap3A_1235, %swap3A_1236], %add3A_1233 {strides = array<i32>} : memref<13x32xi32, #tpu.memory_space<vmem>>, vector<16xi32>,
      %broadcast_in_dim3A_1238 = arith.constant 16 : i32
      %broadcast_in_dim3A_1239 = vector.broadcast %broadcast_in_dim3A_1238 : i32 to vector<16xi32>
      %gather3A_1240 = tpu.vector_load_idx %arg6[%iota3A, %broadcast_in_dim3A_1239] : memref<16x39xi32, #tpu.memory_space<vmem>>[vector<16xi32>, vector<16xi32>], vector<16xi32>,
      %add3A_1241 = arith.constant 409600 : i32
      %add3A_1242 = vector.broadcast %add3A_1241 : i32 to vector<16xi32>
      %add3A_1243 = arith.addi %gather3A_1240, %add3A_1242 : vector<16xi32>
      %swap3A_1244 = arith.constant 8 : i32
      %swap3A_1245 = arith.index_cast %swap3A_1244 : i32 to index
      %swap3A_1246 = arith.constant 0 : index
      %swap3A_1247 = tpu.vector_load %arg7[%swap3A_1245, %swap3A_1246] {strides = array<i32>} : memref<13x32xi32, #tpu.memory_space<vmem>>, vector<16xi32>,
      tpu.vector_store %arg7[%swap3A_1245, %swap3A_1246], %add3A_1243 {strides = array<i32>} : memref<13x32xi32, #tpu.memory_space<vmem>>, vector<16xi32>,
      %broadcast_in_dim3A_1248 = arith.constant 17 : i32
      %broadcast_in_dim3A_1249 = vector.broadcast %broadcast_in_dim3A_1248 : i32 to vector<16xi32>
      %gather3A_1250 = tpu.vector_load_idx %arg6[%iota3A, %broadcast_in_dim3A_1249] : memref<16x39xi32, #tpu.memory_space<vmem>>[vector<16xi32>, vector<16xi32>], vector<16xi32>,
      %add3A_1251 = arith.constant 409600 : i32
      %add3A_1252 = vector.broadcast %add3A_1251 : i32 to vector<16xi32>
      %add3A_1253 = arith.addi %gather3A_1250, %add3A_1252 : vector<16xi32>
      %swap3A_1254 = arith.constant 8 : i32
      %swap3A_1255 = arith.index_cast %swap3A_1254 : i32 to index
      %swap3A_1256 = arith.constant 16 : index
      %swap3A_1257 = tpu.vector_load %arg7[%swap3A_1255, %swap3A_1256] {strides = array<i32>} : memref<13x32xi32, #tpu.memory_space<vmem>>, vector<16xi32>,
      tpu.vector_store %arg7[%swap3A_1255, %swap3A_1256], %add3A_1253 {strides = array<i32>} : memref<13x32xi32, #tpu.memory_space<vmem>>, vector<16xi32>,
      %broadcast_in_dim3A_1258 = arith.constant 18 : i32
      %broadcast_in_dim3A_1259 = vector.broadcast %broadcast_in_dim3A_1258 : i32 to vector<16xi32>
      %gather3A_1260 = tpu.vector_load_idx %arg6[%iota3A, %broadcast_in_dim3A_1259] : memref<16x39xi32, #tpu.memory_space<vmem>>[vector<16xi32>, vector<16xi32>], vector<16xi32>,
      %add3A_1261 = arith.constant 409600 : i32
      %add3A_1262 = vector.broadcast %add3A_1261 : i32 to vector<16xi32>
      %add3A_1263 = arith.addi %gather3A_1260, %add3A_1262 : vector<16xi32>
      %swap3A_1264 = arith.constant 9 : i32
      %swap3A_1265 = arith.index_cast %swap3A_1264 : i32 to index
      %swap3A_1266 = arith.constant 0 : index
      %swap3A_1267 = tpu.vector_load %arg7[%swap3A_1265, %swap3A_1266] {strides = array<i32>} : memref<13x32xi32, #tpu.memory_space<vmem>>, vector<16xi32>,
      tpu.vector_store %arg7[%swap3A_1265, %swap3A_1266], %add3A_1263 {strides = array<i32>} : memref<13x32xi32, #tpu.memory_space<vmem>>, vector<16xi32>,
      %broadcast_in_dim3A_1268 = arith.constant 19 : i32
      %broadcast_in_dim3A_1269 = vector.broadcast %broadcast_in_dim3A_1268 : i32 to vector<16xi32>
      %gather3A_1270 = tpu.vector_load_idx %arg6[%iota3A, %broadcast_in_dim3A_1269] : memref<16x39xi32, #tpu.memory_space<vmem>>[vector<16xi32>, vector<16xi32>], vector<16xi32>,
      %add3A_1271 = arith.constant 409600 : i32
      %add3A_1272 = vector.broadcast %add3A_1271 : i32 to vector<16xi32>
      %add3A_1273 = arith.addi %gather3A_1270, %add3A_1272 : vector<16xi32>
      %swap3A_1274 = arith.constant 9 : i32
      %swap3A_1275 = arith.index_cast %swap3A_1274 : i32 to index
      %swap3A_1276 = arith.constant 16 : index
      %swap3A_1277 = tpu.vector_load %arg7[%swap3A_1275, %swap3A_1276] {strides = array<i32>} : memref<13x32xi32, #tpu.memory_space<vmem>>, vector<16xi32>,
      tpu.vector_store %arg7[%swap3A_1275, %swap3A_1276], %add3A_1273 {strides = array<i32>} : memref<13x32xi32, #tpu.memory_space<vmem>>, vector<16xi32>,
      %broadcast_in_dim3A_1278 = arith.constant 20 : i32
      %broadcast_in_dim3A_1279 = vector.broadcast %broadcast_in_dim3A_1278 : i32 to vector<16xi32>
      %gather3A_1280 = tpu.vector_load_idx %arg6[%iota3A, %broadcast_in_dim3A_1279] : memref<16x39xi32, #tpu.memory_space<vmem>>[vector<16xi32>, vector<16xi32>], vector<16xi32>,
      %add3A_1281 = arith.constant 512000 : i32
      %add3A_1282 = vector.broadcast %add3A_1281 : i32 to vector<16xi32>
      %add3A_1283 = arith.addi %gather3A_1280, %add3A_1282 : vector<16xi32>
      %swap3A_1284 = arith.constant 10 : i32
      %swap3A_1285 = arith.index_cast %swap3A_1284 : i32 to index
      %swap3A_1286 = arith.constant 0 : index
      %swap3A_1287 = tpu.vector_load %arg7[%swap3A_1285, %swap3A_1286] {strides = array<i32>} : memref<13x32xi32, #tpu.memory_space<vmem>>, vector<16xi32>,
      tpu.vector_store %arg7[%swap3A_1285, %swap3A_1286], %add3A_1283 {strides = array<i32>} : memref<13x32xi32, #tpu.memory_space<vmem>>, vector<16xi32>,
      %broadcast_in_dim3A_1288 = arith.constant 21 : i32
      %broadcast_in_dim3A_1289 = vector.broadcast %broadcast_in_dim3A_1288 : i32 to vector<16xi32>
      %gather3A_1290 = tpu.vector_load_idx %arg6[%iota3A, %broadcast_in_dim3A_1289] : memref<16x39xi32, #tpu.memory_space<vmem>>[vector<16xi32>, vector<16xi32>], vector<16xi32>,
      %add3A_1291 = arith.constant 512000 : i32
      %add3A_1292 = vector.broadcast %add3A_1291 : i32 to vector<16xi32>
      %add3A_1293 = arith.addi %gather3A_1290, %add3A_1292 : vector<16xi32>
      %swap3A_1294 = arith.constant 10 : i32
      %swap3A_1295 = arith.index_cast %swap3A_1294 : i32 to index
      %swap3A_1296 = arith.constant 16 : index
      %swap3A_1297 = tpu.vector_load %arg7[%swap3A_1295, %swap3A_1296] {strides = array<i32>} : memref<13x32xi32, #tpu.memory_space<vmem>>, vector<16xi32>,
      tpu.vector_store %arg7[%swap3A_1295, %swap3A_1296], %add3A_1293 {strides = array<i32>} : memref<13x32xi32, #tpu.memory_space<vmem>>, vector<16xi32>,
      %broadcast_in_dim3A_1298 = arith.constant 22 : i32
      %broadcast_in_dim3A_1299 = vector.broadcast %broadcast_in_dim3A_1298 : i32 to vector<16xi32>
      %gather3A_1300 = tpu.vector_load_idx %arg6[%iota3A, %broadcast_in_dim3A_1299] : memref<16x39xi32, #tpu.memory_space<vmem>>[vector<16xi32>, vector<16xi32>], vector<16xi32>,
      %add3A_1301 = arith.constant 512000 : i32
      %add3A_1302 = vector.broadcast %add3A_1301 : i32 to vector<16xi32>
      %add3A_1303 = arith.addi %gather3A_1300, %add3A_1302 : vector<16xi32>
      %swap3A_1304 = arith.constant 11 : i32
      %swap3A_1305 = arith.index_cast %swap3A_1304 : i32 to index
      %swap3A_1306 = arith.constant 0 : index
      %swap3A_1307 = tpu.vector_load %arg7[%swap3A_1305, %swap3A_1306] {strides = array<i32>} : memref<13x32xi32, #tpu.memory_space<vmem>>, vector<16xi32>,
      tpu.vector_store %arg7[%swap3A_1305, %swap3A_1306], %add3A_1303 {strides = array<i32>} : memref<13x32xi32, #tpu.memory_space<vmem>>, vector<16xi32>,
      %broadcast_in_dim3A_1308 = arith.constant 23 : i32
      %broadcast_in_dim3A_1309 = vector.broadcast %broadcast_in_dim3A_1308 : i32 to vector<16xi32>
      %gather3A_1310 = tpu.vector_load_idx %arg6[%iota3A, %broadcast_in_dim3A_1309] : memref<16x39xi32, #tpu.memory_space<vmem>>[vector<16xi32>, vector<16xi32>], vector<16xi32>,
      %add3A_1311 = arith.constant 512000 : i32
      %add3A_1312 = vector.broadcast %add3A_1311 : i32 to vector<16xi32>
      %add3A_1313 = arith.addi %gather3A_1310, %add3A_1312 : vector<16xi32>
      %swap3A_1314 = arith.constant 11 : i32
      %swap3A_1315 = arith.index_cast %swap3A_1314 : i32 to index
      %swap3A_1316 = arith.constant 16 : index
      %swap3A_1317 = tpu.vector_load %arg7[%swap3A_1315, %swap3A_1316] {strides = array<i32>} : memref<13x32xi32, #tpu.memory_space<vmem>>, vector<16xi32>,
      tpu.vector_store %arg7[%swap3A_1315, %swap3A_1316], %add3A_1313 {strides = array<i32>} : memref<13x32xi32, #tpu.memory_space<vmem>>, vector<16xi32>,
      %broadcast_in_dim3A_1318 = arith.constant 24 : i32
      %broadcast_in_dim3A_1319 = vector.broadcast %broadcast_in_dim3A_1318 : i32 to vector<16xi32>
      %gather3A_1320 = tpu.vector_load_idx %arg6[%iota3A, %broadcast_in_dim3A_1319] : memref<16x39xi32, #tpu.memory_space<vmem>>[vector<16xi32>, vector<16xi32>], vector<16xi32>,
      %add3A_1321 = arith.constant 0 : i32
      %add3A_1322 = vector.broadcast %add3A_1321 : i32 to vector<16xi32>
      %add3A_1323 = arith.addi %gather3A_1320, %add3A_1322 : vector<16xi32>
      %swap3A_1324 = arith.constant 12 : i32
      %swap3A_1325 = arith.index_cast %swap3A_1324 : i32 to index
      %swap3A_1326 = arith.constant 0 : index
      %swap3A_1327 = tpu.vector_load %arg7[%swap3A_1325, %swap3A_1326] {strides = array<i32>} : memref<13x32xi32, #tpu.memory_space<vmem>>, vector<16xi32>,
      tpu.vector_store %arg7[%swap3A_1325, %swap3A_1326], %add3A_1323 {strides = array<i32>} : memref<13x32xi32, #tpu.memory_space<vmem>>, vector<16xi32>,
      %broadcast_in_dim3A_1328 = arith.constant 25 : i32
      %broadcast_in_dim3A_1329 = vector.broadcast %broadcast_in_dim3A_1328 : i32 to vector<16xi32>
      %gather3A_1330 = tpu.vector_load_idx %arg6[%iota3A, %broadcast_in_dim3A_1329] : memref<16x39xi32, #tpu.memory_space<vmem>>[vector<16xi32>, vector<16xi32>], vector<16xi32>,
      %add3A_1331 = arith.constant 0 : i32
      %add3A_1332 = vector.broadcast %add3A_1331 : i32 to vector<16xi32>
      %add3A_1333 = arith.addi %gather3A_1330, %add3A_1332 : vector<16xi32>
      %swap3A_1334 = arith.constant 12 : i32
      %swap3A_1335 = arith.index_cast %swap3A_1334 : i32 to index
      %swap3A_1336 = arith.constant 16 : index
      %swap3A_1337 = tpu.vector_load %arg7[%swap3A_1335, %swap3A_1336] {strides = array<i32>} : memref<13x32xi32, #tpu.memory_space<vmem>>, vector<16xi32>,
      tpu.vector_store %arg7[%swap3A_1335, %swap3A_1336], %add3A_1333 {strides = array<i32>} : memref<13x32xi32, #tpu.memory_space<vmem>>, vector<16xi32>,
      %dma_start3A_1338 = arith.constant 0 : i32
      %dma_start3A_1339 = arith.constant 0 : i32
      %dma_start3A_1340 = arith.constant 0 : i32
      %dma_start3A_1341 = tpu.memref_slice %arg9[%dma_start3A_1339, %dma_start3A_1340] : memref<416x128xf32, #tpu.memory_space<vmem>> -> memref<32x128xf32, #tpu.memory_space<vmem>>
      %dma_start3A_1342 = arith.constant 0 : i32
      %dma_start3A_1343 = tpu.memref_slice %arg7[%dma_start3A_1338, %dma_start3A_1342] : memref<13x32xi32, #tpu.memory_space<vmem>> -> memref<1x32xi32, #tpu.memory_space<vmem>>
      %dma_start3A_1344 = tpu.memref_squeeze %dma_start3A_1343 : memref<1x32xi32, #tpu.memory_space<vmem>> -> memref<32xi32, #tpu.memory_space<vmem>>
      %dma_start3A_1345 = arith.constant 0 : i32
      %dma_start3A_1346 = arith.constant 0 : i32
      %dma_start3A_1347 = tpu.memref_slice %arg3[%dma_start3A_1345, %dma_start3A_1346] : memref<614400x128xf32, #tpu.memory_space<hbm>> -> memref<614400x128xf32, #tpu.memory_space<hbm>>
      tpu.enqueue_indirect_dma source(%dma_start3A_1347 : memref<614400x128xf32, #tpu.memory_space<hbm>>) target(%dma_start3A_1341 : memref<32x128xf32, #tpu.memory_space<vmem>>) offsets(%dma_start3A_1344 : memref<32xi32, #tpu.memory_space<vmem>>) semaphore(%arg12 : memref<!tpu.dma_semaphore, #tpu.memory_space<semaphore_mem>>)
      %dma_start3A_1348 = arith.constant 1 : i32
      %dma_start3A_1349 = arith.constant 32 : i32
      %dma_start3A_1350 = arith.constant 0 : i32
      %dma_start3A_1351 = tpu.memref_slice %arg9[%dma_start3A_1349, %dma_start3A_1350] : memref<416x128xf32, #tpu.memory_space<vmem>> -> memref<32x128xf32, #tpu.memory_space<vmem>>
      %dma_start3A_1352 = arith.constant 0 : i32
      %dma_start3A_1353 = tpu.memref_slice %arg7[%dma_start3A_1348, %dma_start3A_1352] : memref<13x32xi32, #tpu.memory_space<vmem>> -> memref<1x32xi32, #tpu.memory_space<vmem>>
      %dma_start3A_1354 = tpu.memref_squeeze %dma_start3A_1353 : memref<1x32xi32, #tpu.memory_space<vmem>> -> memref<32xi32, #tpu.memory_space<vmem>>
      %dma_start3A_1355 = arith.constant 0 : i32
      %dma_start3A_1356 = arith.constant 0 : i32
      %dma_start3A_1357 = tpu.memref_slice %arg3[%dma_start3A_1355, %dma_start3A_1356] : memref<614400x128xf32, #tpu.memory_space<hbm>> -> memref<614400x128xf32, #tpu.memory_space<hbm>>
      tpu.enqueue_indirect_dma source(%dma_start3A_1357 : memref<614400x128xf32, #tpu.memory_space<hbm>>) target(%dma_start3A_1351 : memref<32x128xf32, #tpu.memory_space<vmem>>) offsets(%dma_start3A_1354 : memref<32xi32, #tpu.memory_space<vmem>>) semaphore(%arg12 : memref<!tpu.dma_semaphore, #tpu.memory_space<semaphore_mem>>)
      %dma_start3A_1358 = arith.constant 2 : i32
      %dma_start3A_1359 = arith.constant 64 : i32
      %dma_start3A_1360 = arith.constant 0 : i32
      %dma_start3A_1361 = tpu.memref_slice %arg9[%dma_start3A_1359, %dma_start3A_1360] : memref<416x128xf32, #tpu.memory_space<vmem>> -> memref<32x128xf32, #tpu.memory_space<vmem>>
      %dma_start3A_1362 = arith.constant 0 : i32
      %dma_start3A_1363 = tpu.memref_slice %arg7[%dma_start3A_1358, %dma_start3A_1362] : memref<13x32xi32, #tpu.memory_space<vmem>> -> memref<1x32xi32, #tpu.memory_space<vmem>>
      %dma_start3A_1364 = tpu.memref_squeeze %dma_start3A_1363 : memref<1x32xi32, #tpu.memory_space<vmem>> -> memref<32xi32, #tpu.memory_space<vmem>>
      %dma_start3A_1365 = arith.constant 0 : i32
      %dma_start3A_1366 = arith.constant 0 : i32
      %dma_start3A_1367 = tpu.memref_slice %arg3[%dma_start3A_1365, %dma_start3A_1366] : memref<614400x128xf32, #tpu.memory_space<hbm>> -> memref<614400x128xf32, #tpu.memory_space<hbm>>
      tpu.enqueue_indirect_dma source(%dma_start3A_1367 : memref<614400x128xf32, #tpu.memory_space<hbm>>) target(%dma_start3A_1361 : memref<32x128xf32, #tpu.memory_space<vmem>>) offsets(%dma_start3A_1364 : memref<32xi32, #tpu.memory_space<vmem>>) semaphore(%arg12 : memref<!tpu.dma_semaphore, #tpu.memory_space<semaphore_mem>>)
      %dma_start3A_1368 = arith.constant 3 : i32
      %dma_start3A_1369 = arith.constant 96 : i32
      %dma_start3A_1370 = arith.constant 0 : i32
      %dma_start3A_1371 = tpu.memref_slice %arg9[%dma_start3A_1369, %dma_start3A_1370] : memref<416x128xf32, #tpu.memory_space<vmem>> -> memref<32x128xf32, #tpu.memory_space<vmem>>
      %dma_start3A_1372 = arith.constant 0 : i32
      %dma_start3A_1373 = tpu.memref_slice %arg7[%dma_start3A_1368, %dma_start3A_1372] : memref<13x32xi32, #tpu.memory_space<vmem>> -> memref<1x32xi32, #tpu.memory_space<vmem>>
      %dma_start3A_1374 = tpu.memref_squeeze %dma_start3A_1373 : memref<1x32xi32, #tpu.memory_space<vmem>> -> memref<32xi32, #tpu.memory_space<vmem>>
      %dma_start3A_1375 = arith.constant 0 : i32
      %dma_start3A_1376 = arith.constant 0 : i32
      %dma_start3A_1377 = tpu.memref_slice %arg3[%dma_start3A_1375, %dma_start3A_1376] : memref<614400x128xf32, #tpu.memory_space<hbm>> -> memref<614400x128xf32, #tpu.memory_space<hbm>>
      tpu.enqueue_indirect_dma source(%dma_start3A_1377 : memref<614400x128xf32, #tpu.memory_space<hbm>>) target(%dma_start3A_1371 : memref<32x128xf32, #tpu.memory_space<vmem>>) offsets(%dma_start3A_1374 : memref<32xi32, #tpu.memory_space<vmem>>) semaphore(%arg12 : memref<!tpu.dma_semaphore, #tpu.memory_space<semaphore_mem>>)
      %dma_start3A_1378 = arith.constant 4 : i32
      %dma_start3A_1379 = arith.constant 128 : i32
      %dma_start3A_1380 = arith.constant 0 : i32
      %dma_start3A_1381 = tpu.memref_slice %arg9[%dma_start3A_1379, %dma_start3A_1380] : memref<416x128xf32, #tpu.memory_space<vmem>> -> memref<32x128xf32, #tpu.memory_space<vmem>>
      %dma_start3A_1382 = arith.constant 0 : i32
      %dma_start3A_1383 = tpu.memref_slice %arg7[%dma_start3A_1378, %dma_start3A_1382] : memref<13x32xi32, #tpu.memory_space<vmem>> -> memref<1x32xi32, #tpu.memory_space<vmem>>
      %dma_start3A_1384 = tpu.memref_squeeze %dma_start3A_1383 : memref<1x32xi32, #tpu.memory_space<vmem>> -> memref<32xi32, #tpu.memory_space<vmem>>
      %dma_start3A_1385 = arith.constant 0 : i32
      %dma_start3A_1386 = arith.constant 0 : i32
      %dma_start3A_1387 = tpu.memref_slice %arg3[%dma_start3A_1385, %dma_start3A_1386] : memref<614400x128xf32, #tpu.memory_space<hbm>> -> memref<614400x128xf32, #tpu.memory_space<hbm>>
      tpu.enqueue_indirect_dma source(%dma_start3A_1387 : memref<614400x128xf32, #tpu.memory_space<hbm>>) target(%dma_start3A_1381 : memref<32x128xf32, #tpu.memory_space<vmem>>) offsets(%dma_start3A_1384 : memref<32xi32, #tpu.memory_space<vmem>>) semaphore(%arg12 : memref<!tpu.dma_semaphore, #tpu.memory_space<semaphore_mem>>)
      %dma_start3A_1388 = arith.constant 5 : i32
      %dma_start3A_1389 = arith.constant 160 : i32
      %dma_start3A_1390 = arith.constant 0 : i32
      %dma_start3A_1391 = tpu.memref_slice %arg9[%dma_start3A_1389, %dma_start3A_1390] : memref<416x128xf32, #tpu.memory_space<vmem>> -> memref<32x128xf32, #tpu.memory_space<vmem>>
      %dma_start3A_1392 = arith.constant 0 : i32
      %dma_start3A_1393 = tpu.memref_slice %arg7[%dma_start3A_1388, %dma_start3A_1392] : memref<13x32xi32, #tpu.memory_space<vmem>> -> memref<1x32xi32, #tpu.memory_space<vmem>>
      %dma_start3A_1394 = tpu.memref_squeeze %dma_start3A_1393 : memref<1x32xi32, #tpu.memory_space<vmem>> -> memref<32xi32, #tpu.memory_space<vmem>>
      %dma_start3A_1395 = arith.constant 0 : i32
      %dma_start3A_1396 = arith.constant 0 : i32
      %dma_start3A_1397 = tpu.memref_slice %arg3[%dma_start3A_1395, %dma_start3A_1396] : memref<614400x128xf32, #tpu.memory_space<hbm>> -> memref<614400x128xf32, #tpu.memory_space<hbm>>
      tpu.enqueue_indirect_dma source(%dma_start3A_1397 : memref<614400x128xf32, #tpu.memory_space<hbm>>) target(%dma_start3A_1391 : memref<32x128xf32, #tpu.memory_space<vmem>>) offsets(%dma_start3A_1394 : memref<32xi32, #tpu.memory_space<vmem>>) semaphore(%arg12 : memref<!tpu.dma_semaphore, #tpu.memory_space<semaphore_mem>>)
      %dma_start3A_1398 = arith.constant 6 : i32
      %dma_start3A_1399 = arith.constant 192 : i32
      %dma_start3A_1400 = arith.constant 0 : i32
      %dma_start3A_1401 = tpu.memref_slice %arg9[%dma_start3A_1399, %dma_start3A_1400] : memref<416x128xf32, #tpu.memory_space<vmem>> -> memref<32x128xf32, #tpu.memory_space<vmem>>
      %dma_start3A_1402 = arith.constant 0 : i32
      %dma_start3A_1403 = tpu.memref_slice %arg7[%dma_start3A_1398, %dma_start3A_1402] : memref<13x32xi32, #tpu.memory_space<vmem>> -> memref<1x32xi32, #tpu.memory_space<vmem>>
      %dma_start3A_1404 = tpu.memref_squeeze %dma_start3A_1403 : memref<1x32xi32, #tpu.memory_space<vmem>> -> memref<32xi32, #tpu.memory_space<vmem>>
      %dma_start3A_1405 = arith.constant 0 : i32
      %dma_start3A_1406 = arith.constant 0 : i32
      %dma_start3A_1407 = tpu.memref_slice %arg3[%dma_start3A_1405, %dma_start3A_1406] : memref<614400x128xf32, #tpu.memory_space<hbm>> -> memref<614400x128xf32, #tpu.memory_space<hbm>>
      tpu.enqueue_indirect_dma source(%dma_start3A_1407 : memref<614400x128xf32, #tpu.memory_space<hbm>>) target(%dma_start3A_1401 : memref<32x128xf32, #tpu.memory_space<vmem>>) offsets(%dma_start3A_1404 : memref<32xi32, #tpu.memory_space<vmem>>) semaphore(%arg12 : memref<!tpu.dma_semaphore, #tpu.memory_space<semaphore_mem>>)
      %dma_start3A_1408 = arith.constant 7 : i32
      %dma_start3A_1409 = arith.constant 224 : i32
      %dma_start3A_1410 = arith.constant 0 : i32
      %dma_start3A_1411 = tpu.memref_slice %arg9[%dma_start3A_1409, %dma_start3A_1410] : memref<416x128xf32, #tpu.memory_space<vmem>> -> memref<32x128xf32, #tpu.memory_space<vmem>>
      %dma_start3A_1412 = arith.constant 0 : i32
      %dma_start3A_1413 = tpu.memref_slice %arg7[%dma_start3A_1408, %dma_start3A_1412] : memref<13x32xi32, #tpu.memory_space<vmem>> -> memref<1x32xi32, #tpu.memory_space<vmem>>
      %dma_start3A_1414 = tpu.memref_squeeze %dma_start3A_1413 : memref<1x32xi32, #tpu.memory_space<vmem>> -> memref<32xi32, #tpu.memory_space<vmem>>
      %dma_start3A_1415 = arith.constant 0 : i32
      %dma_start3A_1416 = arith.constant 0 : i32
      %dma_start3A_1417 = tpu.memref_slice %arg3[%dma_start3A_1415, %dma_start3A_1416] : memref<614400x128xf32, #tpu.memory_space<hbm>> -> memref<614400x128xf32, #tpu.memory_space<hbm>>
      tpu.enqueue_indirect_dma source(%dma_start3A_1417 : memref<614400x128xf32, #tpu.memory_space<hbm>>) target(%dma_start3A_1411 : memref<32x128xf32, #tpu.memory_space<vmem>>) offsets(%dma_start3A_1414 : memref<32xi32, #tpu.memory_space<vmem>>) semaphore(%arg12 : memref<!tpu.dma_semaphore, #tpu.memory_space<semaphore_mem>>)
      %dma_start3A_1418 = arith.constant 8 : i32
      %dma_start3A_1419 = arith.constant 256 : i32
      %dma_start3A_1420 = arith.constant 0 : i32
      %dma_start3A_1421 = tpu.memref_slice %arg9[%dma_start3A_1419, %dma_start3A_1420] : memref<416x128xf32, #tpu.memory_space<vmem>> -> memref<32x128xf32, #tpu.memory_space<vmem>>
      %dma_start3A_1422 = arith.constant 0 : i32
      %dma_start3A_1423 = tpu.memref_slice %arg7[%dma_start3A_1418, %dma_start3A_1422] : memref<13x32xi32, #tpu.memory_space<vmem>> -> memref<1x32xi32, #tpu.memory_space<vmem>>
      %dma_start3A_1424 = tpu.memref_squeeze %dma_start3A_1423 : memref<1x32xi32, #tpu.memory_space<vmem>> -> memref<32xi32, #tpu.memory_space<vmem>>
      %dma_start3A_1425 = arith.constant 0 : i32
      %dma_start3A_1426 = arith.constant 0 : i32
      %dma_start3A_1427 = tpu.memref_slice %arg3[%dma_start3A_1425, %dma_start3A_1426] : memref<614400x128xf32, #tpu.memory_space<hbm>> -> memref<614400x128xf32, #tpu.memory_space<hbm>>
      tpu.enqueue_indirect_dma source(%dma_start3A_1427 : memref<614400x128xf32, #tpu.memory_space<hbm>>) target(%dma_start3A_1421 : memref<32x128xf32, #tpu.memory_space<vmem>>) offsets(%dma_start3A_1424 : memref<32xi32, #tpu.memory_space<vmem>>) semaphore(%arg12 : memref<!tpu.dma_semaphore, #tpu.memory_space<semaphore_mem>>)
      %dma_start3A_1428 = arith.constant 9 : i32
      %dma_start3A_1429 = arith.constant 288 : i32
      %dma_start3A_1430 = arith.constant 0 : i32
      %dma_start3A_1431 = tpu.memref_slice %arg9[%dma_start3A_1429, %dma_start3A_1430] : memref<416x128xf32, #tpu.memory_space<vmem>> -> memref<32x128xf32, #tpu.memory_space<vmem>>
      %dma_start3A_1432 = arith.constant 0 : i32
      %dma_start3A_1433 = tpu.memref_slice %arg7[%dma_start3A_1428, %dma_start3A_1432] : memref<13x32xi32, #tpu.memory_space<vmem>> -> memref<1x32xi32, #tpu.memory_space<vmem>>
      %dma_start3A_1434 = tpu.memref_squeeze %dma_start3A_1433 : memref<1x32xi32, #tpu.memory_space<vmem>> -> memref<32xi32, #tpu.memory_space<vmem>>
      %dma_start3A_1435 = arith.constant 0 : i32
      %dma_start3A_1436 = arith.constant 0 : i32
      %dma_start3A_1437 = tpu.memref_slice %arg3[%dma_start3A_1435, %dma_start3A_1436] : memref<614400x128xf32, #tpu.memory_space<hbm>> -> memref<614400x128xf32, #tpu.memory_space<hbm>>
      tpu.enqueue_indirect_dma source(%dma_start3A_1437 : memref<614400x128xf32, #tpu.memory_space<hbm>>) target(%dma_start3A_1431 : memref<32x128xf32, #tpu.memory_space<vmem>>) offsets(%dma_start3A_1434 : memref<32xi32, #tpu.memory_space<vmem>>) semaphore(%arg12 : memref<!tpu.dma_semaphore, #tpu.memory_space<semaphore_mem>>)
      %dma_start3A_1438 = arith.constant 10 : i32
      %dma_start3A_1439 = arith.constant 320 : i32
      %dma_start3A_1440 = arith.constant 0 : i32
      %dma_start3A_1441 = tpu.memref_slice %arg9[%dma_start3A_1439, %dma_start3A_1440] : memref<416x128xf32, #tpu.memory_space<vmem>> -> memref<32x128xf32, #tpu.memory_space<vmem>>
      %dma_start3A_1442 = arith.constant 0 : i32
      %dma_start3A_1443 = tpu.memref_slice %arg7[%dma_start3A_1438, %dma_start3A_1442] : memref<13x32xi32, #tpu.memory_space<vmem>> -> memref<1x32xi32, #tpu.memory_space<vmem>>
      %dma_start3A_1444 = tpu.memref_squeeze %dma_start3A_1443 : memref<1x32xi32, #tpu.memory_space<vmem>> -> memref<32xi32, #tpu.memory_space<vmem>>
      %dma_start3A_1445 = arith.constant 0 : i32
      %dma_start3A_1446 = arith.constant 0 : i32
      %dma_start3A_1447 = tpu.memref_slice %arg3[%dma_start3A_1445, %dma_start3A_1446] : memref<614400x128xf32, #tpu.memory_space<hbm>> -> memref<614400x128xf32, #tpu.memory_space<hbm>>
      tpu.enqueue_indirect_dma source(%dma_start3A_1447 : memref<614400x128xf32, #tpu.memory_space<hbm>>) target(%dma_start3A_1441 : memref<32x128xf32, #tpu.memory_space<vmem>>) offsets(%dma_start3A_1444 : memref<32xi32, #tpu.memory_space<vmem>>) semaphore(%arg12 : memref<!tpu.dma_semaphore, #tpu.memory_space<semaphore_mem>>)
      %dma_start3A_1448 = arith.constant 11 : i32
      %dma_start3A_1449 = arith.constant 352 : i32
      %dma_start3A_1450 = arith.constant 0 : i32
      %dma_start3A_1451 = tpu.memref_slice %arg9[%dma_start3A_1449, %dma_start3A_1450] : memref<416x128xf32, #tpu.memory_space<vmem>> -> memref<32x128xf32, #tpu.memory_space<vmem>>
      %dma_start3A_1452 = arith.constant 0 : i32
      %dma_start3A_1453 = tpu.memref_slice %arg7[%dma_start3A_1448, %dma_start3A_1452] : memref<13x32xi32, #tpu.memory_space<vmem>> -> memref<1x32xi32, #tpu.memory_space<vmem>>
      %dma_start3A_1454 = tpu.memref_squeeze %dma_start3A_1453 : memref<1x32xi32, #tpu.memory_space<vmem>> -> memref<32xi32, #tpu.memory_space<vmem>>
      %dma_start3A_1455 = arith.constant 0 : i32
      %dma_start3A_1456 = arith.constant 0 : i32
      %dma_start3A_1457 = tpu.memref_slice %arg3[%dma_start3A_1455, %dma_start3A_1456] : memref<614400x128xf32, #tpu.memory_space<hbm>> -> memref<614400x128xf32, #tpu.memory_space<hbm>>
      tpu.enqueue_indirect_dma source(%dma_start3A_1457 : memref<614400x128xf32, #tpu.memory_space<hbm>>) target(%dma_start3A_1451 : memref<32x128xf32, #tpu.memory_space<vmem>>) offsets(%dma_start3A_1454 : memref<32xi32, #tpu.memory_space<vmem>>) semaphore(%arg12 : memref<!tpu.dma_semaphore, #tpu.memory_space<semaphore_mem>>)
      %dma_start3A_1458 = arith.constant 12 : i32
      %dma_start3A_1459 = arith.constant 384 : i32
      %dma_start3A_1460 = arith.constant 0 : i32
      %dma_start3A_1461 = tpu.memref_slice %arg9[%dma_start3A_1459, %dma_start3A_1460] : memref<416x128xf32, #tpu.memory_space<vmem>> -> memref<32x128xf32, #tpu.memory_space<vmem>>
      %dma_start3A_1462 = arith.constant 0 : i32
      %dma_start3A_1463 = tpu.memref_slice %arg7[%dma_start3A_1458, %dma_start3A_1462] : memref<13x32xi32, #tpu.memory_space<vmem>> -> memref<1x32xi32, #tpu.memory_space<vmem>>
      %dma_start3A_1464 = tpu.memref_squeeze %dma_start3A_1463 : memref<1x32xi32, #tpu.memory_space<vmem>> -> memref<32xi32, #tpu.memory_space<vmem>>
      %dma_start3A_1465 = arith.constant 0 : i32
      %dma_start3A_1466 = arith.constant 0 : i32
      %dma_start3A_1467 = tpu.memref_slice %arg4[%dma_start3A_1465, %dma_start3A_1466] : memref<102400x128xf32, #tpu.memory_space<hbm>> -> memref<102400x128xf32, #tpu.memory_space<hbm>>
      tpu.enqueue_indirect_dma source(%dma_start3A_1467 : memref<102400x128xf32, #tpu.memory_space<hbm>>) target(%dma_start3A_1461 : memref<32x128xf32, #tpu.memory_space<vmem>>) offsets(%dma_start3A_1464 : memref<32xi32, #tpu.memory_space<vmem>>) semaphore(%arg12 : memref<!tpu.dma_semaphore, #tpu.memory_space<semaphore_mem>>)
      %dma_wait3A_1468 = arith.constant 0 : i32
      %dma_wait3A_1469 = arith.constant 0 : i32
      %dma_wait3A_1470 = arith.constant 0 : i32
      %dma_wait3A_1471 = tpu.memref_slice %arg10[%dma_wait3A_1469, %dma_wait3A_1470] : memref<416x128xf32, #tpu.memory_space<vmem>> -> memref<32x128xf32, #tpu.memory_space<vmem>>
      %dma_wait3A_1472 = arith.constant 0 : i32
      %dma_wait3A_1473 = tpu.memref_slice %arg8[%dma_wait3A_1468, %dma_wait3A_1472] : memref<13x32xi32, #tpu.memory_space<vmem>> -> memref<1x32xi32, #tpu.memory_space<vmem>>
      %dma_wait3A_1474 = tpu.memref_squeeze %dma_wait3A_1473 : memref<1x32xi32, #tpu.memory_space<vmem>> -> memref<32xi32, #tpu.memory_space<vmem>>
      %dma_wait3A_1475 = arith.constant 0 : i32
      %dma_wait3A_1476 = arith.constant 0 : i32
      %dma_wait3A_1477 = tpu.memref_slice %arg3[%dma_wait3A_1475, %dma_wait3A_1476] : memref<614400x128xf32, #tpu.memory_space<hbm>> -> memref<614400x128xf32, #tpu.memory_space<hbm>>
      tpu.wait_indirect_dma semaphore(%arg13 : memref<!tpu.dma_semaphore, #tpu.memory_space<semaphore_mem>>) src(%dma_wait3A_1477 : memref<614400x128xf32, #tpu.memory_space<hbm>>) dst(%dma_wait3A_1471 : memref<32x128xf32, #tpu.memory_space<vmem>>)
      %dma_wait3A_1478 = arith.constant 1 : i32
      %dma_wait3A_1479 = arith.constant 32 : i32
      %dma_wait3A_1480 = arith.constant 0 : i32
      %dma_wait3A_1481 = tpu.memref_slice %arg10[%dma_wait3A_1479, %dma_wait3A_1480] : memref<416x128xf32, #tpu.memory_space<vmem>> -> memref<32x128xf32, #tpu.memory_space<vmem>>
      %dma_wait3A_1482 = arith.constant 0 : i32
      %dma_wait3A_1483 = tpu.memref_slice %arg8[%dma_wait3A_1478, %dma_wait3A_1482] : memref<13x32xi32, #tpu.memory_space<vmem>> -> memref<1x32xi32, #tpu.memory_space<vmem>>
      %dma_wait3A_1484 = tpu.memref_squeeze %dma_wait3A_1483 : memref<1x32xi32, #tpu.memory_space<vmem>> -> memref<32xi32, #tpu.memory_space<vmem>>
      %dma_wait3A_1485 = arith.constant 0 : i32
      %dma_wait3A_1486 = arith.constant 0 : i32
      %dma_wait3A_1487 = tpu.memref_slice %arg3[%dma_wait3A_1485, %dma_wait3A_1486] : memref<614400x128xf32, #tpu.memory_space<hbm>> -> memref<614400x128xf32, #tpu.memory_space<hbm>>
      tpu.wait_indirect_dma semaphore(%arg13 : memref<!tpu.dma_semaphore, #tpu.memory_space<semaphore_mem>>) src(%dma_wait3A_1487 : memref<614400x128xf32, #tpu.memory_space<hbm>>) dst(%dma_wait3A_1481 : memref<32x128xf32, #tpu.memory_space<vmem>>)
      %dma_wait3A_1488 = arith.constant 2 : i32
      %dma_wait3A_1489 = arith.constant 64 : i32
      %dma_wait3A_1490 = arith.constant 0 : i32
      %dma_wait3A_1491 = tpu.memref_slice %arg10[%dma_wait3A_1489, %dma_wait3A_1490] : memref<416x128xf32, #tpu.memory_space<vmem>> -> memref<32x128xf32, #tpu.memory_space<vmem>>
      %dma_wait3A_1492 = arith.constant 0 : i32
      %dma_wait3A_1493 = tpu.memref_slice %arg8[%dma_wait3A_1488, %dma_wait3A_1492] : memref<13x32xi32, #tpu.memory_space<vmem>> -> memref<1x32xi32, #tpu.memory_space<vmem>>
      %dma_wait3A_1494 = tpu.memref_squeeze %dma_wait3A_1493 : memref<1x32xi32, #tpu.memory_space<vmem>> -> memref<32xi32, #tpu.memory_space<vmem>>
      %dma_wait3A_1495 = arith.constant 0 : i32
      %dma_wait3A_1496 = arith.constant 0 : i32
      %dma_wait3A_1497 = tpu.memref_slice %arg3[%dma_wait3A_1495, %dma_wait3A_1496] : memref<614400x128xf32, #tpu.memory_space<hbm>> -> memref<614400x128xf32, #tpu.memory_space<hbm>>
      tpu.wait_indirect_dma semaphore(%arg13 : memref<!tpu.dma_semaphore, #tpu.memory_space<semaphore_mem>>) src(%dma_wait3A_1497 : memref<614400x128xf32, #tpu.memory_space<hbm>>) dst(%dma_wait3A_1491 : memref<32x128xf32, #tpu.memory_space<vmem>>)
      %dma_wait3A_1498 = arith.constant 3 : i32
      %dma_wait3A_1499 = arith.constant 96 : i32
      %dma_wait3A_1500 = arith.constant 0 : i32
      %dma_wait3A_1501 = tpu.memref_slice %arg10[%dma_wait3A_1499, %dma_wait3A_1500] : memref<416x128xf32, #tpu.memory_space<vmem>> -> memref<32x128xf32, #tpu.memory_space<vmem>>
      %dma_wait3A_1502 = arith.constant 0 : i32
      %dma_wait3A_1503 = tpu.memref_slice %arg8[%dma_wait3A_1498, %dma_wait3A_1502] : memref<13x32xi32, #tpu.memory_space<vmem>> -> memref<1x32xi32, #tpu.memory_space<vmem>>
      %dma_wait3A_1504 = tpu.memref_squeeze %dma_wait3A_1503 : memref<1x32xi32, #tpu.memory_space<vmem>> -> memref<32xi32, #tpu.memory_space<vmem>>
      %dma_wait3A_1505 = arith.constant 0 : i32
      %dma_wait3A_1506 = arith.constant 0 : i32
      %dma_wait3A_1507 = tpu.memref_slice %arg3[%dma_wait3A_1505, %dma_wait3A_1506] : memref<614400x128xf32, #tpu.memory_space<hbm>> -> memref<614400x128xf32, #tpu.memory_space<hbm>>
      tpu.wait_indirect_dma semaphore(%arg13 : memref<!tpu.dma_semaphore, #tpu.memory_space<semaphore_mem>>) src(%dma_wait3A_1507 : memref<614400x128xf32, #tpu.memory_space<hbm>>) dst(%dma_wait3A_1501 : memref<32x128xf32, #tpu.memory_space<vmem>>)
      %dma_wait3A_1508 = arith.constant 4 : i32
      %dma_wait3A_1509 = arith.constant 128 : i32
      %dma_wait3A_1510 = arith.constant 0 : i32
      %dma_wait3A_1511 = tpu.memref_slice %arg10[%dma_wait3A_1509, %dma_wait3A_1510] : memref<416x128xf32, #tpu.memory_space<vmem>> -> memref<32x128xf32, #tpu.memory_space<vmem>>
      %dma_wait3A_1512 = arith.constant 0 : i32
      %dma_wait3A_1513 = tpu.memref_slice %arg8[%dma_wait3A_1508, %dma_wait3A_1512] : memref<13x32xi32, #tpu.memory_space<vmem>> -> memref<1x32xi32, #tpu.memory_space<vmem>>
      %dma_wait3A_1514 = tpu.memref_squeeze %dma_wait3A_1513 : memref<1x32xi32, #tpu.memory_space<vmem>> -> memref<32xi32, #tpu.memory_space<vmem>>
      %dma_wait3A_1515 = arith.constant 0 : i32
      %dma_wait3A_1516 = arith.constant 0 : i32
      %dma_wait3A_1517 = tpu.memref_slice %arg3[%dma_wait3A_1515, %dma_wait3A_1516] : memref<614400x128xf32, #tpu.memory_space<hbm>> -> memref<614400x128xf32, #tpu.memory_space<hbm>>
      tpu.wait_indirect_dma semaphore(%arg13 : memref<!tpu.dma_semaphore, #tpu.memory_space<semaphore_mem>>) src(%dma_wait3A_1517 : memref<614400x128xf32, #tpu.memory_space<hbm>>) dst(%dma_wait3A_1511 : memref<32x128xf32, #tpu.memory_space<vmem>>)
      %dma_wait3A_1518 = arith.constant 5 : i32
      %dma_wait3A_1519 = arith.constant 160 : i32
      %dma_wait3A_1520 = arith.constant 0 : i32
      %dma_wait3A_1521 = tpu.memref_slice %arg10[%dma_wait3A_1519, %dma_wait3A_1520] : memref<416x128xf32, #tpu.memory_space<vmem>> -> memref<32x128xf32, #tpu.memory_space<vmem>>
      %dma_wait3A_1522 = arith.constant 0 : i32
      %dma_wait3A_1523 = tpu.memref_slice %arg8[%dma_wait3A_1518, %dma_wait3A_1522] : memref<13x32xi32, #tpu.memory_space<vmem>> -> memref<1x32xi32, #tpu.memory_space<vmem>>
      %dma_wait3A_1524 = tpu.memref_squeeze %dma_wait3A_1523 : memref<1x32xi32, #tpu.memory_space<vmem>> -> memref<32xi32, #tpu.memory_space<vmem>>
      %dma_wait3A_1525 = arith.constant 0 : i32
      %dma_wait3A_1526 = arith.constant 0 : i32
      %dma_wait3A_1527 = tpu.memref_slice %arg3[%dma_wait3A_1525, %dma_wait3A_1526] : memref<614400x128xf32, #tpu.memory_space<hbm>> -> memref<614400x128xf32, #tpu.memory_space<hbm>>
      tpu.wait_indirect_dma semaphore(%arg13 : memref<!tpu.dma_semaphore, #tpu.memory_space<semaphore_mem>>) src(%dma_wait3A_1527 : memref<614400x128xf32, #tpu.memory_space<hbm>>) dst(%dma_wait3A_1521 : memref<32x128xf32, #tpu.memory_space<vmem>>)
      %dma_wait3A_1528 = arith.constant 6 : i32
      %dma_wait3A_1529 = arith.constant 192 : i32
      %dma_wait3A_1530 = arith.constant 0 : i32
      %dma_wait3A_1531 = tpu.memref_slice %arg10[%dma_wait3A_1529, %dma_wait3A_1530] : memref<416x128xf32, #tpu.memory_space<vmem>> -> memref<32x128xf32, #tpu.memory_space<vmem>>
      %dma_wait3A_1532 = arith.constant 0 : i32
      %dma_wait3A_1533 = tpu.memref_slice %arg8[%dma_wait3A_1528, %dma_wait3A_1532] : memref<13x32xi32, #tpu.memory_space<vmem>> -> memref<1x32xi32, #tpu.memory_space<vmem>>
      %dma_wait3A_1534 = tpu.memref_squeeze %dma_wait3A_1533 : memref<1x32xi32, #tpu.memory_space<vmem>> -> memref<32xi32, #tpu.memory_space<vmem>>
      %dma_wait3A_1535 = arith.constant 0 : i32
      %dma_wait3A_1536 = arith.constant 0 : i32
      %dma_wait3A_1537 = tpu.memref_slice %arg3[%dma_wait3A_1535, %dma_wait3A_1536] : memref<614400x128xf32, #tpu.memory_space<hbm>> -> memref<614400x128xf32, #tpu.memory_space<hbm>>
      tpu.wait_indirect_dma semaphore(%arg13 : memref<!tpu.dma_semaphore, #tpu.memory_space<semaphore_mem>>) src(%dma_wait3A_1537 : memref<614400x128xf32, #tpu.memory_space<hbm>>) dst(%dma_wait3A_1531 : memref<32x128xf32, #tpu.memory_space<vmem>>)
      %dma_wait3A_1538 = arith.constant 7 : i32
      %dma_wait3A_1539 = arith.constant 224 : i32
      %dma_wait3A_1540 = arith.constant 0 : i32
      %dma_wait3A_1541 = tpu.memref_slice %arg10[%dma_wait3A_1539, %dma_wait3A_1540] : memref<416x128xf32, #tpu.memory_space<vmem>> -> memref<32x128xf32, #tpu.memory_space<vmem>>
      %dma_wait3A_1542 = arith.constant 0 : i32
      %dma_wait3A_1543 = tpu.memref_slice %arg8[%dma_wait3A_1538, %dma_wait3A_1542] : memref<13x32xi32, #tpu.memory_space<vmem>> -> memref<1x32xi32, #tpu.memory_space<vmem>>
      %dma_wait3A_1544 = tpu.memref_squeeze %dma_wait3A_1543 : memref<1x32xi32, #tpu.memory_space<vmem>> -> memref<32xi32, #tpu.memory_space<vmem>>
      %dma_wait3A_1545 = arith.constant 0 : i32
      %dma_wait3A_1546 = arith.constant 0 : i32
      %dma_wait3A_1547 = tpu.memref_slice %arg3[%dma_wait3A_1545, %dma_wait3A_1546] : memref<614400x128xf32, #tpu.memory_space<hbm>> -> memref<614400x128xf32, #tpu.memory_space<hbm>>
      tpu.wait_indirect_dma semaphore(%arg13 : memref<!tpu.dma_semaphore, #tpu.memory_space<semaphore_mem>>) src(%dma_wait3A_1547 : memref<614400x128xf32, #tpu.memory_space<hbm>>) dst(%dma_wait3A_1541 : memref<32x128xf32, #tpu.memory_space<vmem>>)
      %dma_wait3A_1548 = arith.constant 8 : i32
      %dma_wait3A_1549 = arith.constant 256 : i32
      %dma_wait3A_1550 = arith.constant 0 : i32
      %dma_wait3A_1551 = tpu.memref_slice %arg10[%dma_wait3A_1549, %dma_wait3A_1550] : memref<416x128xf32, #tpu.memory_space<vmem>> -> memref<32x128xf32, #tpu.memory_space<vmem>>
      %dma_wait3A_1552 = arith.constant 0 : i32
      %dma_wait3A_1553 = tpu.memref_slice %arg8[%dma_wait3A_1548, %dma_wait3A_1552] : memref<13x32xi32, #tpu.memory_space<vmem>> -> memref<1x32xi32, #tpu.memory_space<vmem>>
      %dma_wait3A_1554 = tpu.memref_squeeze %dma_wait3A_1553 : memref<1x32xi32, #tpu.memory_space<vmem>> -> memref<32xi32, #tpu.memory_space<vmem>>
      %dma_wait3A_1555 = arith.constant 0 : i32
      %dma_wait3A_1556 = arith.constant 0 : i32
      %dma_wait3A_1557 = tpu.memref_slice %arg3[%dma_wait3A_1555, %dma_wait3A_1556] : memref<614400x128xf32, #tpu.memory_space<hbm>> -> memref<614400x128xf32, #tpu.memory_space<hbm>>
      tpu.wait_indirect_dma semaphore(%arg13 : memref<!tpu.dma_semaphore, #tpu.memory_space<semaphore_mem>>) src(%dma_wait3A_1557 : memref<614400x128xf32, #tpu.memory_space<hbm>>) dst(%dma_wait3A_1551 : memref<32x128xf32, #tpu.memory_space<vmem>>)
      %dma_wait3A_1558 = arith.constant 9 : i32
      %dma_wait3A_1559 = arith.constant 288 : i32
      %dma_wait3A_1560 = arith.constant 0 : i32
      %dma_wait3A_1561 = tpu.memref_slice %arg10[%dma_wait3A_1559, %dma_wait3A_1560] : memref<416x128xf32, #tpu.memory_space<vmem>> -> memref<32x128xf32, #tpu.memory_space<vmem>>
      %dma_wait3A_1562 = arith.constant 0 : i32
      %dma_wait3A_1563 = tpu.memref_slice %arg8[%dma_wait3A_1558, %dma_wait3A_1562] : memref<13x32xi32, #tpu.memory_space<vmem>> -> memref<1x32xi32, #tpu.memory_space<vmem>>
      %dma_wait3A_1564 = tpu.memref_squeeze %dma_wait3A_1563 : memref<1x32xi32, #tpu.memory_space<vmem>> -> memref<32xi32, #tpu.memory_space<vmem>>
      %dma_wait3A_1565 = arith.constant 0 : i32
      %dma_wait3A_1566 = arith.constant 0 : i32
      %dma_wait3A_1567 = tpu.memref_slice %arg3[%dma_wait3A_1565, %dma_wait3A_1566] : memref<614400x128xf32, #tpu.memory_space<hbm>> -> memref<614400x128xf32, #tpu.memory_space<hbm>>
      tpu.wait_indirect_dma semaphore(%arg13 : memref<!tpu.dma_semaphore, #tpu.memory_space<semaphore_mem>>) src(%dma_wait3A_1567 : memref<614400x128xf32, #tpu.memory_space<hbm>>) dst(%dma_wait3A_1561 : memref<32x128xf32, #tpu.memory_space<vmem>>)
      %dma_wait3A_1568 = arith.constant 10 : i32
      %dma_wait3A_1569 = arith.constant 320 : i32
      %dma_wait3A_1570 = arith.constant 0 : i32
      %dma_wait3A_1571 = tpu.memref_slice %arg10[%dma_wait3A_1569, %dma_wait3A_1570] : memref<416x128xf32, #tpu.memory_space<vmem>> -> memref<32x128xf32, #tpu.memory_space<vmem>>
      %dma_wait3A_1572 = arith.constant 0 : i32
      %dma_wait3A_1573 = tpu.memref_slice %arg8[%dma_wait3A_1568, %dma_wait3A_1572] : memref<13x32xi32, #tpu.memory_space<vmem>> -> memref<1x32xi32, #tpu.memory_space<vmem>>
      %dma_wait3A_1574 = tpu.memref_squeeze %dma_wait3A_1573 : memref<1x32xi32, #tpu.memory_space<vmem>> -> memref<32xi32, #tpu.memory_space<vmem>>
      %dma_wait3A_1575 = arith.constant 0 : i32
      %dma_wait3A_1576 = arith.constant 0 : i32
      %dma_wait3A_1577 = tpu.memref_slice %arg3[%dma_wait3A_1575, %dma_wait3A_1576] : memref<614400x128xf32, #tpu.memory_space<hbm>> -> memref<614400x128xf32, #tpu.memory_space<hbm>>
      tpu.wait_indirect_dma semaphore(%arg13 : memref<!tpu.dma_semaphore, #tpu.memory_space<semaphore_mem>>) src(%dma_wait3A_1577 : memref<614400x128xf32, #tpu.memory_space<hbm>>) dst(%dma_wait3A_1571 : memref<32x128xf32, #tpu.memory_space<vmem>>)
      %dma_wait3A_1578 = arith.constant 11 : i32
      %dma_wait3A_1579 = arith.constant 352 : i32
      %dma_wait3A_1580 = arith.constant 0 : i32
      %dma_wait3A_1581 = tpu.memref_slice %arg10[%dma_wait3A_1579, %dma_wait3A_1580] : memref<416x128xf32, #tpu.memory_space<vmem>> -> memref<32x128xf32, #tpu.memory_space<vmem>>
      %dma_wait3A_1582 = arith.constant 0 : i32
      %dma_wait3A_1583 = tpu.memref_slice %arg8[%dma_wait3A_1578, %dma_wait3A_1582] : memref<13x32xi32, #tpu.memory_space<vmem>> -> memref<1x32xi32, #tpu.memory_space<vmem>>
      %dma_wait3A_1584 = tpu.memref_squeeze %dma_wait3A_1583 : memref<1x32xi32, #tpu.memory_space<vmem>> -> memref<32xi32, #tpu.memory_space<vmem>>
      %dma_wait3A_1585 = arith.constant 0 : i32
      %dma_wait3A_1586 = arith.constant 0 : i32
      %dma_wait3A_1587 = tpu.memref_slice %arg3[%dma_wait3A_1585, %dma_wait3A_1586] : memref<614400x128xf32, #tpu.memory_space<hbm>> -> memref<614400x128xf32, #tpu.memory_space<hbm>>
      tpu.wait_indirect_dma semaphore(%arg13 : memref<!tpu.dma_semaphore, #tpu.memory_space<semaphore_mem>>) src(%dma_wait3A_1587 : memref<614400x128xf32, #tpu.memory_space<hbm>>) dst(%dma_wait3A_1581 : memref<32x128xf32, #tpu.memory_space<vmem>>)
      %dma_wait3A_1588 = arith.constant 12 : i32
      %dma_wait3A_1589 = arith.constant 384 : i32
      %dma_wait3A_1590 = arith.constant 0 : i32
      %dma_wait3A_1591 = tpu.memref_slice %arg10[%dma_wait3A_1589, %dma_wait3A_1590] : memref<416x128xf32, #tpu.memory_space<vmem>> -> memref<32x128xf32, #tpu.memory_space<vmem>>
      %dma_wait3A_1592 = arith.constant 0 : i32
      %dma_wait3A_1593 = tpu.memref_slice %arg8[%dma_wait3A_1588, %dma_wait3A_1592] : memref<13x32xi32, #tpu.memory_space<vmem>> -> memref<1x32xi32, #tpu.memory_space<vmem>>
      %dma_wait3A_1594 = tpu.memref_squeeze %dma_wait3A_1593 : memref<1x32xi32, #tpu.memory_space<vmem>> -> memref<32xi32, #tpu.memory_space<vmem>>
      %dma_wait3A_1595 = arith.constant 0 : i32
      %dma_wait3A_1596 = arith.constant 0 : i32
      %dma_wait3A_1597 = tpu.memref_slice %arg4[%dma_wait3A_1595, %dma_wait3A_1596] : memref<102400x128xf32, #tpu.memory_space<hbm>> -> memref<102400x128xf32, #tpu.memory_space<hbm>>
      tpu.wait_indirect_dma semaphore(%arg13 : memref<!tpu.dma_semaphore, #tpu.memory_space<semaphore_mem>>) src(%dma_wait3A_1597 : memref<102400x128xf32, #tpu.memory_space<hbm>>) dst(%dma_wait3A_1591 : memref<32x128xf32, #tpu.memory_space<vmem>>)
      %scan3A_1598 = arith.constant 0 : i32
      %scan3A_1599 = arith.constant 16 : i32
      %scan3A_1600 = arith.addi %scan3A_1598, %scan3A_1599 : i32
      %scan3A_1601 = arith.constant 1 : i32
      scf.for %scan3A_1606 = %scan3A_1598 to %scan3A_1600 step %scan3A_1601  : i32 {
        %mul3A_1607 = arith.constant 1 : i32
        %mul3A_1608 = arith.muli %scan3A_1606, %mul3A_1607 : i32
        %add3A_1609 = arith.constant 0 : i32
        %add3A_1610 = arith.addi %add3A_1609, %mul3A_1608 : i32
        %add3A_1611 = arith.constant 0 : i32
        %add3A_1612 = arith.addi %add3A_1611, %add3A_1610 : i32
        %get3A = arith.index_cast %add3A_1612 : i32 to index
        %get3A_1613 = arith.constant 0 : index
        %get3A_1614 = tpu.vector_load %arg10[%get3A, %get3A_1613] {strides = array<i32>} : memref<416x128xf32, #tpu.memory_space<vmem>>, vector<16xf32>,
        %add3A_1615 = arith.constant 16 : i32
        %add3A_1616 = arith.addi %add3A_1615, %add3A_1610 : i32
        %get3A_1617 = arith.index_cast %add3A_1616 : i32 to index
        %get3A_1618 = arith.constant 32 : index
        %get3A_1619 = tpu.vector_load %arg10[%get3A_1617, %get3A_1618] {strides = array<i32>} : memref<416x128xf32, #tpu.memory_space<vmem>>, vector<16xf32>,
        %add3A_1620 = arith.constant 32 : i32
        %add3A_1621 = arith.addi %add3A_1620, %add3A_1610 : i32
        %get3A_1622 = arith.index_cast %add3A_1621 : i32 to index
        %get3A_1623 = arith.constant 64 : index
        %get3A_1624 = tpu.vector_load %arg10[%get3A_1622, %get3A_1623] {strides = array<i32>} : memref<416x128xf32, #tpu.memory_space<vmem>>, vector<16xf32>,
        %add3A_1625 = arith.constant 48 : i32
        %add3A_1626 = arith.addi %add3A_1625, %add3A_1610 : i32
        %get3A_1627 = arith.index_cast %add3A_1626 : i32 to index
        %get3A_1628 = arith.constant 96 : index
        %get3A_1629 = tpu.vector_load %arg10[%get3A_1627, %get3A_1628] {strides = array<i32>} : memref<416x128xf32, #tpu.memory_space<vmem>>, vector<16xf32>,
        %add3A_1630 = arith.constant 64 : i32
        %add3A_1631 = arith.addi %add3A_1630, %add3A_1610 : i32
        %get3A_1632 = arith.index_cast %add3A_1631 : i32 to index
        %get3A_1633 = arith.constant 0 : index
        %get3A_1634 = tpu.vector_load %arg10[%get3A_1632, %get3A_1633] {strides = array<i32>} : memref<416x128xf32, #tpu.memory_space<vmem>>, vector<16xf32>,
        %add3A_1635 = arith.constant 80 : i32
        %add3A_1636 = arith.addi %add3A_1635, %add3A_1610 : i32
        %get3A_1637 = arith.index_cast %add3A_1636 : i32 to index
        %get3A_1638 = arith.constant 32 : index
        %get3A_1639 = tpu.vector_load %arg10[%get3A_1637, %get3A_1638] {strides = array<i32>} : memref<416x128xf32, #tpu.memory_space<vmem>>, vector<16xf32>,
        %add3A_1640 = arith.constant 96 : i32
        %add3A_1641 = arith.addi %add3A_1640, %add3A_1610 : i32
        %get3A_1642 = arith.index_cast %add3A_1641 : i32 to index
        %get3A_1643 = arith.constant 64 : index
        %get3A_1644 = tpu.vector_load %arg10[%get3A_1642, %get3A_1643] {strides = array<i32>} : memref<416x128xf32, #tpu.memory_space<vmem>>, vector<16xf32>,
        %add3A_1645 = arith.constant 112 : i32
        %add3A_1646 = arith.addi %add3A_1645, %add3A_1610 : i32
        %get3A_1647 = arith.index_cast %add3A_1646 : i32 to index
        %get3A_1648 = arith.constant 96 : index
        %get3A_1649 = tpu.vector_load %arg10[%get3A_1647, %get3A_1648] {strides = array<i32>} : memref<416x128xf32, #tpu.memory_space<vmem>>, vector<16xf32>,
        %add3A_1650 = arith.constant 128 : i32
        %add3A_1651 = arith.addi %add3A_1650, %add3A_1610 : i32
        %get3A_1652 = arith.index_cast %add3A_1651 : i32 to index
        %get3A_1653 = arith.constant 0 : index
        %get3A_1654 = tpu.vector_load %arg10[%get3A_1652, %get3A_1653] {strides = array<i32>} : memref<416x128xf32, #tpu.memory_space<vmem>>, vector<16xf32>,
        %add3A_1655 = arith.constant 144 : i32
        %add3A_1656 = arith.addi %add3A_1655, %add3A_1610 : i32
        %get3A_1657 = arith.index_cast %add3A_1656 : i32 to index
        %get3A_1658 = arith.constant 32 : index
        %get3A_1659 = tpu.vector_load %arg10[%get3A_1657, %get3A_1658] {strides = array<i32>} : memref<416x128xf32, #tpu.memory_space<vmem>>, vector<16xf32>,
        %add3A_1660 = arith.constant 160 : i32
        %add3A_1661 = arith.addi %add3A_1660, %add3A_1610 : i32
        %get3A_1662 = arith.index_cast %add3A_1661 : i32 to index
        %get3A_1663 = arith.constant 64 : index
        %get3A_1664 = tpu.vector_load %arg10[%get3A_1662, %get3A_1663] {strides = array<i32>} : memref<416x128xf32, #tpu.memory_space<vmem>>, vector<16xf32>,
        %add3A_1665 = arith.constant 176 : i32
        %add3A_1666 = arith.addi %add3A_1665, %add3A_1610 : i32
        %get3A_1667 = arith.index_cast %add3A_1666 : i32 to index
        %get3A_1668 = arith.constant 96 : index
        %get3A_1669 = tpu.vector_load %arg10[%get3A_1667, %get3A_1668] {strides = array<i32>} : memref<416x128xf32, #tpu.memory_space<vmem>>, vector<16xf32>,
        %add3A_1670 = arith.constant 192 : i32
        %add3A_1671 = arith.addi %add3A_1670, %add3A_1610 : i32
        %get3A_1672 = arith.index_cast %add3A_1671 : i32 to index
        %get3A_1673 = arith.constant 0 : index
        %get3A_1674 = tpu.vector_load %arg10[%get3A_1672, %get3A_1673] {strides = array<i32>} : memref<416x128xf32, #tpu.memory_space<vmem>>, vector<16xf32>,
        %add3A_1675 = arith.constant 208 : i32
        %add3A_1676 = arith.addi %add3A_1675, %add3A_1610 : i32
        %get3A_1677 = arith.index_cast %add3A_1676 : i32 to index
        %get3A_1678 = arith.constant 32 : index
        %get3A_1679 = tpu.vector_load %arg10[%get3A_1677, %get3A_1678] {strides = array<i32>} : memref<416x128xf32, #tpu.memory_space<vmem>>, vector<16xf32>,
        %add3A_1680 = arith.constant 224 : i32
        %add3A_1681 = arith.addi %add3A_1680, %add3A_1610 : i32
        %get3A_1682 = arith.index_cast %add3A_1681 : i32 to index
        %get3A_1683 = arith.constant 64 : index
        %get3A_1684 = tpu.vector_load %arg10[%get3A_1682, %get3A_1683] {strides = array<i32>} : memref<416x128xf32, #tpu.memory_space<vmem>>, vector<16xf32>,
        %add3A_1685 = arith.constant 240 : i32
        %add3A_1686 = arith.addi %add3A_1685, %add3A_1610 : i32
        %get3A_1687 = arith.index_cast %add3A_1686 : i32 to index
        %get3A_1688 = arith.constant 96 : index
        %get3A_1689 = tpu.vector_load %arg10[%get3A_1687, %get3A_1688] {strides = array<i32>} : memref<416x128xf32, #tpu.memory_space<vmem>>, vector<16xf32>,
        %add3A_1690 = arith.constant 256 : i32
        %add3A_1691 = arith.addi %add3A_1690, %add3A_1610 : i32
        %get3A_1692 = arith.index_cast %add3A_1691 : i32 to index
        %get3A_1693 = arith.constant 0 : index
        %get3A_1694 = tpu.vector_load %arg10[%get3A_1692, %get3A_1693] {strides = array<i32>} : memref<416x128xf32, #tpu.memory_space<vmem>>, vector<16xf32>,
        %add3A_1695 = arith.constant 272 : i32
        %add3A_1696 = arith.addi %add3A_1695, %add3A_1610 : i32
        %get3A_1697 = arith.index_cast %add3A_1696 : i32 to index
        %get3A_1698 = arith.constant 32 : index
        %get3A_1699 = tpu.vector_load %arg10[%get3A_1697, %get3A_1698] {strides = array<i32>} : memref<416x128xf32, #tpu.memory_space<vmem>>, vector<16xf32>,
        %add3A_1700 = arith.constant 288 : i32
        %add3A_1701 = arith.addi %add3A_1700, %add3A_1610 : i32
        %get3A_1702 = arith.index_cast %add3A_1701 : i32 to index
        %get3A_1703 = arith.constant 64 : index
        %get3A_1704 = tpu.vector_load %arg10[%get3A_1702, %get3A_1703] {strides = array<i32>} : memref<416x128xf32, #tpu.memory_space<vmem>>, vector<16xf32>,
        %add3A_1705 = arith.constant 304 : i32
        %add3A_1706 = arith.addi %add3A_1705, %add3A_1610 : i32
        %get3A_1707 = arith.index_cast %add3A_1706 : i32 to index
        %get3A_1708 = arith.constant 96 : index
        %get3A_1709 = tpu.vector_load %arg10[%get3A_1707, %get3A_1708] {strides = array<i32>} : memref<416x128xf32, #tpu.memory_space<vmem>>, vector<16xf32>,
        %add3A_1710 = arith.constant 320 : i32
        %add3A_1711 = arith.addi %add3A_1710, %add3A_1610 : i32
        %get3A_1712 = arith.index_cast %add3A_1711 : i32 to index
        %get3A_1713 = arith.constant 0 : index
        %get3A_1714 = tpu.vector_load %arg10[%get3A_1712, %get3A_1713] {strides = array<i32>} : memref<416x128xf32, #tpu.memory_space<vmem>>, vector<16xf32>,
        %add3A_1715 = arith.constant 336 : i32
        %add3A_1716 = arith.addi %add3A_1715, %add3A_1610 : i32
        %get3A_1717 = arith.index_cast %add3A_1716 : i32 to index
        %get3A_1718 = arith.constant 32 : index
        %get3A_1719 = tpu.vector_load %arg10[%get3A_1717, %get3A_1718] {strides = array<i32>} : memref<416x128xf32, #tpu.memory_space<vmem>>, vector<16xf32>,
        %add3A_1720 = arith.constant 352 : i32
        %add3A_1721 = arith.addi %add3A_1720, %add3A_1610 : i32
        %get3A_1722 = arith.index_cast %add3A_1721 : i32 to index
        %get3A_1723 = arith.constant 64 : index
        %get3A_1724 = tpu.vector_load %arg10[%get3A_1722, %get3A_1723] {strides = array<i32>} : memref<416x128xf32, #tpu.memory_space<vmem>>, vector<16xf32>,
        %add3A_1725 = arith.constant 368 : i32
        %add3A_1726 = arith.addi %add3A_1725, %add3A_1610 : i32
        %get3A_1727 = arith.index_cast %add3A_1726 : i32 to index
        %get3A_1728 = arith.constant 96 : index
        %get3A_1729 = tpu.vector_load %arg10[%get3A_1727, %get3A_1728] {strides = array<i32>} : memref<416x128xf32, #tpu.memory_space<vmem>>, vector<16xf32>,
        %add3A_1730 = arith.constant 384 : i32
        %add3A_1731 = arith.addi %add3A_1730, %add3A_1610 : i32
        %get3A_1732 = arith.index_cast %add3A_1731 : i32 to index
        %get3A_1733 = arith.constant 0 : index
        %get3A_1734 = tpu.vector_load %arg10[%get3A_1732, %get3A_1733] {strides = array<i32>} : memref<416x128xf32, #tpu.memory_space<vmem>>, vector<16xf32>,
        %add3A_1735 = arith.constant 400 : i32
        %add3A_1736 = arith.addi %add3A_1735, %add3A_1610 : i32
        %get3A_1737 = arith.index_cast %add3A_1736 : i32 to index
        %get3A_1738 = arith.constant 32 : index
        %get3A_1739 = tpu.vector_load %arg10[%get3A_1737, %get3A_1738] {strides = array<i32>} : memref<416x128xf32, #tpu.memory_space<vmem>>, vector<16xf32>,
        %add3A_1740 = arith.addf %get3A_1614, %get3A_1619 : vector<16xf32>
        %add3A_1741 = arith.addf %get3A_1624, %get3A_1629 : vector<16xf32>
        %add3A_1742 = arith.addf %get3A_1634, %get3A_1639 : vector<16xf32>
        %add3A_1743 = arith.addf %get3A_1644, %get3A_1649 : vector<16xf32>
        %add3A_1744 = arith.addf %get3A_1654, %get3A_1659 : vector<16xf32>
        %add3A_1745 = arith.addf %get3A_1664, %get3A_1669 : vector<16xf32>
        %add3A_1746 = arith.addf %get3A_1674, %get3A_1679 : vector<16xf32>
        %add3A_1747 = arith.addf %get3A_1684, %get3A_1689 : vector<16xf32>
        %add3A_1748 = arith.addf %get3A_1694, %get3A_1699 : vector<16xf32>
        %add3A_1749 = arith.addf %get3A_1704, %get3A_1709 : vector<16xf32>
        %add3A_1750 = arith.addf %get3A_1714, %get3A_1719 : vector<16xf32>
        %add3A_1751 = arith.addf %get3A_1724, %get3A_1729 : vector<16xf32>
        %add3A_1752 = arith.addf %get3A_1734, %get3A_1739 : vector<16xf32>
        %add3A_1753 = arith.addf %add3A_1740, %add3A_1741 : vector<16xf32>
        %add3A_1754 = arith.addf %add3A_1742, %add3A_1743 : vector<16xf32>
        %add3A_1755 = arith.addf %add3A_1744, %add3A_1745 : vector<16xf32>
        %add3A_1756 = arith.addf %add3A_1746, %add3A_1747 : vector<16xf32>
        %add3A_1757 = arith.addf %add3A_1748, %add3A_1749 : vector<16xf32>
        %add3A_1758 = arith.addf %add3A_1750, %add3A_1751 : vector<16xf32>
        %add3A_1759 = arith.addf %add3A_1753, %add3A_1754 : vector<16xf32>
        %add3A_1760 = arith.addf %add3A_1755, %add3A_1756 : vector<16xf32>
        %add3A_1761 = arith.addf %add3A_1757, %add3A_1758 : vector<16xf32>
        %add3A_1762 = arith.addf %add3A_1759, %add3A_1760 : vector<16xf32>
        %add3A_1763 = arith.addf %add3A_1761, %add3A_1752 : vector<16xf32>
        %add3A_1764 = arith.addf %add3A_1762, %add3A_1763 : vector<16xf32>
        %swap3A_1765 = arith.index_cast %add3A_1610 : i32 to index
        %swap3A_1766 = arith.constant 0 : index
        %swap3A_1767 = tpu.vector_load %arg11[%swap3A_1765, %swap3A_1766] {strides = array<i32>} : memref<16x32xf32, #tpu.memory_space<vmem>>, vector<16xf32>,
        tpu.vector_store %arg11[%swap3A_1765, %swap3A_1766], %add3A_1764 {strides = array<i32>} : memref<16x32xf32, #tpu.memory_space<vmem>>, vector<16xf32>,
        %add3A_1768 = arith.constant 0 : i32
        %add3A_1769 = arith.addi %add3A_1768, %add3A_1610 : i32
        %get3A_1770 = arith.index_cast %add3A_1769 : i32 to index
        %get3A_1771 = arith.constant 16 : index
        %get3A_1772 = tpu.vector_load %arg10[%get3A_1770, %get3A_1771] {strides = array<i32>} : memref<416x128xf32, #tpu.memory_space<vmem>>, vector<16xf32>,
        %add3A_1773 = arith.constant 16 : i32
        %add3A_1774 = arith.addi %add3A_1773, %add3A_1610 : i32
        %get3A_1775 = arith.index_cast %add3A_1774 : i32 to index
        %get3A_1776 = arith.constant 48 : index
        %get3A_1777 = tpu.vector_load %arg10[%get3A_1775, %get3A_1776] {strides = array<i32>} : memref<416x128xf32, #tpu.memory_space<vmem>>, vector<16xf32>,
        %add3A_1778 = arith.constant 32 : i32
        %add3A_1779 = arith.addi %add3A_1778, %add3A_1610 : i32
        %get3A_1780 = arith.index_cast %add3A_1779 : i32 to index
        %get3A_1781 = arith.constant 80 : index
        %get3A_1782 = tpu.vector_load %arg10[%get3A_1780, %get3A_1781] {strides = array<i32>} : memref<416x128xf32, #tpu.memory_space<vmem>>, vector<16xf32>,
        %add3A_1783 = arith.constant 48 : i32
        %add3A_1784 = arith.addi %add3A_1783, %add3A_1610 : i32
        %get3A_1785 = arith.index_cast %add3A_1784 : i32 to index
        %get3A_1786 = arith.constant 112 : index
        %get3A_1787 = tpu.vector_load %arg10[%get3A_1785, %get3A_1786] {strides = array<i32>} : memref<416x128xf32, #tpu.memory_space<vmem>>, vector<16xf32>,
        %add3A_1788 = arith.constant 64 : i32
        %add3A_1789 = arith.addi %add3A_1788, %add3A_1610 : i32
        %get3A_1790 = arith.index_cast %add3A_1789 : i32 to index
        %get3A_1791 = arith.constant 16 : index
        %get3A_1792 = tpu.vector_load %arg10[%get3A_1790, %get3A_1791] {strides = array<i32>} : memref<416x128xf32, #tpu.memory_space<vmem>>, vector<16xf32>,
        %add3A_1793 = arith.constant 80 : i32
        %add3A_1794 = arith.addi %add3A_1793, %add3A_1610 : i32
        %get3A_1795 = arith.index_cast %add3A_1794 : i32 to index
        %get3A_1796 = arith.constant 48 : index
        %get3A_1797 = tpu.vector_load %arg10[%get3A_1795, %get3A_1796] {strides = array<i32>} : memref<416x128xf32, #tpu.memory_space<vmem>>, vector<16xf32>,
        %add3A_1798 = arith.constant 96 : i32
        %add3A_1799 = arith.addi %add3A_1798, %add3A_1610 : i32
        %get3A_1800 = arith.index_cast %add3A_1799 : i32 to index
        %get3A_1801 = arith.constant 80 : index
        %get3A_1802 = tpu.vector_load %arg10[%get3A_1800, %get3A_1801] {strides = array<i32>} : memref<416x128xf32, #tpu.memory_space<vmem>>, vector<16xf32>,
        %add3A_1803 = arith.constant 112 : i32
        %add3A_1804 = arith.addi %add3A_1803, %add3A_1610 : i32
        %get3A_1805 = arith.index_cast %add3A_1804 : i32 to index
        %get3A_1806 = arith.constant 112 : index
        %get3A_1807 = tpu.vector_load %arg10[%get3A_1805, %get3A_1806] {strides = array<i32>} : memref<416x128xf32, #tpu.memory_space<vmem>>, vector<16xf32>,
        %add3A_1808 = arith.constant 128 : i32
        %add3A_1809 = arith.addi %add3A_1808, %add3A_1610 : i32
        %get3A_1810 = arith.index_cast %add3A_1809 : i32 to index
        %get3A_1811 = arith.constant 16 : index
        %get3A_1812 = tpu.vector_load %arg10[%get3A_1810, %get3A_1811] {strides = array<i32>} : memref<416x128xf32, #tpu.memory_space<vmem>>, vector<16xf32>,
        %add3A_1813 = arith.constant 144 : i32
        %add3A_1814 = arith.addi %add3A_1813, %add3A_1610 : i32
        %get3A_1815 = arith.index_cast %add3A_1814 : i32 to index
        %get3A_1816 = arith.constant 48 : index
        %get3A_1817 = tpu.vector_load %arg10[%get3A_1815, %get3A_1816] {strides = array<i32>} : memref<416x128xf32, #tpu.memory_space<vmem>>, vector<16xf32>,
        %add3A_1818 = arith.constant 160 : i32
        %add3A_1819 = arith.addi %add3A_1818, %add3A_1610 : i32
        %get3A_1820 = arith.index_cast %add3A_1819 : i32 to index
        %get3A_1821 = arith.constant 80 : index
        %get3A_1822 = tpu.vector_load %arg10[%get3A_1820, %get3A_1821] {strides = array<i32>} : memref<416x128xf32, #tpu.memory_space<vmem>>, vector<16xf32>,
        %add3A_1823 = arith.constant 176 : i32
        %add3A_1824 = arith.addi %add3A_1823, %add3A_1610 : i32
        %get3A_1825 = arith.index_cast %add3A_1824 : i32 to index
        %get3A_1826 = arith.constant 112 : index
        %get3A_1827 = tpu.vector_load %arg10[%get3A_1825, %get3A_1826] {strides = array<i32>} : memref<416x128xf32, #tpu.memory_space<vmem>>, vector<16xf32>,
        %add3A_1828 = arith.constant 192 : i32
        %add3A_1829 = arith.addi %add3A_1828, %add3A_1610 : i32
        %get3A_1830 = arith.index_cast %add3A_1829 : i32 to index
        %get3A_1831 = arith.constant 16 : index
        %get3A_1832 = tpu.vector_load %arg10[%get3A_1830, %get3A_1831] {strides = array<i32>} : memref<416x128xf32, #tpu.memory_space<vmem>>, vector<16xf32>,
        %add3A_1833 = arith.constant 208 : i32
        %add3A_1834 = arith.addi %add3A_1833, %add3A_1610 : i32
        %get3A_1835 = arith.index_cast %add3A_1834 : i32 to index
        %get3A_1836 = arith.constant 48 : index
        %get3A_1837 = tpu.vector_load %arg10[%get3A_1835, %get3A_1836] {strides = array<i32>} : memref<416x128xf32, #tpu.memory_space<vmem>>, vector<16xf32>,
        %add3A_1838 = arith.constant 224 : i32
        %add3A_1839 = arith.addi %add3A_1838, %add3A_1610 : i32
        %get3A_1840 = arith.index_cast %add3A_1839 : i32 to index
        %get3A_1841 = arith.constant 80 : index
        %get3A_1842 = tpu.vector_load %arg10[%get3A_1840, %get3A_1841] {strides = array<i32>} : memref<416x128xf32, #tpu.memory_space<vmem>>, vector<16xf32>,
        %add3A_1843 = arith.constant 240 : i32
        %add3A_1844 = arith.addi %add3A_1843, %add3A_1610 : i32
        %get3A_1845 = arith.index_cast %add3A_1844 : i32 to index
        %get3A_1846 = arith.constant 112 : index
        %get3A_1847 = tpu.vector_load %arg10[%get3A_1845, %get3A_1846] {strides = array<i32>} : memref<416x128xf32, #tpu.memory_space<vmem>>, vector<16xf32>,
        %add3A_1848 = arith.constant 256 : i32
        %add3A_1849 = arith.addi %add3A_1848, %add3A_1610 : i32
        %get3A_1850 = arith.index_cast %add3A_1849 : i32 to index
        %get3A_1851 = arith.constant 16 : index
        %get3A_1852 = tpu.vector_load %arg10[%get3A_1850, %get3A_1851] {strides = array<i32>} : memref<416x128xf32, #tpu.memory_space<vmem>>, vector<16xf32>,
        %add3A_1853 = arith.constant 272 : i32
        %add3A_1854 = arith.addi %add3A_1853, %add3A_1610 : i32
        %get3A_1855 = arith.index_cast %add3A_1854 : i32 to index
        %get3A_1856 = arith.constant 48 : index
        %get3A_1857 = tpu.vector_load %arg10[%get3A_1855, %get3A_1856] {strides = array<i32>} : memref<416x128xf32, #tpu.memory_space<vmem>>, vector<16xf32>,
        %add3A_1858 = arith.constant 288 : i32
        %add3A_1859 = arith.addi %add3A_1858, %add3A_1610 : i32
        %get3A_1860 = arith.index_cast %add3A_1859 : i32 to index
        %get3A_1861 = arith.constant 80 : index
        %get3A_1862 = tpu.vector_load %arg10[%get3A_1860, %get3A_1861] {strides = array<i32>} : memref<416x128xf32, #tpu.memory_space<vmem>>, vector<16xf32>,
        %add3A_1863 = arith.constant 304 : i32
        %add3A_1864 = arith.addi %add3A_1863, %add3A_1610 : i32
        %get3A_1865 = arith.index_cast %add3A_1864 : i32 to index
        %get3A_1866 = arith.constant 112 : index
        %get3A_1867 = tpu.vector_load %arg10[%get3A_1865, %get3A_1866] {strides = array<i32>} : memref<416x128xf32, #tpu.memory_space<vmem>>, vector<16xf32>,
        %add3A_1868 = arith.constant 320 : i32
        %add3A_1869 = arith.addi %add3A_1868, %add3A_1610 : i32
        %get3A_1870 = arith.index_cast %add3A_1869 : i32 to index
        %get3A_1871 = arith.constant 16 : index
        %get3A_1872 = tpu.vector_load %arg10[%get3A_1870, %get3A_1871] {strides = array<i32>} : memref<416x128xf32, #tpu.memory_space<vmem>>, vector<16xf32>,
        %add3A_1873 = arith.constant 336 : i32
        %add3A_1874 = arith.addi %add3A_1873, %add3A_1610 : i32
        %get3A_1875 = arith.index_cast %add3A_1874 : i32 to index
        %get3A_1876 = arith.constant 48 : index
        %get3A_1877 = tpu.vector_load %arg10[%get3A_1875, %get3A_1876] {strides = array<i32>} : memref<416x128xf32, #tpu.memory_space<vmem>>, vector<16xf32>,
        %add3A_1878 = arith.constant 352 : i32
        %add3A_1879 = arith.addi %add3A_1878, %add3A_1610 : i32
        %get3A_1880 = arith.index_cast %add3A_1879 : i32 to index
        %get3A_1881 = arith.constant 80 : index
        %get3A_1882 = tpu.vector_load %arg10[%get3A_1880, %get3A_1881] {strides = array<i32>} : memref<416x128xf32, #tpu.memory_space<vmem>>, vector<16xf32>,
        %add3A_1883 = arith.constant 368 : i32
        %add3A_1884 = arith.addi %add3A_1883, %add3A_1610 : i32
        %get3A_1885 = arith.index_cast %add3A_1884 : i32 to index
        %get3A_1886 = arith.constant 112 : index
        %get3A_1887 = tpu.vector_load %arg10[%get3A_1885, %get3A_1886] {strides = array<i32>} : memref<416x128xf32, #tpu.memory_space<vmem>>, vector<16xf32>,
        %add3A_1888 = arith.constant 384 : i32
        %add3A_1889 = arith.addi %add3A_1888, %add3A_1610 : i32
        %get3A_1890 = arith.index_cast %add3A_1889 : i32 to index
        %get3A_1891 = arith.constant 16 : index
        %get3A_1892 = tpu.vector_load %arg10[%get3A_1890, %get3A_1891] {strides = array<i32>} : memref<416x128xf32, #tpu.memory_space<vmem>>, vector<16xf32>,
        %add3A_1893 = arith.constant 400 : i32
        %add3A_1894 = arith.addi %add3A_1893, %add3A_1610 : i32
        %get3A_1895 = arith.index_cast %add3A_1894 : i32 to index
        %get3A_1896 = arith.constant 48 : index
        %get3A_1897 = tpu.vector_load %arg10[%get3A_1895, %get3A_1896] {strides = array<i32>} : memref<416x128xf32, #tpu.memory_space<vmem>>, vector<16xf32>,
        %add3A_1898 = arith.addf %get3A_1772, %get3A_1777 : vector<16xf32>
        %add3A_1899 = arith.addf %get3A_1782, %get3A_1787 : vector<16xf32>
        %add3A_1900 = arith.addf %get3A_1792, %get3A_1797 : vector<16xf32>
        %add3A_1901 = arith.addf %get3A_1802, %get3A_1807 : vector<16xf32>
        %add3A_1902 = arith.addf %get3A_1812, %get3A_1817 : vector<16xf32>
        %add3A_1903 = arith.addf %get3A_1822, %get3A_1827 : vector<16xf32>
        %add3A_1904 = arith.addf %get3A_1832, %get3A_1837 : vector<16xf32>
        %add3A_1905 = arith.addf %get3A_1842, %get3A_1847 : vector<16xf32>
        %add3A_1906 = arith.addf %get3A_1852, %get3A_1857 : vector<16xf32>
        %add3A_1907 = arith.addf %get3A_1862, %get3A_1867 : vector<16xf32>
        %add3A_1908 = arith.addf %get3A_1872, %get3A_1877 : vector<16xf32>
        %add3A_1909 = arith.addf %get3A_1882, %get3A_1887 : vector<16xf32>
        %add3A_1910 = arith.addf %get3A_1892, %get3A_1897 : vector<16xf32>
        %add3A_1911 = arith.addf %add3A_1898, %add3A_1899 : vector<16xf32>
        %add3A_1912 = arith.addf %add3A_1900, %add3A_1901 : vector<16xf32>
        %add3A_1913 = arith.addf %add3A_1902, %add3A_1903 : vector<16xf32>
        %add3A_1914 = arith.addf %add3A_1904, %add3A_1905 : vector<16xf32>
        %add3A_1915 = arith.addf %add3A_1906, %add3A_1907 : vector<16xf32>
        %add3A_1916 = arith.addf %add3A_1908, %add3A_1909 : vector<16xf32>
        %add3A_1917 = arith.addf %add3A_1911, %add3A_1912 : vector<16xf32>
        %add3A_1918 = arith.addf %add3A_1913, %add3A_1914 : vector<16xf32>
        %add3A_1919 = arith.addf %add3A_1915, %add3A_1916 : vector<16xf32>
        %add3A_1920 = arith.addf %add3A_1917, %add3A_1918 : vector<16xf32>
        %add3A_1921 = arith.addf %add3A_1919, %add3A_1910 : vector<16xf32>
        %add3A_1922 = arith.addf %add3A_1920, %add3A_1921 : vector<16xf32>
        %swap3A_1923 = arith.index_cast %add3A_1610 : i32 to index
        %swap3A_1924 = arith.constant 16 : index
        %swap3A_1925 = tpu.vector_load %arg11[%swap3A_1923, %swap3A_1924] {strides = array<i32>} : memref<16x32xf32, #tpu.memory_space<vmem>>, vector<16xf32>,
        tpu.vector_store %arg11[%swap3A_1923, %swap3A_1924], %add3A_1922 {strides = array<i32>} : memref<16x32xf32, #tpu.memory_space<vmem>>, vector<16xf32>,
      }
      %scan3A_1602 = arith.constant 16 : i32
      %mul3A_1603 = arith.constant 16 : i32
      %mul3A_1604 = arith.muli %add3A_1070, %mul3A_1603 : i32
      %add3A_1605 = arith.addi %mul3A_2, %mul3A_1604 : i32
      "tpu.region"() ({
        %run_scoped3A = tpu.sem_alloc : memref<!tpu.dma_semaphore, #tpu.memory_space<semaphore_mem>>
        %dma_start3A_1606 = arith.constant 0 : i32
        %dma_start3A_1607 = tpu.memref_slice %arg5[%add3A_1605, %dma_start3A_1606] : memref<51200x32xf32, #tpu.memory_space<hbm>> -> memref<16x32xf32, #tpu.memory_space<hbm>>
        %dma_start3A_1608 = arith.constant 0 : i32
        %dma_start3A_1609 = tpu.memref_slice %arg5[%add3A_1605, %dma_start3A_1608] : memref<51200x32xf32, #tpu.memory_space<hbm>> -> memref<16x32xf32, #tpu.memory_space<hbm>>
        tpu.enqueue_dma source(%arg11 : memref<16x32xf32, #tpu.memory_space<vmem>>) target(%dma_start3A_1609 : memref<16x32xf32, #tpu.memory_space<hbm>>) target_semaphore(%run_scoped3A : memref<!tpu.dma_semaphore, #tpu.memory_space<semaphore_mem>>)
        %dma_wait3A_1610 = arith.constant 0 : i32
        %dma_wait3A_1611 = tpu.memref_slice %arg5[%add3A_1605, %dma_wait3A_1610] : memref<51200x32xf32, #tpu.memory_space<hbm>> -> memref<16x32xf32, #tpu.memory_space<hbm>>
        %dma_wait3A_1612 = arith.constant 0 : i32
        %dma_wait3A_1613 = tpu.memref_slice %arg5[%add3A_1605, %dma_wait3A_1612] : memref<51200x32xf32, #tpu.memory_space<hbm>> -> memref<16x32xf32, #tpu.memory_space<hbm>>
        tpu.wait_dma2 semaphore(%run_scoped3A : memref<!tpu.dma_semaphore, #tpu.memory_space<semaphore_mem>>) src(%arg11 : memref<16x32xf32, #tpu.memory_space<vmem>>) dst(%dma_wait3A_1613 : memref<16x32xf32, #tpu.memory_space<hbm>>)
        tpu.yield
      }) : () -> ()
    }
    %scan3A_394 = arith.constant 50 : i32
    %dma_wait3A = arith.constant 0 : i32
    %dma_wait3A_395 = arith.constant 0 : i32
    %dma_wait3A_396 = arith.constant 0 : i32
    %dma_wait3A_397 = tpu.memref_slice %arg9[%dma_wait3A_395, %dma_wait3A_396] : memref<416x128xf32, #tpu.memory_space<vmem>> -> memref<32x128xf32, #tpu.memory_space<vmem>>
    %dma_wait3A_398 = arith.constant 0 : i32
    %dma_wait3A_399 = tpu.memref_slice %arg7[%dma_wait3A, %dma_wait3A_398] : memref<13x32xi32, #tpu.memory_space<vmem>> -> memref<1x32xi32, #tpu.memory_space<vmem>>
    %dma_wait3A_400 = tpu.memref_squeeze %dma_wait3A_399 : memref<1x32xi32, #tpu.memory_space<vmem>> -> memref<32xi32, #tpu.memory_space<vmem>>
    %dma_wait3A_401 = arith.constant 0 : i32
    %dma_wait3A_402 = arith.constant 0 : i32
    %dma_wait3A_403 = tpu.memref_slice %arg3[%dma_wait3A_401, %dma_wait3A_402] : memref<614400x128xf32, #tpu.memory_space<hbm>> -> memref<614400x128xf32, #tpu.memory_space<hbm>>
    tpu.wait_indirect_dma semaphore(%arg12 : memref<!tpu.dma_semaphore, #tpu.memory_space<semaphore_mem>>) src(%dma_wait3A_403 : memref<614400x128xf32, #tpu.memory_space<hbm>>) dst(%dma_wait3A_397 : memref<32x128xf32, #tpu.memory_space<vmem>>)
    %dma_wait3A_404 = arith.constant 1 : i32
    %dma_wait3A_405 = arith.constant 32 : i32
    %dma_wait3A_406 = arith.constant 0 : i32
    %dma_wait3A_407 = tpu.memref_slice %arg9[%dma_wait3A_405, %dma_wait3A_406] : memref<416x128xf32, #tpu.memory_space<vmem>> -> memref<32x128xf32, #tpu.memory_space<vmem>>
    %dma_wait3A_408 = arith.constant 0 : i32
    %dma_wait3A_409 = tpu.memref_slice %arg7[%dma_wait3A_404, %dma_wait3A_408] : memref<13x32xi32, #tpu.memory_space<vmem>> -> memref<1x32xi32, #tpu.memory_space<vmem>>
    %dma_wait3A_410 = tpu.memref_squeeze %dma_wait3A_409 : memref<1x32xi32, #tpu.memory_space<vmem>> -> memref<32xi32, #tpu.memory_space<vmem>>
    %dma_wait3A_411 = arith.constant 0 : i32
    %dma_wait3A_412 = arith.constant 0 : i32
    %dma_wait3A_413 = tpu.memref_slice %arg3[%dma_wait3A_411, %dma_wait3A_412] : memref<614400x128xf32, #tpu.memory_space<hbm>> -> memref<614400x128xf32, #tpu.memory_space<hbm>>
    tpu.wait_indirect_dma semaphore(%arg12 : memref<!tpu.dma_semaphore, #tpu.memory_space<semaphore_mem>>) src(%dma_wait3A_413 : memref<614400x128xf32, #tpu.memory_space<hbm>>) dst(%dma_wait3A_407 : memref<32x128xf32, #tpu.memory_space<vmem>>)
    %dma_wait3A_414 = arith.constant 2 : i32
    %dma_wait3A_415 = arith.constant 64 : i32
    %dma_wait3A_416 = arith.constant 0 : i32
    %dma_wait3A_417 = tpu.memref_slice %arg9[%dma_wait3A_415, %dma_wait3A_416] : memref<416x128xf32, #tpu.memory_space<vmem>> -> memref<32x128xf32, #tpu.memory_space<vmem>>
    %dma_wait3A_418 = arith.constant 0 : i32
    %dma_wait3A_419 = tpu.memref_slice %arg7[%dma_wait3A_414, %dma_wait3A_418] : memref<13x32xi32, #tpu.memory_space<vmem>> -> memref<1x32xi32, #tpu.memory_space<vmem>>
    %dma_wait3A_420 = tpu.memref_squeeze %dma_wait3A_419 : memref<1x32xi32, #tpu.memory_space<vmem>> -> memref<32xi32, #tpu.memory_space<vmem>>
    %dma_wait3A_421 = arith.constant 0 : i32
    %dma_wait3A_422 = arith.constant 0 : i32
    %dma_wait3A_423 = tpu.memref_slice %arg3[%dma_wait3A_421, %dma_wait3A_422] : memref<614400x128xf32, #tpu.memory_space<hbm>> -> memref<614400x128xf32, #tpu.memory_space<hbm>>
    tpu.wait_indirect_dma semaphore(%arg12 : memref<!tpu.dma_semaphore, #tpu.memory_space<semaphore_mem>>) src(%dma_wait3A_423 : memref<614400x128xf32, #tpu.memory_space<hbm>>) dst(%dma_wait3A_417 : memref<32x128xf32, #tpu.memory_space<vmem>>)
    %dma_wait3A_424 = arith.constant 3 : i32
    %dma_wait3A_425 = arith.constant 96 : i32
    %dma_wait3A_426 = arith.constant 0 : i32
    %dma_wait3A_427 = tpu.memref_slice %arg9[%dma_wait3A_425, %dma_wait3A_426] : memref<416x128xf32, #tpu.memory_space<vmem>> -> memref<32x128xf32, #tpu.memory_space<vmem>>
    %dma_wait3A_428 = arith.constant 0 : i32
    %dma_wait3A_429 = tpu.memref_slice %arg7[%dma_wait3A_424, %dma_wait3A_428] : memref<13x32xi32, #tpu.memory_space<vmem>> -> memref<1x32xi32, #tpu.memory_space<vmem>>
    %dma_wait3A_430 = tpu.memref_squeeze %dma_wait3A_429 : memref<1x32xi32, #tpu.memory_space<vmem>> -> memref<32xi32, #tpu.memory_space<vmem>>
    %dma_wait3A_431 = arith.constant 0 : i32
    %dma_wait3A_432 = arith.constant 0 : i32
    %dma_wait3A_433 = tpu.memref_slice %arg3[%dma_wait3A_431, %dma_wait3A_432] : memref<614400x128xf32, #tpu.memory_space<hbm>> -> memref<614400x128xf32, #tpu.memory_space<hbm>>
    tpu.wait_indirect_dma semaphore(%arg12 : memref<!tpu.dma_semaphore, #tpu.memory_space<semaphore_mem>>) src(%dma_wait3A_433 : memref<614400x128xf32, #tpu.memory_space<hbm>>) dst(%dma_wait3A_427 : memref<32x128xf32, #tpu.memory_space<vmem>>)
    %dma_wait3A_434 = arith.constant 4 : i32
    %dma_wait3A_435 = arith.constant 128 : i32
    %dma_wait3A_436 = arith.constant 0 : i32
    %dma_wait3A_437 = tpu.memref_slice %arg9[%dma_wait3A_435, %dma_wait3A_436] : memref<416x128xf32, #tpu.memory_space<vmem>> -> memref<32x128xf32, #tpu.memory_space<vmem>>
    %dma_wait3A_438 = arith.constant 0 : i32
    %dma_wait3A_439 = tpu.memref_slice %arg7[%dma_wait3A_434, %dma_wait3A_438] : memref<13x32xi32, #tpu.memory_space<vmem>> -> memref<1x32xi32, #tpu.memory_space<vmem>>
    %dma_wait3A_440 = tpu.memref_squeeze %dma_wait3A_439 : memref<1x32xi32, #tpu.memory_space<vmem>> -> memref<32xi32, #tpu.memory_space<vmem>>
    %dma_wait3A_441 = arith.constant 0 : i32
    %dma_wait3A_442 = arith.constant 0 : i32
    %dma_wait3A_443 = tpu.memref_slice %arg3[%dma_wait3A_441, %dma_wait3A_442] : memref<614400x128xf32, #tpu.memory_space<hbm>> -> memref<614400x128xf32, #tpu.memory_space<hbm>>
    tpu.wait_indirect_dma semaphore(%arg12 : memref<!tpu.dma_semaphore, #tpu.memory_space<semaphore_mem>>) src(%dma_wait3A_443 : memref<614400x128xf32, #tpu.memory_space<hbm>>) dst(%dma_wait3A_437 : memref<32x128xf32, #tpu.memory_space<vmem>>)
    %dma_wait3A_444 = arith.constant 5 : i32
    %dma_wait3A_445 = arith.constant 160 : i32
    %dma_wait3A_446 = arith.constant 0 : i32
    %dma_wait3A_447 = tpu.memref_slice %arg9[%dma_wait3A_445, %dma_wait3A_446] : memref<416x128xf32, #tpu.memory_space<vmem>> -> memref<32x128xf32, #tpu.memory_space<vmem>>
    %dma_wait3A_448 = arith.constant 0 : i32
    %dma_wait3A_449 = tpu.memref_slice %arg7[%dma_wait3A_444, %dma_wait3A_448] : memref<13x32xi32, #tpu.memory_space<vmem>> -> memref<1x32xi32, #tpu.memory_space<vmem>>
    %dma_wait3A_450 = tpu.memref_squeeze %dma_wait3A_449 : memref<1x32xi32, #tpu.memory_space<vmem>> -> memref<32xi32, #tpu.memory_space<vmem>>
    %dma_wait3A_451 = arith.constant 0 : i32
    %dma_wait3A_452 = arith.constant 0 : i32
    %dma_wait3A_453 = tpu.memref_slice %arg3[%dma_wait3A_451, %dma_wait3A_452] : memref<614400x128xf32, #tpu.memory_space<hbm>> -> memref<614400x128xf32, #tpu.memory_space<hbm>>
    tpu.wait_indirect_dma semaphore(%arg12 : memref<!tpu.dma_semaphore, #tpu.memory_space<semaphore_mem>>) src(%dma_wait3A_453 : memref<614400x128xf32, #tpu.memory_space<hbm>>) dst(%dma_wait3A_447 : memref<32x128xf32, #tpu.memory_space<vmem>>)
    %dma_wait3A_454 = arith.constant 6 : i32
    %dma_wait3A_455 = arith.constant 192 : i32
    %dma_wait3A_456 = arith.constant 0 : i32
    %dma_wait3A_457 = tpu.memref_slice %arg9[%dma_wait3A_455, %dma_wait3A_456] : memref<416x128xf32, #tpu.memory_space<vmem>> -> memref<32x128xf32, #tpu.memory_space<vmem>>
    %dma_wait3A_458 = arith.constant 0 : i32
    %dma_wait3A_459 = tpu.memref_slice %arg7[%dma_wait3A_454, %dma_wait3A_458] : memref<13x32xi32, #tpu.memory_space<vmem>> -> memref<1x32xi32, #tpu.memory_space<vmem>>
    %dma_wait3A_460 = tpu.memref_squeeze %dma_wait3A_459 : memref<1x32xi32, #tpu.memory_space<vmem>> -> memref<32xi32, #tpu.memory_space<vmem>>
    %dma_wait3A_461 = arith.constant 0 : i32
    %dma_wait3A_462 = arith.constant 0 : i32
    %dma_wait3A_463 = tpu.memref_slice %arg3[%dma_wait3A_461, %dma_wait3A_462] : memref<614400x128xf32, #tpu.memory_space<hbm>> -> memref<614400x128xf32, #tpu.memory_space<hbm>>
    tpu.wait_indirect_dma semaphore(%arg12 : memref<!tpu.dma_semaphore, #tpu.memory_space<semaphore_mem>>) src(%dma_wait3A_463 : memref<614400x128xf32, #tpu.memory_space<hbm>>) dst(%dma_wait3A_457 : memref<32x128xf32, #tpu.memory_space<vmem>>)
    %dma_wait3A_464 = arith.constant 7 : i32
    %dma_wait3A_465 = arith.constant 224 : i32
    %dma_wait3A_466 = arith.constant 0 : i32
    %dma_wait3A_467 = tpu.memref_slice %arg9[%dma_wait3A_465, %dma_wait3A_466] : memref<416x128xf32, #tpu.memory_space<vmem>> -> memref<32x128xf32, #tpu.memory_space<vmem>>
    %dma_wait3A_468 = arith.constant 0 : i32
    %dma_wait3A_469 = tpu.memref_slice %arg7[%dma_wait3A_464, %dma_wait3A_468] : memref<13x32xi32, #tpu.memory_space<vmem>> -> memref<1x32xi32, #tpu.memory_space<vmem>>
    %dma_wait3A_470 = tpu.memref_squeeze %dma_wait3A_469 : memref<1x32xi32, #tpu.memory_space<vmem>> -> memref<32xi32, #tpu.memory_space<vmem>>
    %dma_wait3A_471 = arith.constant 0 : i32
    %dma_wait3A_472 = arith.constant 0 : i32
    %dma_wait3A_473 = tpu.memref_slice %arg3[%dma_wait3A_471, %dma_wait3A_472] : memref<614400x128xf32, #tpu.memory_space<hbm>> -> memref<614400x128xf32, #tpu.memory_space<hbm>>
    tpu.wait_indirect_dma semaphore(%arg12 : memref<!tpu.dma_semaphore, #tpu.memory_space<semaphore_mem>>) src(%dma_wait3A_473 : memref<614400x128xf32, #tpu.memory_space<hbm>>) dst(%dma_wait3A_467 : memref<32x128xf32, #tpu.memory_space<vmem>>)
    %dma_wait3A_474 = arith.constant 8 : i32
    %dma_wait3A_475 = arith.constant 256 : i32
    %dma_wait3A_476 = arith.constant 0 : i32
    %dma_wait3A_477 = tpu.memref_slice %arg9[%dma_wait3A_475, %dma_wait3A_476] : memref<416x128xf32, #tpu.memory_space<vmem>> -> memref<32x128xf32, #tpu.memory_space<vmem>>
    %dma_wait3A_478 = arith.constant 0 : i32
    %dma_wait3A_479 = tpu.memref_slice %arg7[%dma_wait3A_474, %dma_wait3A_478] : memref<13x32xi32, #tpu.memory_space<vmem>> -> memref<1x32xi32, #tpu.memory_space<vmem>>
    %dma_wait3A_480 = tpu.memref_squeeze %dma_wait3A_479 : memref<1x32xi32, #tpu.memory_space<vmem>> -> memref<32xi32, #tpu.memory_space<vmem>>
    %dma_wait3A_481 = arith.constant 0 : i32
    %dma_wait3A_482 = arith.constant 0 : i32
    %dma_wait3A_483 = tpu.memref_slice %arg3[%dma_wait3A_481, %dma_wait3A_482] : memref<614400x128xf32, #tpu.memory_space<hbm>> -> memref<614400x128xf32, #tpu.memory_space<hbm>>
    tpu.wait_indirect_dma semaphore(%arg12 : memref<!tpu.dma_semaphore, #tpu.memory_space<semaphore_mem>>) src(%dma_wait3A_483 : memref<614400x128xf32, #tpu.memory_space<hbm>>) dst(%dma_wait3A_477 : memref<32x128xf32, #tpu.memory_space<vmem>>)
    %dma_wait3A_484 = arith.constant 9 : i32
    %dma_wait3A_485 = arith.constant 288 : i32
    %dma_wait3A_486 = arith.constant 0 : i32
    %dma_wait3A_487 = tpu.memref_slice %arg9[%dma_wait3A_485, %dma_wait3A_486] : memref<416x128xf32, #tpu.memory_space<vmem>> -> memref<32x128xf32, #tpu.memory_space<vmem>>
    %dma_wait3A_488 = arith.constant 0 : i32
    %dma_wait3A_489 = tpu.memref_slice %arg7[%dma_wait3A_484, %dma_wait3A_488] : memref<13x32xi32, #tpu.memory_space<vmem>> -> memref<1x32xi32, #tpu.memory_space<vmem>>
    %dma_wait3A_490 = tpu.memref_squeeze %dma_wait3A_489 : memref<1x32xi32, #tpu.memory_space<vmem>> -> memref<32xi32, #tpu.memory_space<vmem>>
    %dma_wait3A_491 = arith.constant 0 : i32
    %dma_wait3A_492 = arith.constant 0 : i32
    %dma_wait3A_493 = tpu.memref_slice %arg3[%dma_wait3A_491, %dma_wait3A_492] : memref<614400x128xf32, #tpu.memory_space<hbm>> -> memref<614400x128xf32, #tpu.memory_space<hbm>>
    tpu.wait_indirect_dma semaphore(%arg12 : memref<!tpu.dma_semaphore, #tpu.memory_space<semaphore_mem>>) src(%dma_wait3A_493 : memref<614400x128xf32, #tpu.memory_space<hbm>>) dst(%dma_wait3A_487 : memref<32x128xf32, #tpu.memory_space<vmem>>)
    %dma_wait3A_494 = arith.constant 10 : i32
    %dma_wait3A_495 = arith.constant 320 : i32
    %dma_wait3A_496 = arith.constant 0 : i32
    %dma_wait3A_497 = tpu.memref_slice %arg9[%dma_wait3A_495, %dma_wait3A_496] : memref<416x128xf32, #tpu.memory_space<vmem>> -> memref<32x128xf32, #tpu.memory_space<vmem>>
    %dma_wait3A_498 = arith.constant 0 : i32
    %dma_wait3A_499 = tpu.memref_slice %arg7[%dma_wait3A_494, %dma_wait3A_498] : memref<13x32xi32, #tpu.memory_space<vmem>> -> memref<1x32xi32, #tpu.memory_space<vmem>>
    %dma_wait3A_500 = tpu.memref_squeeze %dma_wait3A_499 : memref<1x32xi32, #tpu.memory_space<vmem>> -> memref<32xi32, #tpu.memory_space<vmem>>
    %dma_wait3A_501 = arith.constant 0 : i32
    %dma_wait3A_502 = arith.constant 0 : i32
    %dma_wait3A_503 = tpu.memref_slice %arg3[%dma_wait3A_501, %dma_wait3A_502] : memref<614400x128xf32, #tpu.memory_space<hbm>> -> memref<614400x128xf32, #tpu.memory_space<hbm>>
    tpu.wait_indirect_dma semaphore(%arg12 : memref<!tpu.dma_semaphore, #tpu.memory_space<semaphore_mem>>) src(%dma_wait3A_503 : memref<614400x128xf32, #tpu.memory_space<hbm>>) dst(%dma_wait3A_497 : memref<32x128xf32, #tpu.memory_space<vmem>>)
    %dma_wait3A_504 = arith.constant 11 : i32
    %dma_wait3A_505 = arith.constant 352 : i32
    %dma_wait3A_506 = arith.constant 0 : i32
    %dma_wait3A_507 = tpu.memref_slice %arg9[%dma_wait3A_505, %dma_wait3A_506] : memref<416x128xf32, #tpu.memory_space<vmem>> -> memref<32x128xf32, #tpu.memory_space<vmem>>
    %dma_wait3A_508 = arith.constant 0 : i32
    %dma_wait3A_509 = tpu.memref_slice %arg7[%dma_wait3A_504, %dma_wait3A_508] : memref<13x32xi32, #tpu.memory_space<vmem>> -> memref<1x32xi32, #tpu.memory_space<vmem>>
    %dma_wait3A_510 = tpu.memref_squeeze %dma_wait3A_509 : memref<1x32xi32, #tpu.memory_space<vmem>> -> memref<32xi32, #tpu.memory_space<vmem>>
    %dma_wait3A_511 = arith.constant 0 : i32
    %dma_wait3A_512 = arith.constant 0 : i32
    %dma_wait3A_513 = tpu.memref_slice %arg3[%dma_wait3A_511, %dma_wait3A_512] : memref<614400x128xf32, #tpu.memory_space<hbm>> -> memref<614400x128xf32, #tpu.memory_space<hbm>>
    tpu.wait_indirect_dma semaphore(%arg12 : memref<!tpu.dma_semaphore, #tpu.memory_space<semaphore_mem>>) src(%dma_wait3A_513 : memref<614400x128xf32, #tpu.memory_space<hbm>>) dst(%dma_wait3A_507 : memref<32x128xf32, #tpu.memory_space<vmem>>)
    %dma_wait3A_514 = arith.constant 12 : i32
    %dma_wait3A_515 = arith.constant 384 : i32
    %dma_wait3A_516 = arith.constant 0 : i32
    %dma_wait3A_517 = tpu.memref_slice %arg9[%dma_wait3A_515, %dma_wait3A_516] : memref<416x128xf32, #tpu.memory_space<vmem>> -> memref<32x128xf32, #tpu.memory_space<vmem>>
    %dma_wait3A_518 = arith.constant 0 : i32
    %dma_wait3A_519 = tpu.memref_slice %arg7[%dma_wait3A_514, %dma_wait3A_518] : memref<13x32xi32, #tpu.memory_space<vmem>> -> memref<1x32xi32, #tpu.memory_space<vmem>>
    %dma_wait3A_520 = tpu.memref_squeeze %dma_wait3A_519 : memref<1x32xi32, #tpu.memory_space<vmem>> -> memref<32xi32, #tpu.memory_space<vmem>>
    %dma_wait3A_521 = arith.constant 0 : i32
    %dma_wait3A_522 = arith.constant 0 : i32
    %dma_wait3A_523 = tpu.memref_slice %arg4[%dma_wait3A_521, %dma_wait3A_522] : memref<102400x128xf32, #tpu.memory_space<hbm>> -> memref<102400x128xf32, #tpu.memory_space<hbm>>
    tpu.wait_indirect_dma semaphore(%arg12 : memref<!tpu.dma_semaphore, #tpu.memory_space<semaphore_mem>>) src(%dma_wait3A_523 : memref<102400x128xf32, #tpu.memory_space<hbm>>) dst(%dma_wait3A_517 : memref<32x128xf32, #tpu.memory_space<vmem>>)
    return
  }
}

module attributes {stable_mosaic.version = 14 : i64} {
  func.func @_proj_body(%arg0: i32, %arg1: i32, %arg2: memref<2x32x4096xf32, #tpu.memory_space<vmem>>, %arg3: memref<128x64xf32, #tpu.memory_space<vmem>>, %arg4: memref<1x4096x128xf32, #tpu.memory_space<vmem>>) attributes {dimension_semantics = [#tpu.dimension_semantics<arbitrary>, #tpu.dimension_semantics<arbitrary>], iteration_bounds = array<i64: 1, 25>, scalar_prefetch = 0 : i64, scratch_operands = 0 : i64, tpu.core_type = #tpu.core_type<tc>, window_params = [{transform_indices = @transform_0, window_bounds = array<i64: 2, 32, 4096>}, {pipeline_mode = #tpu.pipeline_mode<synchronous>, transform_indices = @transform_1, window_bounds = array<i64: 128, 64>}, {transform_indices = @transform_2, window_bounds = array<i64: 1, 4096, 128>}]} {
    %get3A = arith.constant 0 : index
    %get3A_0 = arith.constant 0 : index
    %get3A_1 = arith.constant 0 : index
    %get3A_2 = vector.load %arg2[%get3A, %get3A_0, %get3A_1] : memref<2x32x4096xf32, #tpu.memory_space<vmem>>, vector<2x32x4096xf32>
    %reshape3A = vector.shape_cast %get3A_2 : vector<2x32x4096xf32> to vector<64x4096xf32>
    %get3A_3 = arith.constant 0 : index
    %get3A_4 = arith.constant 0 : index
    %get3A_5 = vector.load %arg3[%get3A_3, %get3A_4] : memref<128x64xf32, #tpu.memory_space<vmem>>, vector<128x64xf32>
    %dot_general3A = arith.constant dense<0.000000e+00> : vector<4096x128xf32>
    %dot_general3A_6 = tpu.matmul %reshape3A, %get3A_5, %dot_general3A {dimension_numbers = #tpu.dot_dimension_numbers<[0], [1], [1], [0], [0, 1, 1, 0], [], []>, transpose_lhs_hint = false} : vector<64x4096xf32>, vector<128x64xf32>, vector<4096x128xf32> -> vector<4096x128xf32>
    %swap3A = arith.constant 0 : index
    %swap3A_7 = arith.constant 0 : index
    %swap3A_8 = arith.constant 0 : index
    %swap3A_9 = vector.load %arg4[%swap3A, %swap3A_7, %swap3A_8] : memref<1x4096x128xf32, #tpu.memory_space<vmem>>, vector<1x4096x128xf32>
    %swap3A_10 = vector.shape_cast %swap3A_9 : vector<1x4096x128xf32> to vector<4096x128xf32>
    %swap3A_11 = vector.shape_cast %dot_general3A_6 : vector<4096x128xf32> to vector<1x4096x128xf32>
    tpu.vector_store %arg4[%swap3A, %swap3A_7, %swap3A_8], %swap3A_11 {strides = array<i32>} : memref<1x4096x128xf32, #tpu.memory_space<vmem>>, vector<1x4096x128xf32>,
    return
  }
  func.func @transform_0(%arg0: i32, %arg1: i32) -> (i32, i32, i32) {
    %c12_i32 = arith.constant 12 : i32
    %c0_i32 = arith.constant 0 : i32
    %c0_i32_0 = arith.constant 0 : i32
    return %c12_i32, %c0_i32, %arg1 : i32, i32, i32
  }
  func.func @transform_1(%arg0: i32, %arg1: i32) -> (i32, i32) {
    %c0_i32 = arith.constant 0 : i32
    %c0_i32_0 = arith.constant 0 : i32
    %c0_i32_1 = arith.constant 0 : i32
    return %c0_i32, %c0_i32_0 : i32, i32
  }
  func.func @transform_2(%arg0: i32, %arg1: i32) -> (i32, i32, i32) {
    %c0_i32 = arith.constant 0 : i32
    %c0_i32_0 = arith.constant 0 : i32
    return %arg0, %arg1, %c0_i32 : i32, i32, i32
  }
}

module attributes {stable_mosaic.version = 14 : i64} {
  func.func @_proj_body(%arg0: i32, %arg1: i32, %arg2: memref<4x32x4096xf32, #tpu.memory_space<vmem>>, %arg3: memref<128x128xf32, #tpu.memory_space<vmem>>, %arg4: memref<1x4096x128xf32, #tpu.memory_space<vmem>>) attributes {dimension_semantics = [#tpu.dimension_semantics<arbitrary>, #tpu.dimension_semantics<arbitrary>], iteration_bounds = array<i64: 6, 25>, scalar_prefetch = 0 : i64, scratch_operands = 0 : i64, tpu.core_type = #tpu.core_type<tc>, window_params = [{transform_indices = @transform_0, window_bounds = array<i64: 4, 32, 4096>}, {pipeline_mode = #tpu.pipeline_mode<synchronous>, transform_indices = @transform_1, window_bounds = array<i64: 128, 128>}, {transform_indices = @transform_2, window_bounds = array<i64: 1, 4096, 128>}]} {
    %get3A = arith.constant 0 : index
    %get3A_0 = arith.constant 0 : index
    %get3A_1 = arith.constant 0 : index
    %get3A_2 = vector.load %arg2[%get3A, %get3A_0, %get3A_1] : memref<4x32x4096xf32, #tpu.memory_space<vmem>>, vector<4x32x4096xf32>
    %reshape3A = vector.shape_cast %get3A_2 : vector<4x32x4096xf32> to vector<128x4096xf32>
    %get3A_3 = arith.constant 0 : index
    %get3A_4 = arith.constant 0 : index
    %get3A_5 = vector.load %arg3[%get3A_3, %get3A_4] : memref<128x128xf32, #tpu.memory_space<vmem>>, vector<128x128xf32>
    %dot_general3A = arith.constant dense<0.000000e+00> : vector<4096x128xf32>
    %dot_general3A_6 = tpu.matmul %reshape3A, %get3A_5, %dot_general3A {dimension_numbers = #tpu.dot_dimension_numbers<[0], [1], [1], [0], [0, 1, 1, 0], [], []>, transpose_lhs_hint = false} : vector<128x4096xf32>, vector<128x128xf32>, vector<4096x128xf32> -> vector<4096x128xf32>
    %swap3A = arith.constant 0 : index
    %swap3A_7 = arith.constant 0 : index
    %swap3A_8 = arith.constant 0 : index
    %swap3A_9 = vector.load %arg4[%swap3A, %swap3A_7, %swap3A_8] : memref<1x4096x128xf32, #tpu.memory_space<vmem>>, vector<1x4096x128xf32>
    %swap3A_10 = vector.shape_cast %swap3A_9 : vector<1x4096x128xf32> to vector<4096x128xf32>
    %swap3A_11 = vector.shape_cast %dot_general3A_6 : vector<4096x128xf32> to vector<1x4096x128xf32>
    tpu.vector_store %arg4[%swap3A, %swap3A_7, %swap3A_8], %swap3A_11 {strides = array<i32>} : memref<1x4096x128xf32, #tpu.memory_space<vmem>>, vector<1x4096x128xf32>,
    return
  }
  func.func @transform_0(%arg0: i32, %arg1: i32) -> (i32, i32, i32) {
    %c0_i32 = arith.constant 0 : i32
    %c0_i32_0 = arith.constant 0 : i32
    return %arg0, %c0_i32, %arg1 : i32, i32, i32
  }
  func.func @transform_1(%arg0: i32, %arg1: i32) -> (i32, i32) {
    %c0_i32 = arith.constant 0 : i32
    %c0_i32_0 = arith.constant 0 : i32
    %c0_i32_1 = arith.constant 0 : i32
    return %c0_i32, %c0_i32_0 : i32, i32
  }
  func.func @transform_2(%arg0: i32, %arg1: i32) -> (i32, i32, i32) {
    %c0_i32 = arith.constant 0 : i32
    %c0_i32_0 = arith.constant 0 : i32
    return %arg0, %arg1, %c0_i32 : i32, i32, i32
  }
}

module attributes {stable_mosaic.version = 14 : i64} {
  func.func @_tc_cont_body(%arg0: i32, %arg1: memref<2048x32xf32, #tpu.memory_space<vmem>>, %arg2: memref<2048x39xi32, #tpu.memory_space<vmem>>, %arg3: memref<32x45xf32, #tpu.memory_space<vmem>>, %arg4: memref<1x32xf32, #tpu.memory_space<vmem>>, %arg5: memref<2048x32xf32, #tpu.memory_space<vmem>>) attributes {dimension_semantics = [#tpu.dimension_semantics<arbitrary>], iteration_bounds = array<i64: 25>, scalar_prefetch = 0 : i64, scratch_operands = 0 : i64, tpu.core_type = #tpu.core_type<tc>, window_params = [{transform_indices = @transform_0, window_bounds = array<i64: 2048, 32>}, {transform_indices = @transform_1, window_bounds = array<i64: 2048, 39>}, {pipeline_mode = #tpu.pipeline_mode<synchronous>, transform_indices = @transform_2, window_bounds = array<i64: 32, 45>}, {pipeline_mode = #tpu.pipeline_mode<synchronous>, transform_indices = @transform_3, window_bounds = array<i64: 1, 32>}, {transform_indices = @transform_4, window_bounds = array<i64: 2048, 32>}]} {
    %get3A = arith.constant 0 : index
    %get3A_0 = arith.constant 26 : index
    %get3A_1 = vector.load %arg2[%get3A, %get3A_0] : memref<2048x39xi32, #tpu.memory_space<vmem>>, vector<2048x13xi32>
    %convert_element_type3A = arith.sitofp %get3A_1 : vector<2048x13xi32> to vector<2048x13xf32>
    %get3A_2 = arith.constant 0 : index
    %get3A_3 = arith.constant 32 : index
    %get3A_4 = vector.load %arg3[%get3A_2, %get3A_3] : memref<32x45xf32, #tpu.memory_space<vmem>>, vector<32x13xf32>
    %dot_general3A = arith.constant dense<0.000000e+00> : vector<2048x32xf32>
    %dot_general3A_5 = tpu.matmul %convert_element_type3A, %get3A_4, %dot_general3A {dimension_numbers = #tpu.dot_dimension_numbers<[1], [1], [0], [0], [0, 0, 1, 0], [], []>, transpose_lhs_hint = false} : vector<2048x13xf32>, vector<32x13xf32>, vector<2048x32xf32> -> vector<2048x32xf32>
    %get3A_6 = arith.constant 0 : index
    %get3A_7 = arith.constant 0 : index
    %get3A_8 = vector.load %arg1[%get3A_6, %get3A_7] : memref<2048x32xf32, #tpu.memory_space<vmem>>, vector<2048x32xf32>
    %add3A = arith.addf %dot_general3A_5, %get3A_8 : vector<2048x32xf32>
    %get3A_9 = arith.constant 0 : index
    %get3A_10 = arith.constant 0 : index
    %get3A_11 = vector.load %arg4[%get3A_9, %get3A_10] : memref<1x32xf32, #tpu.memory_space<vmem>>, vector<1x32xf32>
    %add3A_12 = vector.broadcast %get3A_11 : vector<1x32xf32> to vector<2048x32xf32>
    %add3A_13 = arith.addf %add3A, %add3A_12 : vector<2048x32xf32>
    %swap3A = arith.constant 0 : index
    %swap3A_14 = arith.constant 0 : index
    %swap3A_15 = vector.load %arg5[%swap3A, %swap3A_14] : memref<2048x32xf32, #tpu.memory_space<vmem>>, vector<2048x32xf32>
    tpu.vector_store %arg5[%swap3A, %swap3A_14], %add3A_13 {strides = array<i32>} : memref<2048x32xf32, #tpu.memory_space<vmem>>, vector<2048x32xf32>,
    return
  }
  func.func @transform_0(%arg0: i32) -> (i32, i32) {
    %c0_i32 = arith.constant 0 : i32
    %c0_i32_0 = arith.constant 0 : i32
    return %arg0, %c0_i32 : i32, i32
  }
  func.func @transform_1(%arg0: i32) -> (i32, i32) {
    %c0_i32 = arith.constant 0 : i32
    %c0_i32_0 = arith.constant 0 : i32
    return %arg0, %c0_i32 : i32, i32
  }
  func.func @transform_2(%arg0: i32) -> (i32, i32) {
    %c0_i32 = arith.constant 0 : i32
    %c0_i32_0 = arith.constant 0 : i32
    %c0_i32_1 = arith.constant 0 : i32
    return %c0_i32, %c0_i32_0 : i32, i32
  }
  func.func @transform_3(%arg0: i32) -> (i32, i32) {
    %c0_i32 = arith.constant 0 : i32
    %c0_i32_0 = arith.constant 0 : i32
    %c0_i32_1 = arith.constant 0 : i32
    return %c0_i32, %c0_i32_0 : i32, i32
  }
  func.func @transform_4(%arg0: i32) -> (i32, i32) {
    %c0_i32 = arith.constant 0 : i32
    %c0_i32_0 = arith.constant 0 : i32
    return %arg0, %c0_i32 : i32, i32
  }
}

</mosaic_0001>

<sc_bundles>
// kernel: kernel.6.cloned.1.call-start
scs
__scs_entry_jumppad:
0x0: {  	(pc) =	sbr.rel $0x88, $3  }
0x1: {  	(tag) =	ssettag $0x0;
	lr =	simm.s32 $0x1  }
0x2: {  	[smem:$0x3F9D] =	sst lr;
	_ =	strace $0xD0000000  }
0x3: {  	_ = 	snop  }
0x4: {  	_ = 	snop  }
0x5: {  	_ = 	snop  }
0x6: {  	_ = 	snop  }
0x7: {  	_ = 	snop  }
__scs_overlays_trampoline_lowered:
0x8: {  	[smem:$0x3FAC] =	sst s0  }
0x9: {  	[smem:$0x3FAD] =	sst s1  }
0xa: {  	[smem:$0x3FAE] =	sst s2  }
0xb: {  	[smem:$0x3FAF] =	sst s3  }
0xc: {  	[smem:$0x3FB0] =	sst s4  }
0xd: {  	[smem:$0x3FB1] =	sst s5  }
0xe: {  	[smem:$0x3FB2] =	sst s6  }
0xf: {  	[smem:$0x3FB3] =	sst s7  }
0x10: {  	[smem:$0x3FB4] =	sst s8  }
0x11: {  	[smem:$0x3FB5] =	sst s9;
	s0 =	simm.s32 @!p0 $0x0  }
0x12: {  	s1 =	sld [smem:$0x3F9B];
	s0 =	simm.s32 @p0 $0x1  }
0x13: {  	[smem:$0x3FB6] =	sst s0;
	s0 =	simm.s32 @!p1 $0x0  }
0x14: {  	s2 =	sld [smem:$0x3F9A];
	s0 =	simm.s32 @p1 $0x1  }
0x15: {  	[smem:$0x3FB7] =	sst s0;
	s0 =	simm.s32 @!p2 $0x0  }
0x16: {  	s3 =	sld [smem:$0x3FDB];
	s0 =	simm.s32 @p2 $0x1  }
0x17: {  	s4 =	simm.s32 $0x1BF5;
	[smem:$0x3FB9] =	sst s0  }
0x18: {  	s0 =	sld [smem:$0x3F9C];
	_ =	swait.ge [sflag:s4], $0x0  }
0x19: {  	s7 =	sld [smem:$0x3F9D]  }
0x1a: {  	s8 =	sadd.s32 $0xFFFFE003, lr  }
0x1b: {  	s9 =	sadd.s32 $0xFFFFFEF7, lr;
	s5 =	simm.s32 $0xFFFFFFFF;
	p2 =	slt.u32 s8, $0xFFFFF086  }
0x1c: {  	p1 =	slt.u32 s9, $0xF7A;
	s5 =	simm.s32 @!p2 $0x0  }
0x1d: {  	s5 =	simm.s32 @p1 $0x1;
	p0 =	seq.s32 s7, s2  }
0x1e: {  	s7 =	smul.u32 @!p0 $0xF7A, s2;
	p2 =	seq.s32 @!p0 s5, $0x0  }
0x1f: {  	s9 =	smul.u32 $0xF7A, s1;
	s8 =	simm.s32 @!p0 $0x1BF5;
	p2 =	por !p2, p0  }
0x20: {  	[sflag:s8] =	ssyncset.s32 @!p0 $0xFFFFF086;
	s6 =	sadd.s32 @!p0 s3, s7;
	s7 =	simm.s32 @!p0 $0x108  }
0x21: {  	s3 =	sadd.s32 s3, s9;
	s6 =	sadd.s32 @!p0 $0x88, s6;
	s7 =	simm.s32 @p2 $0x1082  }
0x22: {  	[simem:s7], [sflag:s8] =	dma.local @!p0 [hbm:s6], $0xF7A  }
0x23: {  	s9 =	sor.u32 $0xD0000000, s2;
	s6 =	simm.s32 $0x108;
	_ =	swait.ge @!p0 [sflag:s8], $0x0  }
0x24: {  	s3 =	sadd.s32 $0x88, s3;
	s6 =	simm.s32 @!p1 $0x1082;
	[sflag:s4] =	ssyncset.s32 $0xFFFFF086  }
0x25: {  	[simem:s6], [sflag:s4] =	dma.local [hbm:s3], $0xF7A  }
0x26: {  	[smem:$0x3F9D] =	sst s1;
	(tag) =	ssettag s2;
	_ =	strace s9  }
0x27: {  	s1 =	sld [smem:$0x3FAD]  }
0x28: {  	s2 =	sld [smem:$0x3FAE]  }
0x29: {  	s4 =	sld [smem:$0x3FB0]  }
0x2a: {  	p0 =	seq.s32 s5, $0x0;
	s5 =	sld [smem:$0x3FB1]  }
0x2b: {  	s6 =	sld [smem:$0x3FB2]  }
0x2c: {  	s7 =	sld [smem:$0x3FB3]  }
0x2d: {  	s3 =	simm.s32 $0x108;
	s8 =	sld [smem:$0x3FB4]  }
0x2e: {  	s3 =	simm.s32 @!p0 $0x1082;
	s9 =	sld [smem:$0x3FB5]  }
0x2f: {  	lr =	sadd.s32 s0, s3;
	s0 =	sld [smem:$0x3FAC]  }
0x30: {  	s3 =	sld [smem:$0x3FAF]  }
0x31: {  	[smem:$0x3FB8] =	sst s10  }
0x32: {  	s10 =	sld [smem:$0x3FB6];
	_ =	sdelay $0x3  }
0x33: {  	p0 =	seq.s32 s10, $0x1;
	s10 =	sld [smem:$0x3FB8];
	_ =	sdelay $0x3  }
0x34: {  	[smem:$0x3FB8] =	sst s10  }
0x35: {  	s10 =	sld [smem:$0x3FB7];
	_ =	sdelay $0x3  }
0x36: {  	p1 =	seq.s32 s10, $0x1;
	s10 =	sld [smem:$0x3FB8];
	_ =	sdelay $0x3  }
0x37: {  	[smem:$0x3FB8] =	sst s10  }
0x38: {  	s10 =	sld [smem:$0x3FB9]  }
0x39: {  	_ = 	snop;
	(pc) =	sbr.ind lr, $3  }
0x3a: {  	_ = 	snop  }
0x3b: {  	_ = 	snop  }
0x3c: {  	p2 =	seq.s32 s10, $0x1;
	s10 =	sld [smem:$0x3FB8]  }
0x3d: {  	_ =	shalt  }
0x3e: {  	_ =	shalt  }
0x3f: {  	_ =	shalt  }
0x40: {  	_ =	shalt  }
0x41: {  	_ =	shalt  }
0x42: {  	_ =	shalt  }
0x43: {  	_ =	shalt  }
0x44: {  	_ =	shalt  }
0x45: {  	_ =	shalt  }
0x46: {  	_ =	shalt  }
0x47: {  	_ =	shalt  }
0x48: {  	_ =	shalt  }
0x49: {  	_ =	shalt  }
0x4a: {  	_ =	shalt  }
0x4b: {  	_ =	shalt  }
0x4c: {  	_ =	shalt  }
0x4d: {  	_ =	shalt  }
0x4e: {  	_ =	shalt  }
0x4f: {  	_ =	shalt  }
0x50: {  	_ =	shalt  }
0x51: {  	_ =	shalt  }
0x52: {  	_ =	shalt  }
0x53: {  	_ =	shalt  }
0x54: {  	_ =	shalt  }
0x55: {  	_ =	shalt  }
0x56: {  	_ =	shalt  }
0x57: {  	_ =	shalt  }
0x58: {  	_ =	shalt  }
0x59: {  	_ =	shalt  }
0x5a: {  	_ =	shalt  }
0x5b: {  	_ =	shalt  }
0x5c: {  	_ =	shalt  }
0x5d: {  	_ =	shalt  }
0x5e: {  	_ =	shalt  }
0x5f: {  	_ =	shalt  }
0x60: {  	_ =	shalt  }
0x61: {  	_ =	shalt  }
0x62: {  	_ =	shalt  }
0x63: {  	_ =	shalt  }
0x64: {  	_ =	shalt  }
0x65: {  	_ =	shalt  }
0x66: {  	_ =	shalt  }
0x67: {  	_ =	shalt  }
0x68: {  	_ =	shalt  }
0x69: {  	_ =	shalt  }
0x6a: {  	_ =	shalt  }
0x6b: {  	_ =	shalt  }
0x6c: {  	_ =	shalt  }
0x6d: {  	_ =	shalt  }
0x6e: {  	_ =	shalt  }
0x6f: {  	_ =	shalt  }
0x70: {  	_ =	shalt  }
0x71: {  	_ =	shalt  }
0x72: {  	_ =	shalt  }
0x73: {  	_ =	shalt  }
0x74: {  	_ =	shalt  }
0x75: {  	_ =	shalt  }
0x76: {  	_ =	shalt  }
0x77: {  	_ =	shalt  }
0x78: {  	_ =	shalt  }
0x79: {  	_ =	shalt  }
0x7a: {  	_ =	shalt  }
0x7b: {  	_ =	shalt  }
0x7c: {  	_ =	shalt  }
0x7d: {  	_ =	shalt  }
0x7e: {  	_ =	shalt  }
0x7f: {  	_ =	shalt  }
0x80: {  	_ =	shalt  }
0x81: {  	_ =	shalt  }
0x82: {  	_ =	shalt  }
0x83: {  	_ =	shalt  }
0x84: {  	_ =	shalt  }
0x85: {  	_ =	shalt  }
0x86: {  	_ =	shalt  }
0x87: {  	_ =	shalt  }
.Lfunc_end0:
.L_simem_size_0:
called_computation_lowered:
.L_overlay_start_0:
0x88: {  	s2 =	sld [smem:$0x3FD9]  }
0x89: {  	s3 =	sld [smem:$0x3FFE];
	_ =	sdelay $0x1  }
0x8a: {  	s1 =	srdreg.scid  }
0x8b: {  	s0 =	sand.u32 $0x1, s1  }
0x8c: {  	s16 =	sshll.u32 s0, $0xA;
	s2 =	sadd.s32 s3, s2  }
0x8d: {  	s2 =	sadd.s32 s2, s16  }
0x8e: {  	[smem:$0x3FC4] =	sst s2  }
0x8f: {  	_ = 	snop  }
0x90: {  	(tm) =	ssettm $0x1  }
0x91: {  	s17 =	sld [smem:$0x3FFB];
	_ =	sdelay $0x3  }
0x92: {  	_ =	strace s17  }
0x93: {  	s2 =	sld [smem:$0x3FFC];
	_ =	sdelay $0x3  }
0x94: {  	_ =	strace s2  }
0x95: {  	s2 =	sld [smem:$0x3FFD];
	_ =	sdelay $0x3  }
0x96: {  	_ =	strace s2  }
0x97: {  	_ =	strace $0x8FFFFFFF  }
0x98: {  	s18 =	sld [smem:$0x3FDB];
	_ =	sdelay $0x1  }
0x99: {  	s19 =	simm.s32 $_scs_section_size  }
0x9a: {  	s4 =	simm.s32 $_size__tile_overlayer_lowered;
	s5 =	simm.s32 $_tile_overlayer_lowered  }
0x9b: {  	s22 =	simm.s32 $0x1BFF;
	s21 =	sshll.u32 s5, $0x1;
	s2 =	sadd.s32 s19, s18  }
0x9c: {  	s6 =	simm.s32 $0x0;
	s20 =	sshll.u32 s4, $0x1;
	s4 =	sadd.s32 s21, s2  }
0x9d: {  	[timem:s6], [sflag:s22] =	dma.local [hbm:s4], s20  }
0x9e: {  	_ =	swait.ge [sflag:s22], s20  }
0x9f: {  	s3 =	ssub.s32 $0x0, s20;
	[sflag:s22] =	ssyncset.done $0x0  }
0xa0: {  	[sflag:s22] =	ssyncadd.s32 s3;
	_ =	sdelay $0x1  }
0xa1: {  	s23 =	simm.s32 $0x1B8B  }
0xa2: {  	_ =	swait.ge [sflag:s23], $0x1  }
0xa3: {  	[sflag:s23] =	ssyncset.done $0x0  }
0xa4: {  	s25 =	simm.s32 $0x1B8E;
	s24 =	sld [smem:$0x3FFE];
	[sflag:s23] =	ssyncadd.s32 $0xFFFFFFFF  }
0xa5: {  	s26 =	simm.s32 $execute0_lowered;
	[smem:$0x3FD2] =	sst s25  }
0xa6: {  	s4 =	sshll.u32 s26, $0x1;
	_ =	strace $0x80000046;
	[dreg:$0x1] =	wrdreg $0xFFFFFFFF  }
0xa7: {  	s28 =	simm.s32 $_size_execute0_lowered;
	s2 =	sadd.s32 s2, s4;
	[dreg:$0x0] =	wrdreg $0x0  }
0xa8: {  	s4 =	sshll.u32 s28, $0x1;
	[dreg:$0x2] =	wrdreg s2  }
0xa9: {  	[dreg:$0x3] =	wrdreg s4  }
0xaa: {  	[dreg:$0x4] =	wrdreg $0xC0  }
0xab: {  	_ =	task [dreg:s6], $0x5FFFF  }
0xac: {  	[dreg:$0x1] =	wrdreg $0xFFFFFFFF  }
0xad: {  	[dreg:$0x0] =	wrdreg $0x60  }
0xae: {  	[dreg:$0x2] =	wrdreg s24  }
0xaf: {  	[dreg:$0x3] =	wrdreg $0x9  }
0xb0: {  	_ =	task.clear_ibuf [dreg:s6], $0x4FFFF;
	_ =	strace $0x90000046  }
0xb1: {  	s29 =	simm.s32 $0x9;
	_ =	strace $0x80000048  }
0xb2: {  	_ =	swait.ge [sflag:s29], $0x1  }
0xb3: {  	[sflag:s29] =	ssyncadd.s32 $0xFFFFFFFF  }
0xb4: {  	_ =	strace $0x90000048  }
0xb5: {  	_ =	sfence  }
0xb6: {  	s30 =	sld [smem:$0x0];
	_ =	sdelay $0x2  }
0xb7: {  	s31 =	sshll.u32 s1, $0xD;
	s1 =	sshrl.u32 s1, $0x2  }
0xb8: {  	s3 =	sand.u32 $0x4000, s31;
	s1 =	sadd.s32 s1, s30  }
0xb9: {  	s0 =	sor.u32 s3, s0;
	s1 =	sshll.u32 s1, $0x11  }
0xba: {  	s0 =	sor.u32 s1, s0  }
0xbb: {  	s0 =	sadd.s32 $0x8F2B, s0  }
0xbc: {  	[sflag:s0] =	ssyncadd.remote.s32 $0x1  }
0xbd: {  	_ =	sfence.sel $0xFFFF  }
0xbe: {  	[dreg:$0x0] =	wrdreg $0xFFFFFFFF;
	(pc) =	sbr.abs _section_cstart, $3  }
0xbf: {  	[dreg:$0x1] =	wrdreg $0xFFFFFFFF  }
0xc0: {  	_ =	task.clear_ibuf [dreg:s6], $0x2FFFF;
	_ =	strace $0x9FFFFFFF  }
0xc1: {  	(tm) =	ssettm $0x7FFFFFFF  }
tec
execute0_lowered:
.L_overlay_start_1:
0x0: {  	(tag) =	ssettag $0x1  }
0x1: {  	s0 =	rddreg [dreg:$0x0];
	s2 =	simm.s32 $0x0  }
0x2: {  	s1 =	srdreg.scid;
	s3 =	stileid.u32;
	s11 =	simm.s32 $0x3  }
0x3: {  	s12 =	simm.s32 $0x20;
	v0 =	vlaneseq.u32;
	s15 =	simm.s32 $0xE00;
	s16 =	simm.s32 $0xD800  }
0x4: {  	s24 =	simm.s32 $0x1400;
	s19 =	simm.s32 $0x1480;
	s18 =	simm.s32 $0x1500;
	v0 =	vmul.u32 $0x80, v0  }
0x5: {  	s28 =	simm.s32 $0x18800;
	s20 =	simm.s32 $0x1580;
	s29 =	simm.s32 $0x19800  }
0x6: {  	s30 =	simm.s32 $0x1600;
	s31 =	simm.s32 $0x1A800;
	s17 =	simm.s32 $0x1B800;
	v1 =	vor.u32 $0x1, v0  }
0x7: {  	s10 =	simm.s32 $0x0;
	s1 =	sand.u32 $0x1, s1;
	s4 =	sshll.u32 s3, $0x1;
	v2 =	vor.u32 $0x2, v0;
	v3 =	vor.u32 $0x3, v0;
	v4 =	vor.u32 $0x4, v0  }
0x8: {  	[smem:$0x7FF] =	sst s2;
	s3 =	sadd.s32 $0x800, s0;
	s6 =	sor.u32 s1, s4;
	v5 =	vor.u32 $0x5, v0;
	v6 =	vor.u32 $0x6, v0;
	v7 =	vor.u32 $0x7, v0  }
0x9: {  	s7 =	sadd.s32 $0xBB8800, s0;
	s1 =	ssub.s32 $0x2, s1;
	s8 =	smul.u32 $0x6400, s6;
	v8 =	vor.u32 $0x8, v0;
	v9 =	vor.u32 $0x9, v0;
	v10 =	vor.u32 $0xA, v0  }
0xa: {  	_ =	strace $0x80000047;
	s9 =	sshrl.u32 s1, $0x1;
	s6 =	smul.u32 $0x32000, s6;
	v11 =	vor.u32 $0xB, v0;
	v12 =	vor.u32 $0xC, v0;
	v13 =	vor.u32 $0xD, v0  }
0xb: {  	s5 =	sadd.s32 $0xC8800, s0;
	s4 =	sadd.s32 $0x258800, s0;
	v14 =	vor.u32 $0xE, v0;
	v15 =	vor.u32 $0xF, v0;
	v16 =	vor.u32 $0x10, v0;
	s25 =	ssub.s32 s1, s9  }
0xc: {  	v17 =	vor.u32 $0x11, v0;
	v18 =	vor.u32 $0x12, v0;
	v19 =	vor.u32 $0x13, v0;
	s1 =	simm.s32 $0x2;
	s26 =	sadd.s32 s3, s8;
	s9 =	sor.u32 $0x1000, s6  }
0xd: {  	v20 =	vor.u32 $0x14, v0;
	v21 =	vor.u32 $0x15, v0;
	v22 =	vor.u32 $0x16, v0;
	s0 =	smax.u32 s25, $0x1;
	s25 =	simm.s32 $0x16800;
	[dreg:$0x2] =	wrdreg s26  }
0xe: {  	v23 =	vor.u32 $0x17, v0;
	v24 =	vor.u32 $0x18, v0;
	v25 =	vor.u32 $0x19, v0;
	[dreg:$0x3] =	wrdreg s0;
	s26 =	simm.s32 $0x17800;
	s0 =	simm.s32 $0x1  }
.LBB2_1:
0xf: {  	[dreg:$0x4] =	wrdreg s10  }
0x10: {  	s8 =	rddreg [dreg:$0x2]  }
0x11: {  	[tilespmem:s2], [sflag:$0x3] =	stream.linear.gather [hbm4b:s8+s2], $0x800, $0x38;
	[tilespmem:$0x1C000] =	vst v63  }
0x12: {  	_ =	swait.ge [sflag:s11], $0x800  }
0x13: {  	[sflag:s11] =	ssyncset.done $0x0  }
0x14: {  	[sflag:s11] =	ssyncadd.s32 $0xFFFFF800  }
0x15: {  	v26 =	vld.idx.msk [tilespmem:v0+s2+$0x0], $0xffff;
	_ =	sdelay $0x4  }
0x16: {  	[tilespmem:$0x800] =	vst v26  }
0x17: {  	v26 =	vld.idx.msk [tilespmem:v1+s2+$0x0], $0xffff;
	_ =	sdelay $0x4  }
0x18: {  	[tilespmem:$0x810] =	vst v26  }
0x19: {  	v26 =	vld.idx.msk [tilespmem:v2+s2+$0x0], $0xffff;
	_ =	sdelay $0x4  }
0x1a: {  	[tilespmem:$0x880] =	vst v26  }
0x1b: {  	v26 =	vld.idx.msk [tilespmem:v3+s2+$0x0], $0xffff;
	_ =	sdelay $0x4  }
0x1c: {  	[tilespmem:$0x890] =	vst v26  }
0x1d: {  	v26 =	vld.idx.msk [tilespmem:v4+s2+$0x0], $0xffff;
	_ =	sdelay $0x4  }
0x1e: {  	v26 =	vadd.s32 $0x19000, v26  }
0x1f: {  	[tilespmem:$0x900] =	vst v26  }
0x20: {  	v26 =	vld.idx.msk [tilespmem:v5+s2+$0x0], $0xffff;
	_ =	sdelay $0x4  }
0x21: {  	v26 =	vadd.s32 $0x19000, v26  }
0x22: {  	[tilespmem:$0x910] =	vst v26  }
0x23: {  	v26 =	vld.idx.msk [tilespmem:v6+s2+$0x0], $0xffff;
	_ =	sdelay $0x4  }
0x24: {  	v26 =	vadd.s32 $0x19000, v26  }
0x25: {  	[tilespmem:$0x980] =	vst v26  }
0x26: {  	v26 =	vld.idx.msk [tilespmem:v7+s2+$0x0], $0xffff;
	_ =	sdelay $0x4  }
0x27: {  	v26 =	vadd.s32 $0x19000, v26  }
0x28: {  	[tilespmem:$0x990] =	vst v26  }
0x29: {  	v26 =	vld.idx.msk [tilespmem:v8+s2+$0x0], $0xffff;
	_ =	sdelay $0x4  }
0x2a: {  	v26 =	vadd.s32 $0x32000, v26  }
0x2b: {  	[tilespmem:$0xA00] =	vst v26  }
0x2c: {  	v26 =	vld.idx.msk [tilespmem:v9+s2+$0x0], $0xffff;
	_ =	sdelay $0x4  }
0x2d: {  	v26 =	vadd.s32 $0x32000, v26  }
0x2e: {  	[tilespmem:$0xA10] =	vst v26  }
0x2f: {  	v26 =	vld.idx.msk [tilespmem:v10+s2+$0x0], $0xffff;
	_ =	sdelay $0x4  }
0x30: {  	v26 =	vadd.s32 $0x32000, v26  }
0x31: {  	[tilespmem:$0xA80] =	vst v26  }
0x32: {  	v26 =	vld.idx.msk [tilespmem:v11+s2+$0x0], $0xffff;
	_ =	sdelay $0x4  }
0x33: {  	v26 =	vadd.s32 $0x32000, v26  }
0x34: {  	[tilespmem:$0xA90] =	vst v26  }
0x35: {  	v26 =	vld.idx.msk [tilespmem:v12+s2+$0x0], $0xffff;
	_ =	sdelay $0x4  }
0x36: {  	v26 =	vadd.s32 $0x4B000, v26  }
0x37: {  	[tilespmem:$0xB00] =	vst v26  }
0x38: {  	v26 =	vld.idx.msk [tilespmem:v13+s2+$0x0], $0xffff;
	_ =	sdelay $0x4  }
0x39: {  	v26 =	vadd.s32 $0x4B000, v26  }
0x3a: {  	[tilespmem:$0xB10] =	vst v26  }
0x3b: {  	v26 =	vld.idx.msk [tilespmem:v14+s2+$0x0], $0xffff;
	_ =	sdelay $0x4  }
0x3c: {  	v26 =	vadd.s32 $0x4B000, v26  }
0x3d: {  	[tilespmem:$0xB80] =	vst v26  }
0x3e: {  	v26 =	vld.idx.msk [tilespmem:v15+s2+$0x0], $0xffff;
	_ =	sdelay $0x4  }
0x3f: {  	v26 =	vadd.s32 $0x4B000, v26  }
0x40: {  	[tilespmem:$0xB90] =	vst v26  }
0x41: {  	v26 =	vld.idx.msk [tilespmem:v16+s2+$0x0], $0xffff;
	_ =	sdelay $0x4  }
0x42: {  	v26 =	vadd.s32 $0x64000, v26  }
0x43: {  	[tilespmem:$0xC00] =	vst v26  }
0x44: {  	v26 =	vld.idx.msk [tilespmem:v17+s2+$0x0], $0xffff;
	_ =	sdelay $0x4  }
0x45: {  	v26 =	vadd.s32 $0x64000, v26  }
0x46: {  	[tilespmem:$0xC10] =	vst v26  }
0x47: {  	v26 =	vld.idx.msk [tilespmem:v18+s2+$0x0], $0xffff;
	_ =	sdelay $0x4  }
0x48: {  	v26 =	vadd.s32 $0x64000, v26  }
0x49: {  	[tilespmem:$0xC80] =	vst v26  }
0x4a: {  	v26 =	vld.idx.msk [tilespmem:v19+s2+$0x0], $0xffff;
	_ =	sdelay $0x4  }
0x4b: {  	v26 =	vadd.s32 $0x64000, v26  }
0x4c: {  	[tilespmem:$0xC90] =	vst v26  }
0x4d: {  	v26 =	vld.idx.msk [tilespmem:v20+s2+$0x0], $0xffff;
	_ =	sdelay $0x4  }
0x4e: {  	v26 =	vadd.s32 $0x7D000, v26  }
0x4f: {  	[tilespmem:$0xD00] =	vst v26  }
0x50: {  	v26 =	vld.idx.msk [tilespmem:v21+s2+$0x0], $0xffff;
	_ =	sdelay $0x4  }
0x51: {  	v26 =	vadd.s32 $0x7D000, v26  }
0x52: {  	[tilespmem:$0xD10] =	vst v26  }
0x53: {  	v26 =	vld.idx.msk [tilespmem:v22+s2+$0x0], $0xffff;
	_ =	sdelay $0x4  }
0x54: {  	v26 =	vadd.s32 $0x7D000, v26  }
0x55: {  	[tilespmem:$0xD80] =	vst v26  }
0x56: {  	v26 =	vld.idx.msk [tilespmem:v23+s2+$0x0], $0xffff;
	_ =	sdelay $0x4  }
0x57: {  	v26 =	vadd.s32 $0x7D000, v26  }
0x58: {  	[tilespmem:$0xD90] =	vst v26  }
0x59: {  	v26 =	vld.idx.msk [tilespmem:v24+s2+$0x0], $0xffff;
	_ =	sdelay $0x4  }
0x5a: {  	[tilespmem:$0xE00] =	vst v26  }
0x5b: {  	v26 =	vld.idx.msk [tilespmem:v25+s2+$0x0], $0xffff;
	_ =	sdelay $0x4  }
0x5c: {  	s10 =	simm.s32 $0x800;
	s13 =	simm.s32 $0x1800;
	[tilespmem:$0xE10] =	vst v26  }
0x5d: {  	[tilespmem:s13], [sflag:$0x1] =	stream.indirect.gather [hbm4b:s4+s12], $0x80, s10, s12, $0xb8;
	[tilespmem:$0x1C000] =	vst v63  }
0x5e: {  	s14 =	simm.s32 $0x880;
	s21 =	simm.s32 $0x2800  }
0x5f: {  	[tilespmem:s21], [sflag:$0x1] =	stream.indirect.gather [hbm4b:s4+s12], $0x80, s14, s12, $0xb8;
	[tilespmem:$0x1C000] =	vst v63  }
0x60: {  	s22 =	simm.s32 $0x900;
	s23 =	simm.s32 $0x3800  }
0x61: {  	[tilespmem:s23], [sflag:$0x1] =	stream.indirect.gather [hbm4b:s4+s12], $0x80, s22, s12, $0xb8;
	[tilespmem:$0x1C000] =	vst v63  }
0x62: {  	s10 =	simm.s32 $0x980;
	s13 =	simm.s32 $0x4800  }
0x63: {  	[tilespmem:s13], [sflag:$0x1] =	stream.indirect.gather [hbm4b:s4+s12], $0x80, s10, s12, $0xb8;
	[tilespmem:$0x1C000] =	vst v63  }
0x64: {  	s14 =	simm.s32 $0xA00;
	s21 =	simm.s32 $0x5800  }
0x65: {  	[tilespmem:s21], [sflag:$0x1] =	stream.indirect.gather [hbm4b:s4+s12], $0x80, s14, s12, $0xb8;
	[tilespmem:$0x1C000] =	vst v63  }
0x66: {  	s22 =	simm.s32 $0xA80;
	s23 =	simm.s32 $0x6800  }
0x67: {  	[tilespmem:s23], [sflag:$0x1] =	stream.indirect.gather [hbm4b:s4+s12], $0x80, s22, s12, $0xb8;
	[tilespmem:$0x1C000] =	vst v63  }
0x68: {  	s10 =	simm.s32 $0xB00;
	s13 =	simm.s32 $0x7800  }
0x69: {  	[tilespmem:s13], [sflag:$0x1] =	stream.indirect.gather [hbm4b:s4+s12], $0x80, s10, s12, $0xb8;
	[tilespmem:$0x1C000] =	vst v63  }
0x6a: {  	s14 =	simm.s32 $0xB80;
	s21 =	simm.s32 $0x8800  }
0x6b: {  	[tilespmem:s21], [sflag:$0x1] =	stream.indirect.gather [hbm4b:s4+s12], $0x80, s14, s12, $0xb8;
	[tilespmem:$0x1C000] =	vst v63  }
0x6c: {  	s22 =	simm.s32 $0xC00;
	s23 =	simm.s32 $0x9800  }
0x6d: {  	[tilespmem:s23], [sflag:$0x1] =	stream.indirect.gather [hbm4b:s4+s12], $0x80, s22, s12, $0xb8;
	[tilespmem:$0x1C000] =	vst v63  }
0x6e: {  	s10 =	simm.s32 $0xC80;
	s13 =	simm.s32 $0xA800  }
0x6f: {  	[tilespmem:s13], [sflag:$0x1] =	stream.indirect.gather [hbm4b:s4+s12], $0x80, s10, s12, $0xb8;
	[tilespmem:$0x1C000] =	vst v63  }
0x70: {  	s14 =	simm.s32 $0xD00;
	s21 =	simm.s32 $0xB800  }
0x71: {  	[tilespmem:s21], [sflag:$0x1] =	stream.indirect.gather [hbm4b:s4+s12], $0x80, s14, s12, $0xb8;
	[tilespmem:$0x1C000] =	vst v63  }
0x72: {  	s22 =	simm.s32 $0xD80;
	s23 =	simm.s32 $0xC800  }
0x73: {  	[tilespmem:s23], [sflag:$0x1] =	stream.indirect.gather [hbm4b:s4+s12], $0x80, s22, s12, $0xb8;
	[tilespmem:$0x1C000] =	vst v63  }
0x74: {  	s21 =	simm.s32 $0x0  }
0x75: {  	[tilespmem:s16], [sflag:$0x1] =	stream.indirect.gather [hbm4b:s5+s12], $0x80, s15, s12, $0xb8;
	[tilespmem:$0x1C000] =	vst v63  }
.LBB2_2:
0x76: {  	s8 =	sshll.u32 s21, $0xC  }
0x77: {  	s10 =	sadd.s32 s8, s6  }
0x78: {  	s10 =	sadd.s32 $0x800, s10  }
0x79: {  	s22 =	sshrl.u32 s10, $0x3  }
0x7a: {  	s23 =	simm.s32 $0x0;
	s13 =	sadd.s32 s3, s22  }
0x7b: {  	[tilespmem:s23], [sflag:$0x3] =	stream.linear.gather [hbm4b:s13+s23], $0x800, $0x38;
	[tilespmem:$0x1C000] =	vst v63  }
0x7c: {  	_ =	swait.ge [sflag:s11], $0x800  }
0x7d: {  	[sflag:s11] =	ssyncset.done $0x0  }
0x7e: {  	[sflag:s11] =	ssyncadd.s32 $0xFFFFF800  }
0x7f: {  	v26 =	vld.idx.msk [tilespmem:v0+s23+$0x0], $0xffff;
	_ =	sdelay $0x4  }
0x80: {  	[tilespmem:$0x1000] =	vst v26  }
0x81: {  	v26 =	vld.idx.msk [tilespmem:v1+s23+$0x0], $0xffff;
	_ =	sdelay $0x4  }
0x82: {  	[tilespmem:$0x1010] =	vst v26  }
0x83: {  	v26 =	vld.idx.msk [tilespmem:v2+s23+$0x0], $0xffff;
	_ =	sdelay $0x4  }
0x84: {  	[tilespmem:$0x1080] =	vst v26  }
0x85: {  	v26 =	vld.idx.msk [tilespmem:v3+s23+$0x0], $0xffff;
	_ =	sdelay $0x4  }
0x86: {  	[tilespmem:$0x1090] =	vst v26  }
0x87: {  	v26 =	vld.idx.msk [tilespmem:v4+s23+$0x0], $0xffff;
	_ =	sdelay $0x4  }
0x88: {  	v26 =	vadd.s32 $0x19000, v26  }
0x89: {  	[tilespmem:$0x1100] =	vst v26  }
0x8a: {  	v26 =	vld.idx.msk [tilespmem:v5+s23+$0x0], $0xffff;
	_ =	sdelay $0x4  }
0x8b: {  	v26 =	vadd.s32 $0x19000, v26  }
0x8c: {  	[tilespmem:$0x1110] =	vst v26  }
0x8d: {  	v26 =	vld.idx.msk [tilespmem:v6+s23+$0x0], $0xffff;
	_ =	sdelay $0x4  }
0x8e: {  	v26 =	vadd.s32 $0x19000, v26  }
0x8f: {  	[tilespmem:$0x1180] =	vst v26  }
0x90: {  	v26 =	vld.idx.msk [tilespmem:v7+s23+$0x0], $0xffff;
	_ =	sdelay $0x4  }
0x91: {  	v26 =	vadd.s32 $0x19000, v26  }
0x92: {  	[tilespmem:$0x1190] =	vst v26  }
0x93: {  	v26 =	vld.idx.msk [tilespmem:v8+s23+$0x0], $0xffff;
	_ =	sdelay $0x4  }
0x94: {  	v26 =	vadd.s32 $0x32000, v26  }
0x95: {  	[tilespmem:$0x1200] =	vst v26  }
0x96: {  	v26 =	vld.idx.msk [tilespmem:v9+s23+$0x0], $0xffff;
	_ =	sdelay $0x4  }
0x97: {  	v26 =	vadd.s32 $0x32000, v26  }
0x98: {  	[tilespmem:$0x1210] =	vst v26  }
0x99: {  	v26 =	vld.idx.msk [tilespmem:v10+s23+$0x0], $0xffff;
	_ =	sdelay $0x4  }
0x9a: {  	v26 =	vadd.s32 $0x32000, v26  }
0x9b: {  	[tilespmem:$0x1280] =	vst v26  }
0x9c: {  	v26 =	vld.idx.msk [tilespmem:v11+s23+$0x0], $0xffff;
	_ =	sdelay $0x4  }
0x9d: {  	v26 =	vadd.s32 $0x32000, v26  }
0x9e: {  	[tilespmem:$0x1290] =	vst v26  }
0x9f: {  	v26 =	vld.idx.msk [tilespmem:v12+s23+$0x0], $0xffff;
	_ =	sdelay $0x4  }
0xa0: {  	v26 =	vadd.s32 $0x4B000, v26  }
0xa1: {  	[tilespmem:$0x1300] =	vst v26  }
0xa2: {  	v26 =	vld.idx.msk [tilespmem:v13+s23+$0x0], $0xffff;
	_ =	sdelay $0x4  }
0xa3: {  	v26 =	vadd.s32 $0x4B000, v26  }
0xa4: {  	[tilespmem:$0x1310] =	vst v26  }
0xa5: {  	v26 =	vld.idx.msk [tilespmem:v14+s23+$0x0], $0xffff;
	_ =	sdelay $0x4  }
0xa6: {  	v26 =	vadd.s32 $0x4B000, v26  }
0xa7: {  	[tilespmem:$0x1380] =	vst v26  }
0xa8: {  	v26 =	vld.idx.msk [tilespmem:v15+s23+$0x0], $0xffff;
	_ =	sdelay $0x4  }
0xa9: {  	v26 =	vadd.s32 $0x4B000, v26  }
0xaa: {  	[tilespmem:$0x1390] =	vst v26  }
0xab: {  	v26 =	vld.idx.msk [tilespmem:v16+s23+$0x0], $0xffff;
	_ =	sdelay $0x4  }
0xac: {  	v26 =	vadd.s32 $0x64000, v26  }
0xad: {  	[tilespmem:$0x1400] =	vst v26  }
0xae: {  	v26 =	vld.idx.msk [tilespmem:v17+s23+$0x0], $0xffff;
	_ =	sdelay $0x4  }
0xaf: {  	v26 =	vadd.s32 $0x64000, v26  }
0xb0: {  	[tilespmem:$0x1410] =	vst v26  }
0xb1: {  	v26 =	vld.idx.msk [tilespmem:v18+s23+$0x0], $0xffff;
	_ =	sdelay $0x4  }
0xb2: {  	v26 =	vadd.s32 $0x64000, v26  }
0xb3: {  	[tilespmem:$0x1480] =	vst v26  }
0xb4: {  	v26 =	vld.idx.msk [tilespmem:v19+s23+$0x0], $0xffff;
	_ =	sdelay $0x4  }
0xb5: {  	v26 =	vadd.s32 $0x64000, v26  }
0xb6: {  	[tilespmem:$0x1490] =	vst v26  }
0xb7: {  	v26 =	vld.idx.msk [tilespmem:v20+s23+$0x0], $0xffff;
	_ =	sdelay $0x4  }
0xb8: {  	v26 =	vadd.s32 $0x7D000, v26  }
0xb9: {  	[tilespmem:$0x1500] =	vst v26  }
0xba: {  	v26 =	vld.idx.msk [tilespmem:v21+s23+$0x0], $0xffff;
	_ =	sdelay $0x4  }
0xbb: {  	v26 =	vadd.s32 $0x7D000, v26  }
0xbc: {  	[tilespmem:$0x1510] =	vst v26  }
0xbd: {  	v26 =	vld.idx.msk [tilespmem:v22+s23+$0x0], $0xffff;
	_ =	sdelay $0x4  }
0xbe: {  	v26 =	vadd.s32 $0x7D000, v26  }
0xbf: {  	[tilespmem:$0x1580] =	vst v26  }
0xc0: {  	v26 =	vld.idx.msk [tilespmem:v23+s23+$0x0], $0xffff;
	_ =	sdelay $0x4  }
0xc1: {  	v26 =	vadd.s32 $0x7D000, v26  }
0xc2: {  	[tilespmem:$0x1590] =	vst v26  }
0xc3: {  	v26 =	vld.idx.msk [tilespmem:v24+s23+$0x0], $0xffff;
	_ =	sdelay $0x4  }
0xc4: {  	[tilespmem:$0x1600] =	vst v26  }
0xc5: {  	v26 =	vld.idx.msk [tilespmem:v25+s23+$0x0], $0xffff;
	_ =	sdelay $0x4  }
0xc6: {  	s14 =	simm.s32 $0x1000;
	s23 =	simm.s32 $0xE800;
	[tilespmem:$0x1610] =	vst v26  }
0xc7: {  	[tilespmem:s23], [sflag:$0x2] =	stream.indirect.gather [hbm4b:s4+s12], $0x80, s14, s12, $0xb8;
	[tilespmem:$0x1C000] =	vst v63  }
0xc8: {  	s14 =	simm.s32 $0x1080;
	s23 =	simm.s32 $0xF800  }
0xc9: {  	[tilespmem:s23], [sflag:$0x2] =	stream.indirect.gather [hbm4b:s4+s12], $0x80, s14, s12, $0xb8;
	[tilespmem:$0x1C000] =	vst v63  }
0xca: {  	s14 =	simm.s32 $0x1100;
	s23 =	simm.s32 $0x10800  }
0xcb: {  	[tilespmem:s23], [sflag:$0x2] =	stream.indirect.gather [hbm4b:s4+s12], $0x80, s14, s12, $0xb8;
	[tilespmem:$0x1C000] =	vst v63  }
0xcc: {  	s14 =	simm.s32 $0x1180;
	s23 =	simm.s32 $0x11800  }
0xcd: {  	[tilespmem:s23], [sflag:$0x2] =	stream.indirect.gather [hbm4b:s4+s12], $0x80, s14, s12, $0xb8;
	[tilespmem:$0x1C000] =	vst v63  }
0xce: {  	s14 =	simm.s32 $0x1200;
	s23 =	simm.s32 $0x12800  }
0xcf: {  	[tilespmem:s23], [sflag:$0x2] =	stream.indirect.gather [hbm4b:s4+s12], $0x80, s14, s12, $0xb8;
	[tilespmem:$0x1C000] =	vst v63  }
0xd0: {  	s14 =	simm.s32 $0x1280;
	s23 =	simm.s32 $0x13800  }
0xd1: {  	[tilespmem:s23], [sflag:$0x2] =	stream.indirect.gather [hbm4b:s4+s12], $0x80, s14, s12, $0xb8;
	[tilespmem:$0x1C000] =	vst v63  }
0xd2: {  	s14 =	simm.s32 $0x1300;
	s23 =	simm.s32 $0x14800  }
0xd3: {  	[tilespmem:s23], [sflag:$0x2] =	stream.indirect.gather [hbm4b:s4+s12], $0x80, s14, s12, $0xb8;
	[tilespmem:$0x1C000] =	vst v63  }
0xd4: {  	s14 =	simm.s32 $0x1380;
	s23 =	simm.s32 $0x15800  }
0xd5: {  	[tilespmem:s23], [sflag:$0x2] =	stream.indirect.gather [hbm4b:s4+s12], $0x80, s14, s12, $0xb8;
	[tilespmem:$0x1C000] =	vst v63  }
0xd6: {  	_ = 	snop  }
0xd7: {  	[tilespmem:s25], [sflag:$0x2] =	stream.indirect.gather [hbm4b:s4+s12], $0x80, s24, s12, $0xb8;
	[tilespmem:$0x1C000] =	vst v63  }
0xd8: {  	_ = 	snop  }
0xd9: {  	[tilespmem:s26], [sflag:$0x2] =	stream.indirect.gather [hbm4b:s4+s12], $0x80, s19, s12, $0xb8;
	[tilespmem:$0x1C000] =	vst v63  }
0xda: {  	_ = 	snop  }
0xdb: {  	[tilespmem:s28], [sflag:$0x2] =	stream.indirect.gather [hbm4b:s4+s12], $0x80, s18, s12, $0xb8;
	[tilespmem:$0x1C000] =	vst v63  }
0xdc: {  	_ = 	snop  }
0xdd: {  	[tilespmem:s29], [sflag:$0x2] =	stream.indirect.gather [hbm4b:s4+s12], $0x80, s20, s12, $0xb8;
	[tilespmem:$0x1C000] =	vst v63  }
0xde: {  	_ = 	snop  }
0xdf: {  	[tilespmem:s31], [sflag:$0x2] =	stream.indirect.gather [hbm4b:s5+s12], $0x80, s30, s12, $0xb8;
	[tilespmem:$0x1C000] =	vst v63  }
0xe0: {  	_ =	swait.ge [sflag:s0], $0x1000  }
0xe1: {  	[sflag:s0] =	ssyncset.done $0x0  }
0xe2: {  	[sflag:s0] =	ssyncadd.s32 $0xFFFFF000  }
0xe3: {  	_ =	swait.ge [sflag:s0], $0x1000  }
0xe4: {  	[sflag:s0] =	ssyncset.done $0x0  }
0xe5: {  	[sflag:s0] =	ssyncadd.s32 $0xFFFFF000  }
0xe6: {  	_ =	swait.ge [sflag:s0], $0x1000  }
0xe7: {  	[sflag:s0] =	ssyncset.done $0x0  }
0xe8: {  	[sflag:s0] =	ssyncadd.s32 $0xFFFFF000  }
0xe9: {  	_ =	swait.ge [sflag:s0], $0x1000  }
0xea: {  	[sflag:s0] =	ssyncset.done $0x0  }
0xeb: {  	[sflag:s0] =	ssyncadd.s32 $0xFFFFF000  }
0xec: {  	_ =	swait.ge [sflag:s0], $0x1000  }
0xed: {  	[sflag:s0] =	ssyncset.done $0x0  }
0xee: {  	[sflag:s0] =	ssyncadd.s32 $0xFFFFF000  }
0xef: {  	_ =	swait.ge [sflag:s0], $0x1000  }
0xf0: {  	[sflag:s0] =	ssyncset.done $0x0  }
0xf1: {  	[sflag:s0] =	ssyncadd.s32 $0xFFFFF000  }
0xf2: {  	_ =	swait.ge [sflag:s0], $0x1000  }
0xf3: {  	[sflag:s0] =	ssyncset.done $0x0  }
0xf4: {  	[sflag:s0] =	ssyncadd.s32 $0xFFFFF000  }
0xf5: {  	_ =	swait.ge [sflag:s0], $0x1000  }
0xf6: {  	[sflag:s0] =	ssyncset.done $0x0  }
0xf7: {  	[sflag:s0] =	ssyncadd.s32 $0xFFFFF000  }
0xf8: {  	_ =	swait.ge [sflag:s0], $0x1000  }
0xf9: {  	[sflag:s0] =	ssyncset.done $0x0  }
0xfa: {  	[sflag:s0] =	ssyncadd.s32 $0xFFFFF000  }
0xfb: {  	_ =	swait.ge [sflag:s0], $0x1000  }
0xfc: {  	[sflag:s0] =	ssyncset.done $0x0  }
0xfd: {  	[sflag:s0] =	ssyncadd.s32 $0xFFFFF000  }
0xfe: {  	_ =	swait.ge [sflag:s0], $0x1000  }
0xff: {  	[sflag:s0] =	ssyncset.done $0x0  }
0x100: {  	[sflag:s0] =	ssyncadd.s32 $0xFFFFF000  }
0x101: {  	_ =	swait.ge [sflag:s0], $0x1000  }
0x102: {  	[sflag:s0] =	ssyncset.done $0x0  }
0x103: {  	[sflag:s0] =	ssyncadd.s32 $0xFFFFF000  }
0x104: {  	_ =	swait.ge [sflag:s0], $0x1000  }
0x105: {  	[sflag:s0] =	ssyncset.done $0x0  }
0x106: {  	s10 =	simm.s32 $0x0;
	[sflag:s0] =	ssyncadd.s32 $0xFFFFF000  }
0x107: {  	v45 =	vld [tilespmem:s10+$0x1810]  }
0x108: {  	v46 =	vld [tilespmem:s10+$0x2030]  }
0x109: {  	v48 =	vld [tilespmem:s10+$0x2850]  }
0x10a: {  	v49 =	vld [tilespmem:s10+$0x3070]  }
0x10b: {  	v26 =	vld [tilespmem:s10+$0x3810]  }
0x10c: {  	v27 =	vld [tilespmem:s10+$0x4030]  }
0x10d: {  	v28 =	vld [tilespmem:s10+$0x4850]  }
0x10e: {  	v30 =	vld [tilespmem:s10+$0x5070]  }
0x10f: {  	v29 =	vld [tilespmem:s10+$0x5810]  }
0x110: {  	v31 =	vld [tilespmem:s10+$0x6030]  }
0x111: {  	v32 =	vld [tilespmem:s10+$0x6850]  }
0x112: {  	v34 =	vld [tilespmem:s10+$0x7070]  }
0x113: {  	v33 =	vld [tilespmem:s10+$0x7810]  }
0x114: {  	v35 =	vld [tilespmem:s10+$0x8030]  }
0x115: {  	v36 =	vld [tilespmem:s10+$0x8850]  }
0x116: {  	v38 =	vld [tilespmem:s10+$0x9070]  }
0x117: {  	v37 =	vld [tilespmem:s10+$0x9810]  }
0x118: {  	v39 =	vld [tilespmem:s10+$0xA030]  }
0x119: {  	v40 =	vld [tilespmem:s10+$0xA850]  }
0x11a: {  	v42 =	vld [tilespmem:s10+$0xB070]  }
0x11b: {  	v41 =	vld [tilespmem:s10+$0xB810]  }
0x11c: {  	v43 =	vld [tilespmem:s10+$0xC030]  }
0x11d: {  	v44 =	vld [tilespmem:s10+$0xC850]  }
0x11e: {  	s13 =	sshll.u32 s21, $0x1;
	s23 =	simm.s32 $0x200;
	v47 =	vld [tilespmem:s10+$0xD070];
	v45 =	vadd.f32 v46, v45;
	v46 =	vadd.f32 v49, v48  }
.LBB2_3:
0x11f: {  	p0 =	sne.s32 s23, $0x1E00;
	v48 =	vld [tilespmem:s10+$0x1800];
	v26 =	vadd.f32 v27, v26;
	v27 =	vadd.f32 v30, v28  }
0x120: {  	v29 =	vadd.f32 v31, v29;
	v30 =	vadd.f32 v34, v32;
	v28 =	vld [tilespmem:s10+$0x2020]  }
0x121: {  	v32 =	vadd.f32 v35, v33;
	v33 =	vadd.f32 v38, v36;
	v31 =	vld [tilespmem:s10+$0xD810]  }
0x122: {  	v35 =	vadd.f32 v39, v37;
	v36 =	vadd.f32 v42, v40;
	v34 =	vld [tilespmem:s10+$0xE030]  }
0x123: {  	v38 =	vadd.f32 v43, v41;
	v37 =	vld [tilespmem:s10+$0x2840];
	v39 =	vadd.f32 v47, v44  }
0x124: {  	v41 =	vadd.f32 v46, v45;
	v26 =	vadd.f32 v27, v26;
	v40 =	vld [tilespmem:s10+$0x3060]  }
0x125: {  	v29 =	vadd.f32 v30, v29;
	v30 =	vadd.f32 v33, v32;
	v27 =	vld [tilespmem:s10+$0x3800]  }
0x126: {  	v33 =	vadd.f32 v36, v35;
	v35 =	vadd.f32 v39, v38;
	v32 =	vld [tilespmem:s10+$0x4020]  }
0x127: {  	v26 =	vadd.f32 v26, v41;
	v36 =	vld [tilespmem:s10+$0x4840];
	v31 =	vadd.f32 v34, v31  }
0x128: {  	v29 =	vadd.f32 v30, v29;
	v30 =	vadd.f32 v35, v33;
	v34 =	vld [tilespmem:s10+$0x5060]  }
0x129: {  	v28 =	vadd.f32 v28, v48;
	v33 =	vld [tilespmem:s10+$0x5800];
	v35 =	vadd.f32 v40, v37  }
0x12a: {  	v26 =	vadd.f32 v29, v26;
	v29 =	vadd.f32 v31, v30;
	v37 =	vld [tilespmem:s10+$0x6020]  }
0x12b: {  	v30 =	vld [tilespmem:s10+$0x6840];
	v27 =	vadd.f32 v32, v27;
	v28 =	vadd.f32 v35, v28  }
0x12c: {  	v26 =	vadd.f32 v29, v26;
	v31 =	vld [tilespmem:s10+$0x7060]  }
0x12d: {  	v29 =	vld [tilespmem:s10+$0x7800];
	v32 =	vadd.f32 v34, v36  }
0x12e: {  	v34 =	vld [tilespmem:s10+$0x8020];
	[tilespmem:s10+$0x1B810] =	vst v26  }
0x12f: {  	v26 =	vld [tilespmem:s10+$0x8840];
	v33 =	vadd.f32 v37, v33;
	v27 =	vadd.f32 v32, v27  }
0x130: {  	v32 =	vld [tilespmem:s10+$0x9060]  }
0x131: {  	v35 =	vld [tilespmem:s10+$0x9800];
	v30 =	vadd.f32 v31, v30;
	v27 =	vadd.f32 v27, v28  }
0x132: {  	v28 =	vld [tilespmem:s10+$0xA020]  }
0x133: {  	v31 =	vld [tilespmem:s10+$0xA840];
	v29 =	vadd.f32 v34, v29;
	v30 =	vadd.f32 v30, v33  }
0x134: {  	v33 =	vld [tilespmem:s10+$0xB060]  }
0x135: {  	v34 =	vld [tilespmem:s10+$0xB800];
	v26 =	vadd.f32 v32, v26  }
0x136: {  	v32 =	vld [tilespmem:s10+$0xC020]  }
0x137: {  	v36 =	vld [tilespmem:s10+$0xC840];
	v28 =	vadd.f32 v28, v35;
	v26 =	vadd.f32 v26, v29  }
0x138: {  	v29 =	vld [tilespmem:s10+$0xD060]  }
0x139: {  	v35 =	vld [tilespmem:s10+$0xD800];
	v31 =	vadd.f32 v33, v31;
	v26 =	vadd.f32 v26, v30  }
0x13a: {  	s14 =	sshra.s32 s23, $0x2;
	v30 =	vld [tilespmem:s10+$0xE020]  }
0x13b: {  	v45 =	vld [tilespmem:s14+$0x1810];
	v32 =	vadd.f32 v32, v34;
	v31 =	vadd.f32 v31, v28  }
0x13c: {  	v33 =	vadd.f32 v26, v27;
	v46 =	vld [tilespmem:s14+$0x2030]  }
0x13d: {  	v48 =	vld [tilespmem:s14+$0x2850];
	v27 =	vadd.f32 v29, v36  }
0x13e: {  	v49 =	vld [tilespmem:s14+$0x3070]  }
0x13f: {  	v26 =	vld [tilespmem:s14+$0x3810];
	v34 =	vadd.f32 v30, v35;
	v29 =	vadd.f32 v27, v32  }
0x140: {  	v27 =	vld [tilespmem:s14+$0x4030]  }
0x141: {  	v28 =	vld [tilespmem:s14+$0x4850];
	v31 =	vadd.f32 v29, v31  }
0x142: {  	v30 =	vld [tilespmem:s14+$0x5070]  }
0x143: {  	v29 =	vld [tilespmem:s14+$0x5810];
	v34 =	vadd.f32 v34, v31  }
0x144: {  	v31 =	vld [tilespmem:s14+$0x6030]  }
0x145: {  	v32 =	vld [tilespmem:s14+$0x6850];
	v35 =	vadd.f32 v34, v33  }
0x146: {  	v34 =	vld [tilespmem:s14+$0x7070]  }
0x147: {  	v33 =	vld [tilespmem:s14+$0x7810];
	[tilespmem:s10+$0x1B800] =	vst v35;
	s10 =	smov.u32 s14  }
0x148: {  	v35 =	vld [tilespmem:s10+$0x8030]  }
0x149: {  	v36 =	vld [tilespmem:s10+$0x8850]  }
0x14a: {  	v38 =	vld [tilespmem:s10+$0x9070]  }
0x14b: {  	v37 =	vld [tilespmem:s10+$0x9810]  }
0x14c: {  	v39 =	vld [tilespmem:s10+$0xA030]  }
0x14d: {  	v40 =	vld [tilespmem:s10+$0xA850]  }
.Ltmp0:
0x14e: {  	v42 =	vld [tilespmem:s10+$0xB070];
	(pc) =	sbr.rel @p0 .LBB2_3-.Ltmp0, $4  }
0x14f: {  	v41 =	vld [tilespmem:s10+$0xB810]  }
0x150: {  	v43 =	vld [tilespmem:s10+$0xC030]  }
0x151: {  	v44 =	vld [tilespmem:s10+$0xC850]  }
0x152: {  	s23 =	sadd.s32 $0x200, s23;
	v45 =	vadd.f32 v46, v45;
	v46 =	vadd.f32 v49, v48;
	v47 =	vld [tilespmem:s10+$0xD070]  }
0x153: {  	v48 =	vld [tilespmem:s10+$0x1800]  }
0x154: {  	v26 =	vadd.f32 v27, v26;
	v27 =	vadd.f32 v30, v28;
	v28 =	vld [tilespmem:s10+$0x2020]  }
0x155: {  	v29 =	vadd.f32 v31, v29;
	v31 =	vld [tilespmem:s10+$0xD810]  }
0x156: {  	v63 =	vld [tilespmem:s10+$0xE030]  }
0x157: {  	v49 =	vadd.f32 v39, v37;
	v37 =	vld [tilespmem:s10+$0x2840]  }
0x158: {  	v50 =	vadd.f32 v42, v40;
	v40 =	vld [tilespmem:s10+$0x3060]  }
0x159: {  	v30 =	vadd.f32 v34, v32;
	v32 =	vld [tilespmem:s10+$0x4020]  }
0x15a: {  	v56 =	vld [tilespmem:s10+$0x4840]  }
0x15b: {  	v57 =	vld [tilespmem:s10+$0x5060]  }
0x15c: {  	v58 =	vld [tilespmem:s10+$0x5800]  }
0x15d: {  	v59 =	vld [tilespmem:s10+$0x6020]  }
0x15e: {  	v61 =	vadd.f32 v35, v33;
	v62 =	vadd.f32 v38, v36;
	v60 =	vld [tilespmem:s10+$0x8020]  }
0x15f: {  	v26 =	vadd.f32 v27, v26;
	v27 =	vld [tilespmem:s10+$0x3800]  }
0x160: {  	v29 =	vadd.f32 v30, v29;
	v30 =	vadd.f32 v62, v61;
	v61 =	vld [tilespmem:s10+$0x9060]  }
0x161: {  	v53 =	vadd.f32 v46, v45;
	v51 =	vadd.f32 v43, v41;
	v62 =	vld [tilespmem:s10+$0x9800]  }
0x162: {  	v54 =	vadd.f32 v50, v49;
	v49 =	vld [tilespmem:s10+$0xA840];
	v52 =	vadd.f32 v47, v44  }
0x163: {  	v50 =	vld [tilespmem:s10+$0xB060]  }
0x164: {  	v26 =	vadd.f32 v26, v53;
	v53 =	vld [tilespmem:s10+$0xC840];
	v55 =	vadd.f32 v52, v51  }
0x165: {  	v31 =	vadd.f32 v63, v31;
	v63 =	vld [tilespmem:s10+$0xA020]  }
0x166: {  	v29 =	vadd.f32 v30, v29;
	v51 =	vld [tilespmem:s10+$0xB800];
	v30 =	vadd.f32 v55, v54  }
0x167: {  	v52 =	vld [tilespmem:s10+$0xC020]  }
0x168: {  	v26 =	vadd.f32 v29, v26;
	v55 =	vld [tilespmem:s10+$0xD060];
	v29 =	vadd.f32 v31, v30  }
0x169: {  	v30 =	vld [tilespmem:s10+$0x6840]  }
0x16a: {  	v31 =	vld [tilespmem:s10+$0x7060];
	v26 =	vadd.f32 v29, v26  }
0x16b: {  	v28 =	vadd.f32 v28, v48;
	v37 =	vadd.f32 v40, v37;
	v29 =	vld [tilespmem:s10+$0x7800]  }
0x16c: {  	v27 =	vadd.f32 v32, v27;
	v54 =	vadd.f32 v57, v56;
	[tilespmem:s10+$0x1B810] =	vst v26;
	v26 =	vld [tilespmem:s10+$0x8840]  }
0x16d: {  	v33 =	vadd.f32 v59, v58;
	v28 =	vadd.f32 v37, v28  }
0x16e: {  	v58 =	vld [tilespmem:s10+$0xE020];
	v57 =	vadd.f32 v50, v49;
	v27 =	vadd.f32 v54, v27  }
0x16f: {  	v56 =	vadd.f32 v63, v62;
	v30 =	vadd.f32 v31, v30;
	v31 =	vld [tilespmem:s10+$0xD800]  }
0x170: {  	v59 =	vadd.f32 v52, v51;
	v34 =	vadd.f32 v55, v53  }
0x171: {  	v29 =	vadd.f32 v60, v29;
	v26 =	vadd.f32 v61, v26  }
0x172: {  	v30 =	vadd.f32 v30, v33;
	v60 =	vadd.f32 v34, v59  }
0x173: {  	v26 =	vadd.f32 v26, v29;
	v29 =	vadd.f32 v57, v56  }
0x174: {  	v27 =	vadd.f32 v27, v28;
	v28 =	vadd.f32 v58, v31  }
0x175: {  	v26 =	vadd.f32 v26, v30;
	v29 =	vadd.f32 v60, v29;
	_ =	sdelay $0x1  }
0x176: {  	v26 =	vadd.f32 v26, v27;
	v27 =	vadd.f32 v28, v29;
	_ =	sdelay $0x1  }
0x177: {  	s8 =	sadd.s32 s6, s8;
	v26 =	vadd.f32 v27, v26  }
0x178: {  	s23 =	smin.u32 s13, $0x61;
	s8 =	sshrl.u32 s8, $0x3  }
0x179: {  	s14 =	simm.s32 $0x0;
	s8 =	sadd.s32 s7, s8;
	[tilespmem:s10+$0x1B800] =	vst v26;
	s10 =	sshll.u32 s23, $0xB  }
0x17a: {  	[hbm4b:s8+s14] =	stream.linear.scatter [tilespmem:s17], [sflag:$0x3], $0x800, $0x38;
	[tilespmem:$0x1C000] =	vst v63  }
0x17b: {  	s10 =	sadd.s32 s10, s9;
	_ =	swait.ge [sflag:s11], $0x800  }
0x17c: {  	s10 =	sshrl.u32 s10, $0x3;
	[sflag:s11] =	ssyncset.done $0x0  }
0x17d: {  	s10 =	sadd.s32 s3, s10;
	[sflag:s11] =	ssyncadd.s32 $0xFFFFF800  }
0x17e: {  	[tilespmem:s14], [sflag:$0x3] =	stream.linear.gather [hbm4b:s10+s14], $0x800, $0x38;
	[tilespmem:$0x1C000] =	vst v63  }
0x17f: {  	_ =	swait.ge [sflag:s11], $0x800  }
0x180: {  	[sflag:s11] =	ssyncset.done $0x0  }
0x181: {  	[sflag:s11] =	ssyncadd.s32 $0xFFFFF800  }
0x182: {  	v26 =	vld.idx.msk [tilespmem:v0+s14+$0x0], $0xffff;
	_ =	sdelay $0x4  }
0x183: {  	[tilespmem:$0x800] =	vst v26  }
0x184: {  	v26 =	vld.idx.msk [tilespmem:v1+s14+$0x0], $0xffff;
	_ =	sdelay $0x4  }
0x185: {  	[tilespmem:$0x810] =	vst v26  }
0x186: {  	v26 =	vld.idx.msk [tilespmem:v2+s14+$0x0], $0xffff;
	_ =	sdelay $0x4  }
0x187: {  	[tilespmem:$0x880] =	vst v26  }
0x188: {  	v26 =	vld.idx.msk [tilespmem:v3+s14+$0x0], $0xffff;
	_ =	sdelay $0x4  }
0x189: {  	[tilespmem:$0x890] =	vst v26  }
0x18a: {  	v26 =	vld.idx.msk [tilespmem:v4+s14+$0x0], $0xffff;
	_ =	sdelay $0x4  }
0x18b: {  	v26 =	vadd.s32 $0x19000, v26  }
0x18c: {  	[tilespmem:$0x900] =	vst v26  }
0x18d: {  	v26 =	vld.idx.msk [tilespmem:v5+s14+$0x0], $0xffff;
	_ =	sdelay $0x4  }
0x18e: {  	v26 =	vadd.s32 $0x19000, v26  }
0x18f: {  	[tilespmem:$0x910] =	vst v26  }
0x190: {  	v26 =	vld.idx.msk [tilespmem:v6+s14+$0x0], $0xffff;
	_ =	sdelay $0x4  }
0x191: {  	v26 =	vadd.s32 $0x19000, v26  }
0x192: {  	[tilespmem:$0x980] =	vst v26  }
0x193: {  	v26 =	vld.idx.msk [tilespmem:v7+s14+$0x0], $0xffff;
	_ =	sdelay $0x4  }
0x194: {  	v26 =	vadd.s32 $0x19000, v26  }
0x195: {  	[tilespmem:$0x990] =	vst v26  }
0x196: {  	v26 =	vld.idx.msk [tilespmem:v8+s14+$0x0], $0xffff;
	_ =	sdelay $0x4  }
0x197: {  	v26 =	vadd.s32 $0x32000, v26  }
0x198: {  	[tilespmem:$0xA00] =	vst v26  }
0x199: {  	v26 =	vld.idx.msk [tilespmem:v9+s14+$0x0], $0xffff;
	_ =	sdelay $0x4  }
0x19a: {  	v26 =	vadd.s32 $0x32000, v26  }
0x19b: {  	[tilespmem:$0xA10] =	vst v26  }
0x19c: {  	v26 =	vld.idx.msk [tilespmem:v10+s14+$0x0], $0xffff;
	_ =	sdelay $0x4  }
0x19d: {  	v26 =	vadd.s32 $0x32000, v26  }
0x19e: {  	[tilespmem:$0xA80] =	vst v26  }
0x19f: {  	v26 =	vld.idx.msk [tilespmem:v11+s14+$0x0], $0xffff;
	_ =	sdelay $0x4  }
0x1a0: {  	v26 =	vadd.s32 $0x32000, v26  }
0x1a1: {  	[tilespmem:$0xA90] =	vst v26  }
0x1a2: {  	v26 =	vld.idx.msk [tilespmem:v12+s14+$0x0], $0xffff;
	_ =	sdelay $0x4  }
0x1a3: {  	v26 =	vadd.s32 $0x4B000, v26  }
0x1a4: {  	[tilespmem:$0xB00] =	vst v26  }
0x1a5: {  	v26 =	vld.idx.msk [tilespmem:v13+s14+$0x0], $0xffff;
	_ =	sdelay $0x4  }
0x1a6: {  	v26 =	vadd.s32 $0x4B000, v26  }
0x1a7: {  	[tilespmem:$0xB10] =	vst v26  }
0x1a8: {  	v26 =	vld.idx.msk [tilespmem:v14+s14+$0x0], $0xffff;
	_ =	sdelay $0x4  }
0x1a9: {  	v26 =	vadd.s32 $0x4B000, v26  }
0x1aa: {  	[tilespmem:$0xB80] =	vst v26  }
0x1ab: {  	v26 =	vld.idx.msk [tilespmem:v15+s14+$0x0], $0xffff;
	_ =	sdelay $0x4  }
0x1ac: {  	v26 =	vadd.s32 $0x4B000, v26  }
0x1ad: {  	[tilespmem:$0xB90] =	vst v26  }
0x1ae: {  	v26 =	vld.idx.msk [tilespmem:v16+s14+$0x0], $0xffff;
	_ =	sdelay $0x4  }
0x1af: {  	v26 =	vadd.s32 $0x64000, v26  }
0x1b0: {  	[tilespmem:$0xC00] =	vst v26  }
0x1b1: {  	v26 =	vld.idx.msk [tilespmem:v17+s14+$0x0], $0xffff;
	_ =	sdelay $0x4  }
0x1b2: {  	v26 =	vadd.s32 $0x64000, v26  }
0x1b3: {  	[tilespmem:$0xC10] =	vst v26  }
0x1b4: {  	v26 =	vld.idx.msk [tilespmem:v18+s14+$0x0], $0xffff;
	_ =	sdelay $0x4  }
0x1b5: {  	v26 =	vadd.s32 $0x64000, v26  }
0x1b6: {  	[tilespmem:$0xC80] =	vst v26  }
0x1b7: {  	v26 =	vld.idx.msk [tilespmem:v19+s14+$0x0], $0xffff;
	_ =	sdelay $0x4  }
0x1b8: {  	v26 =	vadd.s32 $0x64000, v26  }
0x1b9: {  	[tilespmem:$0xC90] =	vst v26  }
0x1ba: {  	v26 =	vld.idx.msk [tilespmem:v20+s14+$0x0], $0xffff;
	_ =	sdelay $0x4  }
0x1bb: {  	v26 =	vadd.s32 $0x7D000, v26  }
0x1bc: {  	[tilespmem:$0xD00] =	vst v26  }
0x1bd: {  	v26 =	vld.idx.msk [tilespmem:v21+s14+$0x0], $0xffff;
	_ =	sdelay $0x4  }
0x1be: {  	v26 =	vadd.s32 $0x7D000, v26  }
0x1bf: {  	[tilespmem:$0xD10] =	vst v26  }
0x1c0: {  	v26 =	vld.idx.msk [tilespmem:v22+s14+$0x0], $0xffff;
	_ =	sdelay $0x4  }
0x1c1: {  	v26 =	vadd.s32 $0x7D000, v26  }
0x1c2: {  	[tilespmem:$0xD80] =	vst v26  }
0x1c3: {  	v26 =	vld.idx.msk [tilespmem:v23+s14+$0x0], $0xffff;
	_ =	sdelay $0x4  }
0x1c4: {  	v26 =	vadd.s32 $0x7D000, v26  }
0x1c5: {  	[tilespmem:$0xD90] =	vst v26  }
0x1c6: {  	v26 =	vld.idx.msk [tilespmem:v24+s14+$0x0], $0xffff;
	_ =	sdelay $0x4  }
0x1c7: {  	[tilespmem:$0xE00] =	vst v26  }
0x1c8: {  	v26 =	vld.idx.msk [tilespmem:v25+s14+$0x0], $0xffff;
	_ =	sdelay $0x4  }
0x1c9: {  	s13 =	simm.s32 $0x1800;
	s10 =	simm.s32 $0x800;
	[tilespmem:$0xE10] =	vst v26  }
0x1ca: {  	[tilespmem:s13], [sflag:$0x1] =	stream.indirect.gather [hbm4b:s4+s12], $0x80, s10, s12, $0xb8;
	[tilespmem:$0x1C000] =	vst v63  }
0x1cb: {  	s23 =	simm.s32 $0x2800;
	s14 =	simm.s32 $0x880  }
0x1cc: {  	[tilespmem:s23], [sflag:$0x1] =	stream.indirect.gather [hbm4b:s4+s12], $0x80, s14, s12, $0xb8;
	[tilespmem:$0x1C000] =	vst v63  }
0x1cd: {  	s10 =	simm.s32 $0x900;
	s13 =	simm.s32 $0x3800  }
0x1ce: {  	[tilespmem:s13], [sflag:$0x1] =	stream.indirect.gather [hbm4b:s4+s12], $0x80, s10, s12, $0xb8;
	[tilespmem:$0x1C000] =	vst v63  }
0x1cf: {  	s14 =	simm.s32 $0x980;
	s23 =	simm.s32 $0x4800  }
0x1d0: {  	[tilespmem:s23], [sflag:$0x1] =	stream.indirect.gather [hbm4b:s4+s12], $0x80, s14, s12, $0xb8;
	[tilespmem:$0x1C000] =	vst v63  }
0x1d1: {  	s10 =	simm.s32 $0xA00;
	s13 =	simm.s32 $0x5800  }
0x1d2: {  	[tilespmem:s13], [sflag:$0x1] =	stream.indirect.gather [hbm4b:s4+s12], $0x80, s10, s12, $0xb8;
	[tilespmem:$0x1C000] =	vst v63  }
0x1d3: {  	s14 =	simm.s32 $0xA80;
	s23 =	simm.s32 $0x6800  }
0x1d4: {  	[tilespmem:s23], [sflag:$0x1] =	stream.indirect.gather [hbm4b:s4+s12], $0x80, s14, s12, $0xb8;
	[tilespmem:$0x1C000] =	vst v63  }
0x1d5: {  	s10 =	simm.s32 $0xB00;
	s13 =	simm.s32 $0x7800  }
0x1d6: {  	[tilespmem:s13], [sflag:$0x1] =	stream.indirect.gather [hbm4b:s4+s12], $0x80, s10, s12, $0xb8;
	[tilespmem:$0x1C000] =	vst v63  }
0x1d7: {  	s14 =	simm.s32 $0xB80;
	s23 =	simm.s32 $0x8800  }
0x1d8: {  	[tilespmem:s23], [sflag:$0x1] =	stream.indirect.gather [hbm4b:s4+s12], $0x80, s14, s12, $0xb8;
	[tilespmem:$0x1C000] =	vst v63  }
0x1d9: {  	s10 =	simm.s32 $0xC00;
	s13 =	simm.s32 $0x9800  }
0x1da: {  	[tilespmem:s13], [sflag:$0x1] =	stream.indirect.gather [hbm4b:s4+s12], $0x80, s10, s12, $0xb8;
	[tilespmem:$0x1C000] =	vst v63  }
0x1db: {  	s14 =	simm.s32 $0xC80;
	s23 =	simm.s32 $0xA800  }
0x1dc: {  	[tilespmem:s23], [sflag:$0x1] =	stream.indirect.gather [hbm4b:s4+s12], $0x80, s14, s12, $0xb8;
	[tilespmem:$0x1C000] =	vst v63  }
0x1dd: {  	s10 =	simm.s32 $0xD00;
	s13 =	simm.s32 $0xB800  }
0x1de: {  	[tilespmem:s13], [sflag:$0x1] =	stream.indirect.gather [hbm4b:s4+s12], $0x80, s10, s12, $0xb8;
	[tilespmem:$0x1C000] =	vst v63  }
0x1df: {  	s14 =	simm.s32 $0xD80;
	s23 =	simm.s32 $0xC800  }
0x1e0: {  	[tilespmem:s23], [sflag:$0x1] =	stream.indirect.gather [hbm4b:s4+s12], $0x80, s14, s12, $0xb8;
	[tilespmem:$0x1C000] =	vst v63  }
0x1e1: {  	_ = 	snop  }
0x1e2: {  	[tilespmem:s16], [sflag:$0x1] =	stream.indirect.gather [hbm4b:s5+s12], $0x80, s15, s12, $0xb8;
	[tilespmem:$0x1C000] =	vst v63  }
0x1e3: {  	_ =	swait.ge [sflag:s1], $0x1000  }
0x1e4: {  	[sflag:s1] =	ssyncset.done $0x0  }
0x1e5: {  	[sflag:s1] =	ssyncadd.s32 $0xFFFFF000  }
0x1e6: {  	_ =	swait.ge [sflag:s1], $0x1000  }
0x1e7: {  	[sflag:s1] =	ssyncset.done $0x0  }
0x1e8: {  	[sflag:s1] =	ssyncadd.s32 $0xFFFFF000  }
0x1e9: {  	_ =	swait.ge [sflag:s1], $0x1000  }
0x1ea: {  	[sflag:s1] =	ssyncset.done $0x0  }
0x1eb: {  	[sflag:s1] =	ssyncadd.s32 $0xFFFFF000  }
0x1ec: {  	_ =	swait.ge [sflag:s1], $0x1000  }
0x1ed: {  	[sflag:s1] =	ssyncset.done $0x0  }
0x1ee: {  	[sflag:s1] =	ssyncadd.s32 $0xFFFFF000  }
0x1ef: {  	_ =	swait.ge [sflag:s1], $0x1000  }
0x1f0: {  	[sflag:s1] =	ssyncset.done $0x0  }
0x1f1: {  	[sflag:s1] =	ssyncadd.s32 $0xFFFFF000  }
0x1f2: {  	_ =	swait.ge [sflag:s1], $0x1000  }
0x1f3: {  	[sflag:s1] =	ssyncset.done $0x0  }
0x1f4: {  	[sflag:s1] =	ssyncadd.s32 $0xFFFFF000  }
0x1f5: {  	_ =	swait.ge [sflag:s1], $0x1000  }
0x1f6: {  	[sflag:s1] =	ssyncset.done $0x0  }
0x1f7: {  	[sflag:s1] =	ssyncadd.s32 $0xFFFFF000  }
0x1f8: {  	_ =	swait.ge [sflag:s1], $0x1000  }
0x1f9: {  	[sflag:s1] =	ssyncset.done $0x0  }
0x1fa: {  	[sflag:s1] =	ssyncadd.s32 $0xFFFFF000  }
0x1fb: {  	_ =	swait.ge [sflag:s1], $0x1000  }
0x1fc: {  	[sflag:s1] =	ssyncset.done $0x0  }
0x1fd: {  	[sflag:s1] =	ssyncadd.s32 $0xFFFFF000  }
0x1fe: {  	_ =	swait.ge [sflag:s1], $0x1000  }
0x1ff: {  	[sflag:s1] =	ssyncset.done $0x0  }
0x200: {  	[sflag:s1] =	ssyncadd.s32 $0xFFFFF000  }
0x201: {  	_ =	swait.ge [sflag:s1], $0x1000  }
0x202: {  	[sflag:s1] =	ssyncset.done $0x0  }
0x203: {  	[sflag:s1] =	ssyncadd.s32 $0xFFFFF000  }
0x204: {  	_ =	swait.ge [sflag:s1], $0x1000  }
0x205: {  	[sflag:s1] =	ssyncset.done $0x0  }
0x206: {  	[sflag:s1] =	ssyncadd.s32 $0xFFFFF000  }
0x207: {  	_ =	swait.ge [sflag:s1], $0x1000  }
0x208: {  	[sflag:s1] =	ssyncset.done $0x0  }
0x209: {  	s8 =	simm.s32 $0x0;
	[sflag:s1] =	ssyncadd.s32 $0xFFFFF000  }
0x20a: {  	v61 =	vld [tilespmem:s8+$0xE810]  }
0x20b: {  	v62 =	vld [tilespmem:s8+$0xF030]  }
0x20c: {  	v63 =	vld [tilespmem:s8+$0xF850]  }
0x20d: {  	v49 =	vld [tilespmem:s8+$0x10070]  }
0x20e: {  	v26 =	vld [tilespmem:s8+$0x10810]  }
0x20f: {  	v27 =	vld [tilespmem:s8+$0x11030]  }
0x210: {  	v28 =	vld [tilespmem:s8+$0x11850]  }
0x211: {  	v30 =	vld [tilespmem:s8+$0x12070]  }
0x212: {  	v29 =	vld [tilespmem:s8+$0x12810]  }
0x213: {  	v31 =	vld [tilespmem:s8+$0x13030]  }
0x214: {  	v32 =	vld [tilespmem:s8+$0x13850]  }
0x215: {  	v34 =	vld [tilespmem:s8+$0x14070]  }
0x216: {  	v33 =	vld [tilespmem:s8+$0x14810]  }
0x217: {  	v35 =	vld [tilespmem:s8+$0x15030]  }
0x218: {  	v36 =	vld [tilespmem:s8+$0x15850]  }
0x219: {  	v38 =	vld [tilespmem:s8+$0x16070]  }
0x21a: {  	v37 =	vld [tilespmem:s8+$0x16810]  }
0x21b: {  	v39 =	vld [tilespmem:s8+$0x17030]  }
0x21c: {  	v40 =	vld [tilespmem:s8+$0x17850]  }
0x21d: {  	v42 =	vld [tilespmem:s8+$0x18070]  }
0x21e: {  	v41 =	vld [tilespmem:s8+$0x18810]  }
0x21f: {  	v43 =	vld [tilespmem:s8+$0x19030]  }
0x220: {  	v44 =	vld [tilespmem:s8+$0x19850]  }
0x221: {  	s10 =	simm.s32 $0x200;
	v47 =	vld [tilespmem:s8+$0x1A070];
	v45 =	vadd.f32 v62, v61;
	v46 =	vadd.f32 v49, v63  }
.LBB2_5:
0x222: {  	p0 =	sne.s32 s10, $0x1E00;
	v48 =	vld [tilespmem:s8+$0xE800];
	v26 =	vadd.f32 v27, v26;
	v27 =	vadd.f32 v30, v28  }
0x223: {  	v29 =	vadd.f32 v31, v29;
	v30 =	vadd.f32 v34, v32;
	v28 =	vld [tilespmem:s8+$0xF020]  }
0x224: {  	v32 =	vadd.f32 v35, v33;
	v33 =	vadd.f32 v38, v36;
	v31 =	vld [tilespmem:s8+$0x1A810]  }
0x225: {  	v35 =	vadd.f32 v39, v37;
	v36 =	vadd.f32 v42, v40;
	v34 =	vld [tilespmem:s8+$0x1B030]  }
0x226: {  	v38 =	vadd.f32 v43, v41;
	v37 =	vld [tilespmem:s8+$0xF840];
	v39 =	vadd.f32 v47, v44  }
0x227: {  	v41 =	vadd.f32 v46, v45;
	v26 =	vadd.f32 v27, v26;
	v40 =	vld [tilespmem:s8+$0x10060]  }
0x228: {  	v29 =	vadd.f32 v30, v29;
	v30 =	vadd.f32 v33, v32;
	v27 =	vld [tilespmem:s8+$0x10800]  }
0x229: {  	v33 =	vadd.f32 v36, v35;
	v35 =	vadd.f32 v39, v38;
	v32 =	vld [tilespmem:s8+$0x11020]  }
0x22a: {  	v26 =	vadd.f32 v26, v41;
	v36 =	vld [tilespmem:s8+$0x11840];
	v31 =	vadd.f32 v34, v31  }
0x22b: {  	v29 =	vadd.f32 v30, v29;
	v30 =	vadd.f32 v35, v33;
	v34 =	vld [tilespmem:s8+$0x12060]  }
0x22c: {  	v28 =	vadd.f32 v28, v48;
	v33 =	vld [tilespmem:s8+$0x12800];
	v35 =	vadd.f32 v40, v37  }
0x22d: {  	v26 =	vadd.f32 v29, v26;
	v29 =	vadd.f32 v31, v30;
	v37 =	vld [tilespmem:s8+$0x13020]  }
0x22e: {  	v30 =	vld [tilespmem:s8+$0x13840];
	v27 =	vadd.f32 v32, v27;
	v28 =	vadd.f32 v35, v28  }
0x22f: {  	v26 =	vadd.f32 v29, v26;
	v31 =	vld [tilespmem:s8+$0x14060]  }
0x230: {  	v29 =	vld [tilespmem:s8+$0x14800];
	v32 =	vadd.f32 v34, v36  }
0x231: {  	v34 =	vld [tilespmem:s8+$0x15020];
	[tilespmem:s8+$0x1B810] =	vst v26  }
0x232: {  	v26 =	vld [tilespmem:s8+$0x15840];
	v33 =	vadd.f32 v37, v33;
	v27 =	vadd.f32 v32, v27  }
0x233: {  	v32 =	vld [tilespmem:s8+$0x16060]  }
0x234: {  	v35 =	vld [tilespmem:s8+$0x16800];
	v30 =	vadd.f32 v31, v30;
	v27 =	vadd.f32 v27, v28  }
0x235: {  	v28 =	vld [tilespmem:s8+$0x17020]  }
0x236: {  	v31 =	vld [tilespmem:s8+$0x17840];
	v29 =	vadd.f32 v34, v29;
	v30 =	vadd.f32 v30, v33  }
0x237: {  	v33 =	vld [tilespmem:s8+$0x18060]  }
0x238: {  	v34 =	vld [tilespmem:s8+$0x18800];
	v26 =	vadd.f32 v32, v26  }
0x239: {  	v32 =	vld [tilespmem:s8+$0x19020]  }
0x23a: {  	v36 =	vld [tilespmem:s8+$0x19840];
	v28 =	vadd.f32 v28, v35;
	v26 =	vadd.f32 v26, v29  }
0x23b: {  	v29 =	vld [tilespmem:s8+$0x1A060]  }
0x23c: {  	v35 =	vld [tilespmem:s8+$0x1A800];
	v31 =	vadd.f32 v33, v31;
	v26 =	vadd.f32 v26, v30  }
0x23d: {  	s13 =	sshra.s32 s10, $0x2;
	v30 =	vld [tilespmem:s8+$0x1B020]  }
0x23e: {  	v45 =	vld [tilespmem:s13+$0xE810];
	v32 =	vadd.f32 v32, v34;
	v31 =	vadd.f32 v31, v28  }
0x23f: {  	v33 =	vadd.f32 v26, v27;
	v46 =	vld [tilespmem:s13+$0xF030]  }
0x240: {  	v48 =	vld [tilespmem:s13+$0xF850];
	v27 =	vadd.f32 v29, v36  }
0x241: {  	v49 =	vld [tilespmem:s13+$0x10070]  }
0x242: {  	v26 =	vld [tilespmem:s13+$0x10810];
	v34 =	vadd.f32 v30, v35;
	v29 =	vadd.f32 v27, v32  }
0x243: {  	v27 =	vld [tilespmem:s13+$0x11030]  }
0x244: {  	v28 =	vld [tilespmem:s13+$0x11850];
	v31 =	vadd.f32 v29, v31  }
0x245: {  	v30 =	vld [tilespmem:s13+$0x12070]  }
0x246: {  	v29 =	vld [tilespmem:s13+$0x12810];
	v34 =	vadd.f32 v34, v31  }
0x247: {  	v31 =	vld [tilespmem:s13+$0x13030]  }
0x248: {  	v32 =	vld [tilespmem:s13+$0x13850];
	v35 =	vadd.f32 v34, v33  }
0x249: {  	v34 =	vld [tilespmem:s13+$0x14070]  }
0x24a: {  	v33 =	vld [tilespmem:s13+$0x14810];
	[tilespmem:s8+$0x1B800] =	vst v35;
	s8 =	smov.u32 s13  }
0x24b: {  	v35 =	vld [tilespmem:s8+$0x15030]  }
0x24c: {  	v36 =	vld [tilespmem:s8+$0x15850]  }
0x24d: {  	v38 =	vld [tilespmem:s8+$0x16070]  }
0x24e: {  	v37 =	vld [tilespmem:s8+$0x16810]  }
0x24f: {  	v39 =	vld [tilespmem:s8+$0x17030]  }
0x250: {  	v40 =	vld [tilespmem:s8+$0x17850]  }
.Ltmp1:
0x251: {  	v42 =	vld [tilespmem:s8+$0x18070];
	(pc) =	sbr.rel @p0 .LBB2_5-.Ltmp1, $4  }
0x252: {  	v41 =	vld [tilespmem:s8+$0x18810]  }
0x253: {  	v43 =	vld [tilespmem:s8+$0x19030]  }
0x254: {  	v44 =	vld [tilespmem:s8+$0x19850]  }
0x255: {  	s10 =	sadd.s32 $0x200, s10;
	v45 =	vadd.f32 v46, v45;
	v46 =	vadd.f32 v49, v48;
	v47 =	vld [tilespmem:s8+$0x1A070]  }
0x256: {  	v48 =	vld [tilespmem:s8+$0xE800]  }
0x257: {  	v26 =	vadd.f32 v27, v26;
	v27 =	vadd.f32 v30, v28;
	v28 =	vld [tilespmem:s8+$0xF020]  }
0x258: {  	v57 =	vld [tilespmem:s8+$0x1A810]  }
0x259: {  	v60 =	vld [tilespmem:s8+$0x1B030]  }
0x25a: {  	v61 =	vadd.f32 v39, v37;
	v37 =	vld [tilespmem:s8+$0xF840]  }
0x25b: {  	v62 =	vadd.f32 v42, v40;
	v40 =	vld [tilespmem:s8+$0x10060]  }
0x25c: {  	v56 =	vadd.f32 v34, v32;
	v32 =	vld [tilespmem:s8+$0x11020]  }
0x25d: {  	v59 =	vadd.f32 v38, v36;
	v36 =	vld [tilespmem:s8+$0x11840]  }
0x25e: {  	v54 =	vld [tilespmem:s8+$0x12060]  }
0x25f: {  	v58 =	vadd.f32 v35, v33;
	v33 =	vld [tilespmem:s8+$0x12800]  }
0x260: {  	v35 =	vld [tilespmem:s8+$0x13020]  }
0x261: {  	v26 =	vadd.f32 v27, v26;
	v27 =	vld [tilespmem:s8+$0x10800]  }
0x262: {  	v51 =	vadd.f32 v59, v58;
	v58 =	vld [tilespmem:s8+$0x14060]  }
0x263: {  	v29 =	vadd.f32 v31, v29;
	v50 =	vadd.f32 v46, v45;
	v59 =	vld [tilespmem:s8+$0x14800]  }
0x264: {  	v63 =	vadd.f32 v43, v41;
	v52 =	vadd.f32 v62, v61;
	v61 =	vld [tilespmem:s8+$0x16060]  }
0x265: {  	v29 =	vadd.f32 v56, v29;
	v62 =	vld [tilespmem:s8+$0x16800];
	v49 =	vadd.f32 v47, v44  }
0x266: {  	v26 =	vadd.f32 v26, v50;
	v50 =	vld [tilespmem:s8+$0x18060]  }
0x267: {  	v29 =	vadd.f32 v51, v29;
	v51 =	vld [tilespmem:s8+$0x18800];
	v53 =	vadd.f32 v49, v63  }
0x268: {  	v31 =	vadd.f32 v60, v57;
	v57 =	vld [tilespmem:s8+$0x13840]  }
0x269: {  	v60 =	vld [tilespmem:s8+$0x15020];
	v55 =	vadd.f32 v53, v52  }
0x26a: {  	v63 =	vld [tilespmem:s8+$0x17020]  }
0x26b: {  	v26 =	vadd.f32 v29, v26;
	v49 =	vld [tilespmem:s8+$0x17840];
	v56 =	vadd.f32 v31, v55  }
0x26c: {  	v52 =	vld [tilespmem:s8+$0x19020]  }
0x26d: {  	v53 =	vld [tilespmem:s8+$0x19840];
	v26 =	vadd.f32 v56, v26  }
0x26e: {  	v28 =	vadd.f32 v28, v48;
	v37 =	vadd.f32 v40, v37;
	v55 =	vld [tilespmem:s8+$0x1A060]  }
0x26f: {  	v54 =	vadd.f32 v54, v36;
	v27 =	vadd.f32 v32, v27;
	[tilespmem:s8+$0x1B810] =	vst v26;
	v26 =	vld [tilespmem:s8+$0x15840]  }
0x270: {  	v33 =	vadd.f32 v35, v33;
	v28 =	vadd.f32 v37, v28  }
0x271: {  	v27 =	vadd.f32 v54, v27;
	v29 =	vadd.f32 v60, v59;
	v59 =	vld [tilespmem:s8+$0x1B020]  }
0x272: {  	v30 =	vadd.f32 v58, v57;
	v57 =	vadd.f32 v63, v62;
	v56 =	vld [tilespmem:s8+$0x1A800]  }
0x273: {  	v60 =	vadd.f32 v52, v51;
	v34 =	vadd.f32 v55, v53  }
0x274: {  	v58 =	vadd.f32 v50, v49;
	v26 =	vadd.f32 v61, v26  }
0x275: {  	v30 =	vadd.f32 v30, v33;
	v62 =	vadd.f32 v34, v60  }
0x276: {  	v61 =	vadd.f32 v58, v57;
	v26 =	vadd.f32 v26, v29  }
0x277: {  	v27 =	vadd.f32 v27, v28;
	v63 =	vadd.f32 v59, v56  }
0x278: {  	v29 =	vadd.f32 v62, v61;
	v26 =	vadd.f32 v26, v30;
	_ =	sdelay $0x1  }
0x279: {  	v26 =	vadd.f32 v26, v27;
	v27 =	vadd.f32 v63, v29;
	_ =	sdelay $0x1  }
0x27a: {  	s21 =	sadd.s32 $0x1, s21;
	v26 =	vadd.f32 v27, v26  }
0x27b: {  	p0 =	sne.s32 s21, $0x32  }
.Ltmp2:
0x27c: {  	s23 =	sadd.s32 s7, s22;
	[tilespmem:s8+$0x1B800] =	vst v26;
	(pc) =	sbr.rel @p0 .LBB2_2-.Ltmp2, $4  }
0x27d: {  	[hbm4b:s23+s2] =	stream.linear.scatter [tilespmem:s17], [sflag:$0x3], $0x800, $0x38;
	[tilespmem:$0x1C000] =	vst v63  }
0x27e: {  	_ =	swait.ge [sflag:s11], $0x800  }
0x27f: {  	[sflag:s11] =	ssyncset.done $0x0  }
0x280: {  	[sflag:s11] =	ssyncadd.s32 $0xFFFFF800  }
0x281: {  	_ =	swait.ge [sflag:s0], $0x1000  }
0x282: {  	[sflag:s0] =	ssyncset.done $0x0  }
0x283: {  	[sflag:s0] =	ssyncadd.s32 $0xFFFFF000  }
0x284: {  	_ =	swait.ge [sflag:s0], $0x1000  }
0x285: {  	[sflag:s0] =	ssyncset.done $0x0  }
0x286: {  	[sflag:s0] =	ssyncadd.s32 $0xFFFFF000  }
0x287: {  	_ =	swait.ge [sflag:s0], $0x1000  }
0x288: {  	[sflag:s0] =	ssyncset.done $0x0  }
0x289: {  	[sflag:s0] =	ssyncadd.s32 $0xFFFFF000  }
0x28a: {  	_ =	swait.ge [sflag:s0], $0x1000  }
0x28b: {  	[sflag:s0] =	ssyncset.done $0x0  }
0x28c: {  	[sflag:s0] =	ssyncadd.s32 $0xFFFFF000  }
0x28d: {  	_ =	swait.ge [sflag:s0], $0x1000  }
0x28e: {  	[sflag:s0] =	ssyncset.done $0x0  }
0x28f: {  	[sflag:s0] =	ssyncadd.s32 $0xFFFFF000  }
0x290: {  	_ =	swait.ge [sflag:s0], $0x1000  }
0x291: {  	[sflag:s0] =	ssyncset.done $0x0  }
0x292: {  	[sflag:s0] =	ssyncadd.s32 $0xFFFFF000  }
0x293: {  	_ =	swait.ge [sflag:s0], $0x1000  }
0x294: {  	[sflag:s0] =	ssyncset.done $0x0  }
0x295: {  	[sflag:s0] =	ssyncadd.s32 $0xFFFFF000  }
0x296: {  	_ =	swait.ge [sflag:s0], $0x1000  }
0x297: {  	[sflag:s0] =	ssyncset.done $0x0  }
0x298: {  	[sflag:s0] =	ssyncadd.s32 $0xFFFFF000  }
0x299: {  	_ =	swait.ge [sflag:s0], $0x1000  }
0x29a: {  	[sflag:s0] =	ssyncset.done $0x0  }
0x29b: {  	[sflag:s0] =	ssyncadd.s32 $0xFFFFF000  }
0x29c: {  	_ =	swait.ge [sflag:s0], $0x1000  }
0x29d: {  	[sflag:s0] =	ssyncset.done $0x0  }
0x29e: {  	[sflag:s0] =	ssyncadd.s32 $0xFFFFF000  }
0x29f: {  	_ =	swait.ge [sflag:s0], $0x1000  }
0x2a0: {  	[sflag:s0] =	ssyncset.done $0x0  }
0x2a1: {  	[sflag:s0] =	ssyncadd.s32 $0xFFFFF000  }
0x2a2: {  	_ =	swait.ge [sflag:s0], $0x1000  }
0x2a3: {  	[sflag:s0] =	ssyncset.done $0x0  }
0x2a4: {  	[sflag:s0] =	ssyncadd.s32 $0xFFFFF000  }
0x2a5: {  	_ =	swait.ge [sflag:s0], $0x1000  }
0x2a6: {  	s10 =	rddreg [dreg:$0x4]  }
0x2a7: {  	s8 =	rddreg [dreg:$0x3];
	s10 =	sadd.s32 $0x1, s10  }
0x2a8: {  	p0 =	sne.s32 s10, s8  }
.Ltmp3:
0x2a9: {  	_ = 	snop;
	(pc) =	sbr.rel @p0 .LBB2_1-.Ltmp3, $3  }
0x2aa: {  	_ =	sdelay $0x1  }
0x2ab: {  	[sflag:s0] =	ssyncset.done $0x0  }
0x2ac: {  	[sflag:s0] =	ssyncadd.s32 $0xFFFFF000  }
0x2ad: {  	_ =	sfence.sel $0x180000  }
0x2ae: {  	[bflag:$0x0] =	sbarrier.arrive $0xFFFF  }
0x2af: {  	_ =	strace $0x90000047  }
0x2b0: {  	s0 =	stileid.u32;
	[bflag:$0x2] =	sbarrier.arrive $0xFFFF  }
0x2b1: {  	p0 =	sne.s32 s0, $0x0;
	s0 =	rddreg [dreg:$0x1]  }
0x2b2: {  	s0 =	sadd.s32 @!p0 $0x100000, s0  }
0x2b3: {  	[sflag:s0] =	ssyncadd.tile.s32 @!p0 $0x1;
	_ =	shalt  }
.Lfunc_end2:
_tile_overlayer_lowered:
.L_overlay_start_2:
0x2b4: {  	(tag) =	ssettag $0x2  }
0x2b5: {  	s0 =	rddreg [dreg:$0x0];
	s2 =	stileid.u32  }
0x2b6: {  	s1 =	rddreg [dreg:$0x1];
	p0 =	sne.s32 s2, $0x0  }
0x2b7: {  	s3 =	rddreg [dreg:$0x2];
	[bflag:$0x3] =	sbarrier.arrive $0xFFFF;
	s2 =	simm.s32 @!p0 $0x1C03  }
0x2b8: {  	[timem:s3], [sflag:s2] =	dma.local @!p0 [hbm:s0], s1  }
0x2b9: {  	s0 =	simm.s32 @!p0 $0x3  }
0x2ba: {  	_ =	swait.ge @!p0 [sflag:s0], s1  }
0x2bb: {  	s1 =	ssub.s32 @!p0 $0x0, s1;
	[sflag:s0] =	ssyncset.done @!p0 $0x0  }
0x2bc: {  	[sflag:s0] =	ssyncadd.s32 @!p0 s1  }
0x2bd: {  	[bflag:$0x3] =	sbarrier.arrive $0xFFFF  }
0x2be: {  	_ =	shalt  }

</sc_bundles>
